<compile_context>
chip_gen: v7x
topology: tpu7x:2x2x1
jax: 0.10.2.dev20260603
libtpu: 0.0.44.dev20260713+nightly
codegen_flags: <defaults>
</compile_context>

<pallas_src>
import functools

import jax
import jax.numpy as jnp
from jax import lax
from jax.experimental import pallas as pl
from jax.experimental.pallas import tpu as pltpu
from jax.experimental.pallas import tpu_sc as plsc

_N = 10000
_E = 320000
_BD = 128
_AD = 384
_H = 128
_C = 2
_G = 64

_NC = 2
_NS = 16
_NW = _NC * _NS
_EPW = _E // _NW
_K = 128
_NCH = 80
_PADE = _NCH * _K - _EPW
_NP1 = 10240
_NPH = 10112
_RPT = _NPH // _NS


def _sc_mesh():
    return plsc.VectorSubcoreMesh(core_axis_name="c", subcore_axis_name="s",
                                  num_cores=_NC, num_subcores=_NS)


def _sc_degree(dstp):
    @functools.partial(
        pl.kernel,
        out_type=jax.ShapeDtypeStruct((_NC, _NP1), jnp.float32),
        mesh=_sc_mesh(),
        scratch_types=[
            pltpu.VMEM((_NCH, _K), jnp.int32),
            pltpu.VMEM((_K,), jnp.float32),
            pltpu.VMEM((128,), jnp.float32),
            pltpu.VMEM_SHARED((_NP1,), jnp.float32),
            pltpu.SemaphoreType.DMA,
        ],
    )
    def k(dstp_hbm, out_hbm, didx, ones_v, zero_v, acc, sem):
        c = lax.axis_index("c")
        s = lax.axis_index("s")
        wid = c * _NS + s
        pltpu.sync_copy(dstp_hbm.at[wid], didx)

        @pl.loop(0, _K, step=16)
        def _(i):
            ones_v[pl.ds(i, 16)] = jnp.full((16,), 1.0, jnp.float32)

        @pl.loop(0, 128, step=16)
        def _(i):
            zero_v[pl.ds(i, 16)] = jnp.zeros((16,), jnp.float32)

        z0 = s * (_NP1 // _NS)
        for off in range(0, _NP1 // _NS, 128):
            pltpu.sync_copy(zero_v, acc.at[pl.ds(z0 + off, 128)])
        plsc.subcore_barrier()

        @pl.loop(0, _NCH)
        def _(j):
            pltpu.async_copy(ones_v, acc.at[didx.at[j]], sem, add=True)

        @pl.loop(0, _NCH)
        def _(j):
            pltpu.make_async_copy(ones_v, acc.at[didx.at[0]], sem).wait()

        plsc.subcore_barrier()
        nper = _NP1 // _NS
        pltpu.sync_copy(acc.at[pl.ds(s * nper, nper)],
                        out_hbm.at[c, pl.ds(s * nper, nper)])

    return k(dstp)


def _sc_conv(hs, comb):
    @functools.partial(
        pl.kernel,
        out_type=jax.ShapeDtypeStruct((_NC, _NPH, _H), jnp.float32),
        mesh=_sc_mesh(),
        scratch_types=[
            pltpu.VMEM((4, 2, _K), jnp.int32),
            pltpu.VMEM((_K, _H), jnp.float32),
            pltpu.VMEM((_K, _H), jnp.float32),
            pltpu.VMEM_SHARED((_NPH, _H), jnp.float32),
            [pltpu.SemaphoreType.DMA] * 4,
            [pltpu.SemaphoreType.DMA] * 2,
        ],
    )
    def k(hs_hbm, comb_hbm, out_hbm, ring, rows0, rows1, acc, sis, sgs):
        c = lax.axis_index("c")
        s = lax.axis_index("s")
        wid = c * _NS + s
        rows = (rows0, rows1)

        def wait_idx(r):
            pltpu.make_async_copy(comb_hbm.at[wid, 0], ring.at[r],
                                  sis[r]).wait()

        def wait_rows(b):
            pltpu.make_async_copy(hs_hbm.at[ring.at[0, 0]], rows[b],
                                  sgs[b]).wait()

        def stage(m, k, do_gather=True, do_idx=True):
            if do_gather:
                wait_idx((k + 1) % 4)
                pltpu.async_copy(hs_hbm.at[ring.at[(k + 1) % 4, 0]],
                                 rows[(k + 1) % 2], sgs[(k + 1) % 2])
            wait_rows(k % 2)
            pltpu.sync_copy(rows[k % 2], acc.at[ring.at[k % 4, 1]], add=True)
            if do_idx:
                pltpu.async_copy(comb_hbm.at[wid, m + 4], ring.at[k % 4],
                                 sis[k % 4])

        for r in range(4):
            pltpu.async_copy(comb_hbm.at[wid, r], ring.at[r], sis[r])

        @pl.loop(0, _K)
        def _(i):
            for kk in range(_H // 16):
                rows1[i, pl.ds(kk * 16, 16)] = jnp.zeros((16,), jnp.float32)

        wait_idx(0)
        pltpu.async_copy(hs_hbm.at[ring.at[0, 0]], rows0, sgs[0])

        z0 = s * _RPT
        nfull = _RPT // _K
        for off in range(0, nfull * _K, _K):
            pltpu.sync_copy(rows1, acc.at[pl.ds(z0 + off, _K)])
        rem = _RPT - nfull * _K
        if rem:
            pltpu.sync_copy(rows1.at[pl.ds(0, rem)],
                            acc.at[pl.ds(z0 + nfull * _K, rem)])
        plsc.subcore_barrier()

        @pl.loop(0, _NCH - 4, step=4)
        def _(j):
            stage(j + 0, 0)
            stage(j + 1, 1)
            stage(j + 2, 2)
            stage(j + 3, 3)

        stage(_NCH - 4, _NCH - 4, do_idx=False)
        stage(_NCH - 3, _NCH - 3, do_idx=False)
        stage(_NCH - 2, _NCH - 2, do_idx=False)
        stage(_NCH - 1, _NCH - 1, do_gather=False, do_idx=False)

        plsc.subcore_barrier()
        pltpu.sync_copy(acc.at[pl.ds(s * _RPT, _RPT)],
                        out_hbm.at[c, pl.ds(s * _RPT, _RPT)])

    return k(hs, comb)


def _dinv_bcast(dinv_row):
    ones_row = jnp.ones((1, _H), jnp.float32)
    return lax.dot_general(dinv_row, ones_row,
                           dimension_numbers=(((0,), (0,)), ((), ())),
                           preferred_element_type=jnp.float32)


def _tc_prep(x, x_aug, w_fuse, b_fuse, deg_parts, w1):
    def body(x_ref, xa_ref, wf_ref, bf_ref, dp_ref, w1_ref,
             hs_ref, dinv_ref):
        h = jnp.dot(x_ref[...], wf_ref[:_BD, :],
                    preferred_element_type=jnp.float32)
        h = h + jnp.dot(xa_ref[...], wf_ref[_BD:, :],
                        preferred_element_type=jnp.float32)
        h0 = jnp.maximum(h + bf_ref[...], 0.0)
        deg = dp_ref[0:1, :_N] + dp_ref[1:2, :_N] + 1.0
        dinv = lax.rsqrt(deg)
        dinv_ref[...] = dinv
        dinv_b = _dinv_bcast(dinv)
        hw = jnp.dot(h0, w1_ref[...], preferred_element_type=jnp.float32)
        hs_ref[...] = dinv_b * hw

    return pl.pallas_call(
        body,
        out_shape=(jax.ShapeDtypeStruct((_N, _H), jnp.float32),
                   jax.ShapeDtypeStruct((1, _N), jnp.float32)),
    )(x, x_aug, w_fuse, b_fuse.reshape(1, _H), deg_parts, w1)


def _tc_mid(accp, hs, dinv_row, b, g, be, w_next):
    def body(ap_ref, hs_ref, dv_ref, b_ref, g_ref, be_ref, wn_ref, o_ref):
        dinv_b = _dinv_bcast(dv_ref[...])
        acc = ap_ref[0, :_N, :] + ap_ref[1, :_N, :]
        pre = dinv_b * (acc + hs_ref[...]) + b_ref[...]
        m = jnp.mean(pre, axis=0, keepdims=True)
        d = pre - m
        v = jnp.mean(d * d, axis=0, keepdims=True)
        h1 = d / jnp.sqrt(v + 1e-5) * g_ref[...] + be_ref[...]
        h1 = jnp.maximum(h1, 0.0)
        hw = jnp.dot(h1, wn_ref[...], preferred_element_type=jnp.float32)
        o_ref[...] = dinv_b * hw

    return pl.pallas_call(
        body, out_shape=jax.ShapeDtypeStruct((_N, _H), jnp.float32),
    )(accp, hs, dinv_row, b.reshape(1, _H), g.reshape(1, _H),
      be.reshape(1, _H), w_next)


def _tc_final(accp, hs, dinv_row, b, g, be, batch_row, w_fc, b_fc):
    def body(ap_ref, hs_ref, dv_ref, b_ref, g_ref, be_ref, bt_ref,
             wfc_ref, bfc_ref, o_ref):
        dinv_b = _dinv_bcast(dv_ref[...])
        acc = ap_ref[0, :_N, :] + ap_ref[1, :_N, :]
        pre = dinv_b * (acc + hs_ref[...]) + b_ref[...]
        m = jnp.mean(pre, axis=0, keepdims=True)
        d = pre - m
        v = jnp.mean(d * d, axis=0, keepdims=True)
        h2 = d / jnp.sqrt(v + 1e-5) * g_ref[...] + be_ref[...]
        h2 = jnp.maximum(h2, 0.0)

        gid = lax.broadcasted_iota(jnp.int32, (_G, 1), 0)
        onehot = (bt_ref[...] == gid).astype(jnp.float32)
        sums = jnp.dot(onehot, h2, preferred_element_type=jnp.float32)
        cnt = jnp.sum(onehot, axis=1, keepdims=True)
        pooled = sums / jnp.maximum(cnt, 1.0)
        logits = jnp.dot(pooled, wfc_ref[...],
                         preferred_element_type=jnp.float32) + bfc_ref[...]
        mx = jnp.max(logits, axis=1, keepdims=True)
        lse = mx + jnp.log(jnp.sum(jnp.exp(logits - mx), axis=1,
                                   keepdims=True))
        o_ref[...] = logits - lse

    return pl.pallas_call(
        body, out_shape=jax.ShapeDtypeStruct((_G, _C), jnp.float32),
    )(accp, hs, dinv_row, b.reshape(1, _H), g.reshape(1, _H),
      be.reshape(1, _H), batch_row, w_fc, b_fc.reshape(1, _C))


def kernel(x, x_aug, edge_index, batch, W_fuse, b_fuse, W1, b1, g1, be1,
           W2, b2, g2, be2, W_fc, b_fc):
    src = edge_index[0].reshape(_NW, _EPW)
    dst = edge_index[1].reshape(_NW, _EPW)
    w_ids = jnp.arange(_NW, dtype=jnp.int32)[:, None]
    p_ids = jnp.arange(_PADE, dtype=jnp.int32)[None, :]
    pad_src = (w_ids * 997 + p_ids * 89) % _N
    pad_dst = jnp.broadcast_to(_N + (p_ids % 16), (_NW, _PADE))
    srcp = jnp.concatenate([src, pad_src], axis=1).reshape(_NW, _NCH, _K)
    dstp = jnp.concatenate([dst, pad_dst], axis=1).reshape(_NW, _NCH, _K)
    comb = jnp.stack([srcp, dstp], axis=2)

    deg_parts = _sc_degree(dstp)
    hs1, dinv_row = _tc_prep(x, x_aug, W_fuse, b_fuse, deg_parts, W1)
    acc1 = _sc_conv(hs1, comb)
    hs2 = _tc_mid(acc1, hs1, dinv_row, b1, g1, be1, W2)
    acc2 = _sc_conv(hs2, comb)
    batch_row = batch.reshape(1, _N)
    return _tc_final(acc2, hs2, dinv_row, b2, g2, be2, batch_row, W_fc, b_fc)

# --- scband reference (transcript-rebuilt; emitter-appended) ---
"""Pipeline reference for scband-hybrid-se-aug-gcn-33706903339487 (READ-ONLY COPY).

The authoritative reference and input builder live on the scoring server;
editing this copy changes nothing except your own understanding.
"""

import jax, jax.numpy as jnp
import numpy as np

N = 10000
E = 320000
BD = 128
AD = 384
H = 128
C = 2
G = 64


def setup_inputs(seed: int = 0) -> dict:
    key = jax.random.key(seed)
    ks = jax.random.split(key, 16)
    x = jax.random.normal(ks[0], (N, BD), dtype=jnp.float32)
    x_aug = jax.random.normal(ks[1], (N, AD), dtype=jnp.float32)
    edge_index = jax.random.randint(ks[2], (2, E), 0, N, dtype=jnp.int32)
    batch = jnp.sort(jax.random.randint(ks[3], (N,), 0, G, dtype=jnp.int32))
    def lin(k, fi, fo):
        return jax.random.normal(k, (fi, fo), dtype=jnp.float32) / np.sqrt(fi)
    params = {
        'W_fuse': lin(ks[4], BD + AD, H), 'b_fuse': jnp.zeros((H,), jnp.float32),
        'W1': lin(ks[5], H, H), 'b1': jnp.zeros((H,), jnp.float32),
        'g1': jnp.ones((H,), jnp.float32), 'be1': jnp.zeros((H,), jnp.float32),
        'W2': lin(ks[6], H, H), 'b2': jnp.zeros((H,), jnp.float32),
        'g2': jnp.ones((H,), jnp.float32), 'be2': jnp.zeros((H,), jnp.float32),
        'W_fc': lin(ks[7], H, C), 'b_fc': jnp.zeros((C,), jnp.float32),
    }
    inp = {'x': x, 'x_aug': x_aug, 'edge_index': edge_index, 'batch': batch}
    inp.update(params)
    return inp


def _gcn_conv(h, src, dst, W, b):
    # PyG GCNConv: D^-1/2 (A + I) D^-1/2 X W + b
    h = h @ W
    loop = jnp.arange(N, dtype=src.dtype)
    src2 = jnp.concatenate([src, loop])
    dst2 = jnp.concatenate([dst, loop])
    deg = jax.ops.segment_sum(jnp.ones_like(dst2, jnp.float32), dst2, num_segments=N)
    dinv = jnp.where(deg > 0, deg ** -0.5, 0.0)
    norm = dinv[src2] * dinv[dst2]
    msg = norm[:, None] * h[src2]
    out = jax.ops.segment_sum(msg, dst2, num_segments=N)
    return out + b


def _bn(h, g, b):
    m = jnp.mean(h, axis=0)
    v = jnp.var(h, axis=0)
    return (h - m) / jnp.sqrt(v + 1e-5) * g + b


def reference(x, x_aug, edge_index, batch, W_fuse, b_fuse, W1, b1, g1, be1, W2, b2, g2, be2, W_fc, b_fc):
    src, dst = edge_index[0], edge_index[1]
    # FeatureFusion (concat strategy): concat -> linear -> relu (dropout off in eval)
    h = jnp.concatenate([x, x_aug], axis=-1) @ W_fuse + b_fuse
    h = jax.nn.relu(h)
    # GCN layer 1
    h = _gcn_conv(h, src, dst, W1, b1)
    h = jax.nn.relu(_bn(h, g1, be1))
    # GCN layer 2
    h = _gcn_conv(h, src, dst, W2, b2)
    h = jax.nn.relu(_bn(h, g2, be2))
    # global mean pool over graphs
    sums = jax.ops.segment_sum(h, batch, num_segments=G)
    cnt = jax.ops.segment_sum(jnp.ones((N,), jnp.float32), batch, num_segments=G)
    pooled = sums / jnp.clip(cnt, 1.0)[:, None]
    logits = pooled @ W_fc + b_fc
    return jax.nn.log_softmax(logits, axis=1)

if __name__ == "__main__":
    import jax
    _d = setup_inputs()
    print(jax.jit(kernel)(*tuple(_d.values())))

</pallas_src>

<mosaic_0001>
#map = affine_map<(d0, d1) -> (0, 0)>
#map1 = affine_map<(d0, d1) -> (0, 0, 0, 0)>
#map2 = affine_map<(d0, d1) -> (0, 0, 0)>
module attributes {stable_mosaic.version = 14 : i64} {
  func.func @k(%arg0: i32, %arg1: i32, %arg2: memref<10000x128xf32, #tpu.memory_space<hbm>>, %arg3: memref<32x80x2x128xi32, #tpu.memory_space<hbm>>, %arg4: memref<2x10112x128xf32, #tpu.memory_space<hbm>>, %arg5: memref<4x2x128xi32, #tpu.memory_space<vmem>>, %arg6: memref<128x128xf32, #tpu.memory_space<vmem>>, %arg7: memref<128x128xf32, #tpu.memory_space<vmem>>, %arg8: memref<10112x128xf32, #tpu.memory_space<vmem_shared>>, %arg9: memref<!tpu.dma_semaphore, #tpu.memory_space<semaphore_mem>>, %arg10: memref<!tpu.dma_semaphore, #tpu.memory_space<semaphore_mem>>, %arg11: memref<!tpu.dma_semaphore, #tpu.memory_space<semaphore_mem>>, %arg12: memref<!tpu.dma_semaphore, #tpu.memory_space<semaphore_mem>>, %arg13: memref<!tpu.dma_semaphore, #tpu.memory_space<semaphore_mem>>, %arg14: memref<!tpu.dma_semaphore, #tpu.memory_space<semaphore_mem>>) attributes {dimension_semantics = [#tpu.dimension_semantics<core_parallel>, #tpu.dimension_semantics<subcore_parallel>], iteration_bounds = array<i64: 2, 16>, scalar_prefetch = 0 : i64, scratch_operands = 10 : i64, tpu.core_type = #tpu.core_type<sc_vector_subcore>, window_params = [{transform_indices = #map}, {transform_indices = #map1}, {transform_indices = #map2}]} {
    %mul3A = arith.constant 16 : i32
    %mul3A_0 = arith.muli %arg0, %mul3A : i32
    %add3A = arith.addi %mul3A_0, %arg1 : i32
    %dma_start3A = arith.constant 0 : i32
    %dma_start3A_1 = arith.constant 0 : i32
    %dma_start3A_2 = arith.constant 0 : i32
    %dma_start3A_3 = arith.constant 0 : i32
    %dma_start3A_4 = tpu.memref_slice %arg5[%dma_start3A_1, %dma_start3A_2, %dma_start3A_3] : memref<4x2x128xi32, #tpu.memory_space<vmem>> -> memref<1x2x128xi32, #tpu.memory_space<vmem>>
    %dma_start3A_5 = tpu.memref_squeeze %dma_start3A_4 : memref<1x2x128xi32, #tpu.memory_space<vmem>> -> memref<2x128xi32, #tpu.memory_space<vmem>>
    %dma_start3A_6 = arith.constant 0 : i32
    %dma_start3A_7 = arith.constant 0 : i32
    %dma_start3A_8 = tpu.memref_slice %arg3[%add3A, %dma_start3A, %dma_start3A_6, %dma_start3A_7] : memref<32x80x2x128xi32, #tpu.memory_space<hbm>> -> memref<1x1x2x128xi32, #tpu.memory_space<hbm>>
    %dma_start3A_9 = tpu.memref_squeeze %dma_start3A_8 : memref<1x1x2x128xi32, #tpu.memory_space<hbm>> -> memref<2x128xi32, #tpu.memory_space<hbm>>
    %dma_start3A_10 = arith.constant 0 : i32
    %dma_start3A_11 = arith.constant 0 : i32
    %dma_start3A_12 = tpu.memref_slice %arg5[%dma_start3A_1, %dma_start3A_10, %dma_start3A_11] : memref<4x2x128xi32, #tpu.memory_space<vmem>> -> memref<1x2x128xi32, #tpu.memory_space<vmem>>
    %dma_start3A_13 = tpu.memref_squeeze %dma_start3A_12 : memref<1x2x128xi32, #tpu.memory_space<vmem>> -> memref<2x128xi32, #tpu.memory_space<vmem>>
    %dma_start3A_14 = arith.constant 0 : i32
    %dma_start3A_15 = arith.constant 0 : i32
    %dma_start3A_16 = tpu.memref_slice %arg3[%add3A, %dma_start3A, %dma_start3A_14, %dma_start3A_15] : memref<32x80x2x128xi32, #tpu.memory_space<hbm>> -> memref<1x1x2x128xi32, #tpu.memory_space<hbm>>
    %dma_start3A_17 = tpu.memref_squeeze %dma_start3A_16 : memref<1x1x2x128xi32, #tpu.memory_space<hbm>> -> memref<2x128xi32, #tpu.memory_space<hbm>>
    tpu.enqueue_dma source(%dma_start3A_17 : memref<2x128xi32, #tpu.memory_space<hbm>>) target(%dma_start3A_13 : memref<2x128xi32, #tpu.memory_space<vmem>>) target_semaphore(%arg9 : memref<!tpu.dma_semaphore, #tpu.memory_space<semaphore_mem>>)
    %dma_start3A_18 = arith.constant 1 : i32
    %dma_start3A_19 = arith.constant 1 : i32
    %dma_start3A_20 = arith.constant 0 : i32
    %dma_start3A_21 = arith.constant 0 : i32
    %dma_start3A_22 = tpu.memref_slice %arg5[%dma_start3A_19, %dma_start3A_20, %dma_start3A_21] : memref<4x2x128xi32, #tpu.memory_space<vmem>> -> memref<1x2x128xi32, #tpu.memory_space<vmem>>
    %dma_start3A_23 = tpu.memref_squeeze %dma_start3A_22 : memref<1x2x128xi32, #tpu.memory_space<vmem>> -> memref<2x128xi32, #tpu.memory_space<vmem>>
    %dma_start3A_24 = arith.constant 0 : i32
    %dma_start3A_25 = arith.constant 0 : i32
    %dma_start3A_26 = tpu.memref_slice %arg3[%add3A, %dma_start3A_18, %dma_start3A_24, %dma_start3A_25] : memref<32x80x2x128xi32, #tpu.memory_space<hbm>> -> memref<1x1x2x128xi32, #tpu.memory_space<hbm>>
    %dma_start3A_27 = tpu.memref_squeeze %dma_start3A_26 : memref<1x1x2x128xi32, #tpu.memory_space<hbm>> -> memref<2x128xi32, #tpu.memory_space<hbm>>
    %dma_start3A_28 = arith.constant 0 : i32
    %dma_start3A_29 = arith.constant 0 : i32
    %dma_start3A_30 = tpu.memref_slice %arg5[%dma_start3A_19, %dma_start3A_28, %dma_start3A_29] : memref<4x2x128xi32, #tpu.memory_space<vmem>> -> memref<1x2x128xi32, #tpu.memory_space<vmem>>
    %dma_start3A_31 = tpu.memref_squeeze %dma_start3A_30 : memref<1x2x128xi32, #tpu.memory_space<vmem>> -> memref<2x128xi32, #tpu.memory_space<vmem>>
    %dma_start3A_32 = arith.constant 0 : i32
    %dma_start3A_33 = arith.constant 0 : i32
    %dma_start3A_34 = tpu.memref_slice %arg3[%add3A, %dma_start3A_18, %dma_start3A_32, %dma_start3A_33] : memref<32x80x2x128xi32, #tpu.memory_space<hbm>> -> memref<1x1x2x128xi32, #tpu.memory_space<hbm>>
    %dma_start3A_35 = tpu.memref_squeeze %dma_start3A_34 : memref<1x1x2x128xi32, #tpu.memory_space<hbm>> -> memref<2x128xi32, #tpu.memory_space<hbm>>
    tpu.enqueue_dma source(%dma_start3A_35 : memref<2x128xi32, #tpu.memory_space<hbm>>) target(%dma_start3A_31 : memref<2x128xi32, #tpu.memory_space<vmem>>) target_semaphore(%arg10 : memref<!tpu.dma_semaphore, #tpu.memory_space<semaphore_mem>>)
    %dma_start3A_36 = arith.constant 2 : i32
    %dma_start3A_37 = arith.constant 2 : i32
    %dma_start3A_38 = arith.constant 0 : i32
    %dma_start3A_39 = arith.constant 0 : i32
    %dma_start3A_40 = tpu.memref_slice %arg5[%dma_start3A_37, %dma_start3A_38, %dma_start3A_39] : memref<4x2x128xi32, #tpu.memory_space<vmem>> -> memref<1x2x128xi32, #tpu.memory_space<vmem>>
    %dma_start3A_41 = tpu.memref_squeeze %dma_start3A_40 : memref<1x2x128xi32, #tpu.memory_space<vmem>> -> memref<2x128xi32, #tpu.memory_space<vmem>>
    %dma_start3A_42 = arith.constant 0 : i32
    %dma_start3A_43 = arith.constant 0 : i32
    %dma_start3A_44 = tpu.memref_slice %arg3[%add3A, %dma_start3A_36, %dma_start3A_42, %dma_start3A_43] : memref<32x80x2x128xi32, #tpu.memory_space<hbm>> -> memref<1x1x2x128xi32, #tpu.memory_space<hbm>>
    %dma_start3A_45 = tpu.memref_squeeze %dma_start3A_44 : memref<1x1x2x128xi32, #tpu.memory_space<hbm>> -> memref<2x128xi32, #tpu.memory_space<hbm>>
    %dma_start3A_46 = arith.constant 0 : i32
    %dma_start3A_47 = arith.constant 0 : i32
    %dma_start3A_48 = tpu.memref_slice %arg5[%dma_start3A_37, %dma_start3A_46, %dma_start3A_47] : memref<4x2x128xi32, #tpu.memory_space<vmem>> -> memref<1x2x128xi32, #tpu.memory_space<vmem>>
    %dma_start3A_49 = tpu.memref_squeeze %dma_start3A_48 : memref<1x2x128xi32, #tpu.memory_space<vmem>> -> memref<2x128xi32, #tpu.memory_space<vmem>>
    %dma_start3A_50 = arith.constant 0 : i32
    %dma_start3A_51 = arith.constant 0 : i32
    %dma_start3A_52 = tpu.memref_slice %arg3[%add3A, %dma_start3A_36, %dma_start3A_50, %dma_start3A_51] : memref<32x80x2x128xi32, #tpu.memory_space<hbm>> -> memref<1x1x2x128xi32, #tpu.memory_space<hbm>>
    %dma_start3A_53 = tpu.memref_squeeze %dma_start3A_52 : memref<1x1x2x128xi32, #tpu.memory_space<hbm>> -> memref<2x128xi32, #tpu.memory_space<hbm>>
    tpu.enqueue_dma source(%dma_start3A_53 : memref<2x128xi32, #tpu.memory_space<hbm>>) target(%dma_start3A_49 : memref<2x128xi32, #tpu.memory_space<vmem>>) target_semaphore(%arg11 : memref<!tpu.dma_semaphore, #tpu.memory_space<semaphore_mem>>)
    %dma_start3A_54 = arith.constant 3 : i32
    %dma_start3A_55 = arith.constant 3 : i32
    %dma_start3A_56 = arith.constant 0 : i32
    %dma_start3A_57 = arith.constant 0 : i32
    %dma_start3A_58 = tpu.memref_slice %arg5[%dma_start3A_55, %dma_start3A_56, %dma_start3A_57] : memref<4x2x128xi32, #tpu.memory_space<vmem>> -> memref<1x2x128xi32, #tpu.memory_space<vmem>>
    %dma_start3A_59 = tpu.memref_squeeze %dma_start3A_58 : memref<1x2x128xi32, #tpu.memory_space<vmem>> -> memref<2x128xi32, #tpu.memory_space<vmem>>
    %dma_start3A_60 = arith.constant 0 : i32
    %dma_start3A_61 = arith.constant 0 : i32
    %dma_start3A_62 = tpu.memref_slice %arg3[%add3A, %dma_start3A_54, %dma_start3A_60, %dma_start3A_61] : memref<32x80x2x128xi32, #tpu.memory_space<hbm>> -> memref<1x1x2x128xi32, #tpu.memory_space<hbm>>
    %dma_start3A_63 = tpu.memref_squeeze %dma_start3A_62 : memref<1x1x2x128xi32, #tpu.memory_space<hbm>> -> memref<2x128xi32, #tpu.memory_space<hbm>>
    %dma_start3A_64 = arith.constant 0 : i32
    %dma_start3A_65 = arith.constant 0 : i32
    %dma_start3A_66 = tpu.memref_slice %arg5[%dma_start3A_55, %dma_start3A_64, %dma_start3A_65] : memref<4x2x128xi32, #tpu.memory_space<vmem>> -> memref<1x2x128xi32, #tpu.memory_space<vmem>>
    %dma_start3A_67 = tpu.memref_squeeze %dma_start3A_66 : memref<1x2x128xi32, #tpu.memory_space<vmem>> -> memref<2x128xi32, #tpu.memory_space<vmem>>
    %dma_start3A_68 = arith.constant 0 : i32
    %dma_start3A_69 = arith.constant 0 : i32
    %dma_start3A_70 = tpu.memref_slice %arg3[%add3A, %dma_start3A_54, %dma_start3A_68, %dma_start3A_69] : memref<32x80x2x128xi32, #tpu.memory_space<hbm>> -> memref<1x1x2x128xi32, #tpu.memory_space<hbm>>
    %dma_start3A_71 = tpu.memref_squeeze %dma_start3A_70 : memref<1x1x2x128xi32, #tpu.memory_space<hbm>> -> memref<2x128xi32, #tpu.memory_space<hbm>>
    tpu.enqueue_dma source(%dma_start3A_71 : memref<2x128xi32, #tpu.memory_space<hbm>>) target(%dma_start3A_67 : memref<2x128xi32, #tpu.memory_space<vmem>>) target_semaphore(%arg12 : memref<!tpu.dma_semaphore, #tpu.memory_space<semaphore_mem>>)
    %scan3A = arith.constant 0 : i32
    %scan3A_72 = arith.constant 128 : i32
    %scan3A_73 = arith.addi %scan3A, %scan3A_72 : i32
    %scan3A_74 = arith.constant 1 : i32
    scf.for %scan3A_240 = %scan3A to %scan3A_73 step %scan3A_74  : i32 {
      %mul3A_241 = arith.constant 1 : i32
      %mul3A_242 = arith.muli %scan3A_240, %mul3A_241 : i32
      %add3A_243 = arith.constant 0 : i32
      %add3A_244 = arith.addi %add3A_243, %mul3A_242 : i32
      %broadcast_in_dim3A = arith.constant 0.000000e+00 : f32
      %broadcast_in_dim3A_245 = vector.broadcast %broadcast_in_dim3A : f32 to vector<16xf32>
      %swap3A = arith.index_cast %add3A_244 : i32 to index
      %swap3A_246 = arith.constant 0 : index
      %swap3A_247 = tpu.vector_load %arg7[%swap3A, %swap3A_246] {strides = array<i32>} : memref<128x128xf32, #tpu.memory_space<vmem>>, vector<1x16xf32>,
      %swap3A_248 = vector.shape_cast %swap3A_247 : vector<1x16xf32> to vector<16xf32>
      %swap3A_249 = vector.shape_cast %broadcast_in_dim3A_245 : vector<16xf32> to vector<1x16xf32>
      tpu.vector_store %arg7[%swap3A, %swap3A_246], %swap3A_249 {strides = array<i32>} : memref<128x128xf32, #tpu.memory_space<vmem>>, vector<1x16xf32>,
      %broadcast_in_dim3A_250 = arith.constant 0.000000e+00 : f32
      %broadcast_in_dim3A_251 = vector.broadcast %broadcast_in_dim3A_250 : f32 to vector<16xf32>
      %swap3A_252 = arith.index_cast %add3A_244 : i32 to index
      %swap3A_253 = arith.constant 16 : index
      %swap3A_254 = tpu.vector_load %arg7[%swap3A_252, %swap3A_253] {strides = array<i32>} : memref<128x128xf32, #tpu.memory_space<vmem>>, vector<1x16xf32>,
      %swap3A_255 = vector.shape_cast %swap3A_254 : vector<1x16xf32> to vector<16xf32>
      %swap3A_256 = vector.shape_cast %broadcast_in_dim3A_251 : vector<16xf32> to vector<1x16xf32>
      tpu.vector_store %arg7[%swap3A_252, %swap3A_253], %swap3A_256 {strides = array<i32>} : memref<128x128xf32, #tpu.memory_space<vmem>>, vector<1x16xf32>,
      %broadcast_in_dim3A_257 = arith.constant 0.000000e+00 : f32
      %broadcast_in_dim3A_258 = vector.broadcast %broadcast_in_dim3A_257 : f32 to vector<16xf32>
      %swap3A_259 = arith.index_cast %add3A_244 : i32 to index
      %swap3A_260 = arith.constant 32 : index
      %swap3A_261 = tpu.vector_load %arg7[%swap3A_259, %swap3A_260] {strides = array<i32>} : memref<128x128xf32, #tpu.memory_space<vmem>>, vector<1x16xf32>,
      %swap3A_262 = vector.shape_cast %swap3A_261 : vector<1x16xf32> to vector<16xf32>
      %swap3A_263 = vector.shape_cast %broadcast_in_dim3A_258 : vector<16xf32> to vector<1x16xf32>
      tpu.vector_store %arg7[%swap3A_259, %swap3A_260], %swap3A_263 {strides = array<i32>} : memref<128x128xf32, #tpu.memory_space<vmem>>, vector<1x16xf32>,
      %broadcast_in_dim3A_264 = arith.constant 0.000000e+00 : f32
      %broadcast_in_dim3A_265 = vector.broadcast %broadcast_in_dim3A_264 : f32 to vector<16xf32>
      %swap3A_266 = arith.index_cast %add3A_244 : i32 to index
      %swap3A_267 = arith.constant 48 : index
      %swap3A_268 = tpu.vector_load %arg7[%swap3A_266, %swap3A_267] {strides = array<i32>} : memref<128x128xf32, #tpu.memory_space<vmem>>, vector<1x16xf32>,
      %swap3A_269 = vector.shape_cast %swap3A_268 : vector<1x16xf32> to vector<16xf32>
      %swap3A_270 = vector.shape_cast %broadcast_in_dim3A_265 : vector<16xf32> to vector<1x16xf32>
      tpu.vector_store %arg7[%swap3A_266, %swap3A_267], %swap3A_270 {strides = array<i32>} : memref<128x128xf32, #tpu.memory_space<vmem>>, vector<1x16xf32>,
      %broadcast_in_dim3A_271 = arith.constant 0.000000e+00 : f32
      %broadcast_in_dim3A_272 = vector.broadcast %broadcast_in_dim3A_271 : f32 to vector<16xf32>
      %swap3A_273 = arith.index_cast %add3A_244 : i32 to index
      %swap3A_274 = arith.constant 64 : index
      %swap3A_275 = tpu.vector_load %arg7[%swap3A_273, %swap3A_274] {strides = array<i32>} : memref<128x128xf32, #tpu.memory_space<vmem>>, vector<1x16xf32>,
      %swap3A_276 = vector.shape_cast %swap3A_275 : vector<1x16xf32> to vector<16xf32>
      %swap3A_277 = vector.shape_cast %broadcast_in_dim3A_272 : vector<16xf32> to vector<1x16xf32>
      tpu.vector_store %arg7[%swap3A_273, %swap3A_274], %swap3A_277 {strides = array<i32>} : memref<128x128xf32, #tpu.memory_space<vmem>>, vector<1x16xf32>,
      %broadcast_in_dim3A_278 = arith.constant 0.000000e+00 : f32
      %broadcast_in_dim3A_279 = vector.broadcast %broadcast_in_dim3A_278 : f32 to vector<16xf32>
      %swap3A_280 = arith.index_cast %add3A_244 : i32 to index
      %swap3A_281 = arith.constant 80 : index
      %swap3A_282 = tpu.vector_load %arg7[%swap3A_280, %swap3A_281] {strides = array<i32>} : memref<128x128xf32, #tpu.memory_space<vmem>>, vector<1x16xf32>,
      %swap3A_283 = vector.shape_cast %swap3A_282 : vector<1x16xf32> to vector<16xf32>
      %swap3A_284 = vector.shape_cast %broadcast_in_dim3A_279 : vector<16xf32> to vector<1x16xf32>
      tpu.vector_store %arg7[%swap3A_280, %swap3A_281], %swap3A_284 {strides = array<i32>} : memref<128x128xf32, #tpu.memory_space<vmem>>, vector<1x16xf32>,
      %broadcast_in_dim3A_285 = arith.constant 0.000000e+00 : f32
      %broadcast_in_dim3A_286 = vector.broadcast %broadcast_in_dim3A_285 : f32 to vector<16xf32>
      %swap3A_287 = arith.index_cast %add3A_244 : i32 to index
      %swap3A_288 = arith.constant 96 : index
      %swap3A_289 = tpu.vector_load %arg7[%swap3A_287, %swap3A_288] {strides = array<i32>} : memref<128x128xf32, #tpu.memory_space<vmem>>, vector<1x16xf32>,
      %swap3A_290 = vector.shape_cast %swap3A_289 : vector<1x16xf32> to vector<16xf32>
      %swap3A_291 = vector.shape_cast %broadcast_in_dim3A_286 : vector<16xf32> to vector<1x16xf32>
      tpu.vector_store %arg7[%swap3A_287, %swap3A_288], %swap3A_291 {strides = array<i32>} : memref<128x128xf32, #tpu.memory_space<vmem>>, vector<1x16xf32>,
      %broadcast_in_dim3A_292 = arith.constant 0.000000e+00 : f32
      %broadcast_in_dim3A_293 = vector.broadcast %broadcast_in_dim3A_292 : f32 to vector<16xf32>
      %swap3A_294 = arith.index_cast %add3A_244 : i32 to index
      %swap3A_295 = arith.constant 112 : index
      %swap3A_296 = tpu.vector_load %arg7[%swap3A_294, %swap3A_295] {strides = array<i32>} : memref<128x128xf32, #tpu.memory_space<vmem>>, vector<1x16xf32>,
      %swap3A_297 = vector.shape_cast %swap3A_296 : vector<1x16xf32> to vector<16xf32>
      %swap3A_298 = vector.shape_cast %broadcast_in_dim3A_293 : vector<16xf32> to vector<1x16xf32>
      tpu.vector_store %arg7[%swap3A_294, %swap3A_295], %swap3A_298 {strides = array<i32>} : memref<128x128xf32, #tpu.memory_space<vmem>>, vector<1x16xf32>,
    }
    %scan3A_75 = arith.constant 128 : i32
    %dma_wait3A = arith.constant 0 : i32
    %dma_wait3A_76 = arith.constant 0 : i32
    %dma_wait3A_77 = arith.constant 0 : i32
    %dma_wait3A_78 = arith.constant 0 : i32
    %dma_wait3A_79 = tpu.memref_slice %arg5[%dma_wait3A_76, %dma_wait3A_77, %dma_wait3A_78] : memref<4x2x128xi32, #tpu.memory_space<vmem>> -> memref<1x2x128xi32, #tpu.memory_space<vmem>>
    %dma_wait3A_80 = tpu.memref_squeeze %dma_wait3A_79 : memref<1x2x128xi32, #tpu.memory_space<vmem>> -> memref<2x128xi32, #tpu.memory_space<vmem>>
    %dma_wait3A_81 = arith.constant 0 : i32
    %dma_wait3A_82 = arith.constant 0 : i32
    %dma_wait3A_83 = tpu.memref_slice %arg3[%add3A, %dma_wait3A, %dma_wait3A_81, %dma_wait3A_82] : memref<32x80x2x128xi32, #tpu.memory_space<hbm>> -> memref<1x1x2x128xi32, #tpu.memory_space<hbm>>
    %dma_wait3A_84 = tpu.memref_squeeze %dma_wait3A_83 : memref<1x1x2x128xi32, #tpu.memory_space<hbm>> -> memref<2x128xi32, #tpu.memory_space<hbm>>
    %dma_wait3A_85 = arith.constant 0 : i32
    %dma_wait3A_86 = arith.constant 0 : i32
    %dma_wait3A_87 = tpu.memref_slice %arg5[%dma_wait3A_76, %dma_wait3A_85, %dma_wait3A_86] : memref<4x2x128xi32, #tpu.memory_space<vmem>> -> memref<1x2x128xi32, #tpu.memory_space<vmem>>
    %dma_wait3A_88 = tpu.memref_squeeze %dma_wait3A_87 : memref<1x2x128xi32, #tpu.memory_space<vmem>> -> memref<2x128xi32, #tpu.memory_space<vmem>>
    %dma_wait3A_89 = arith.constant 0 : i32
    %dma_wait3A_90 = arith.constant 0 : i32
    %dma_wait3A_91 = tpu.memref_slice %arg3[%add3A, %dma_wait3A, %dma_wait3A_89, %dma_wait3A_90] : memref<32x80x2x128xi32, #tpu.memory_space<hbm>> -> memref<1x1x2x128xi32, #tpu.memory_space<hbm>>
    %dma_wait3A_92 = tpu.memref_squeeze %dma_wait3A_91 : memref<1x1x2x128xi32, #tpu.memory_space<hbm>> -> memref<2x128xi32, #tpu.memory_space<hbm>>
    tpu.wait_dma2 semaphore(%arg9 : memref<!tpu.dma_semaphore, #tpu.memory_space<semaphore_mem>>) src(%dma_wait3A_92 : memref<2x128xi32, #tpu.memory_space<hbm>>) dst(%dma_wait3A_88 : memref<2x128xi32, #tpu.memory_space<vmem>>)
    %dma_start3A_93 = arith.constant 0 : i32
    %dma_start3A_94 = arith.constant 0 : i32
    %dma_start3A_95 = arith.constant 0 : i32
    %dma_start3A_96 = tpu.memref_slice %arg5[%dma_start3A_93, %dma_start3A_94, %dma_start3A_95] : memref<4x2x128xi32, #tpu.memory_space<vmem>> -> memref<1x1x128xi32, #tpu.memory_space<vmem>>
    %dma_start3A_97 = tpu.memref_squeeze %dma_start3A_96 : memref<1x1x128xi32, #tpu.memory_space<vmem>> -> memref<128xi32, #tpu.memory_space<vmem>>
    %dma_start3A_98 = arith.constant 0 : i32
    %dma_start3A_99 = arith.constant 0 : i32
    %dma_start3A_100 = tpu.memref_slice %arg2[%dma_start3A_98, %dma_start3A_99] : memref<10000x128xf32, #tpu.memory_space<hbm>> -> memref<10000x128xf32, #tpu.memory_space<hbm>>
    tpu.enqueue_indirect_dma source(%dma_start3A_100 : memref<10000x128xf32, #tpu.memory_space<hbm>>) target(%arg6 : memref<128x128xf32, #tpu.memory_space<vmem>>) offsets(%dma_start3A_97 : memref<128xi32, #tpu.memory_space<vmem>>) semaphore(%arg13 : memref<!tpu.dma_semaphore, #tpu.memory_space<semaphore_mem>>)
    %mul3A_101 = arith.constant 632 : i32
    %mul3A_102 = arith.muli %arg1, %mul3A_101 : i32
    %add3A_103 = arith.constant 0 : i32
    %add3A_104 = arith.addi %mul3A_102, %add3A_103 : i32
    "tpu.region"() ({
      %run_scoped3A_240 = tpu.sem_alloc : memref<!tpu.dma_semaphore, #tpu.memory_space<semaphore_mem>>
      %dma_start3A_241 = arith.constant 0 : i32
      %dma_start3A_242 = tpu.memref_slice %arg8[%add3A_104, %dma_start3A_241] : memref<10112x128xf32, #tpu.memory_space<vmem_shared>> -> memref<128x128xf32, #tpu.memory_space<vmem_shared>>
      %dma_start3A_243 = arith.constant 0 : i32
      %dma_start3A_244 = tpu.memref_slice %arg8[%add3A_104, %dma_start3A_243] : memref<10112x128xf32, #tpu.memory_space<vmem_shared>> -> memref<128x128xf32, #tpu.memory_space<vmem_shared>>
      tpu.enqueue_dma source(%arg7 : memref<128x128xf32, #tpu.memory_space<vmem>>) target(%dma_start3A_244 : memref<128x128xf32, #tpu.memory_space<vmem_shared>>) target_semaphore(%run_scoped3A_240 : memref<!tpu.dma_semaphore, #tpu.memory_space<semaphore_mem>>)
      %dma_wait3A_245 = arith.constant 0 : i32
      %dma_wait3A_246 = tpu.memref_slice %arg8[%add3A_104, %dma_wait3A_245] : memref<10112x128xf32, #tpu.memory_space<vmem_shared>> -> memref<128x128xf32, #tpu.memory_space<vmem_shared>>
      %dma_wait3A_247 = arith.constant 0 : i32
      %dma_wait3A_248 = tpu.memref_slice %arg8[%add3A_104, %dma_wait3A_247] : memref<10112x128xf32, #tpu.memory_space<vmem_shared>> -> memref<128x128xf32, #tpu.memory_space<vmem_shared>>
      tpu.wait_dma2 semaphore(%run_scoped3A_240 : memref<!tpu.dma_semaphore, #tpu.memory_space<semaphore_mem>>) src(%arg7 : memref<128x128xf32, #tpu.memory_space<vmem>>) dst(%dma_wait3A_248 : memref<128x128xf32, #tpu.memory_space<vmem_shared>>)
      tpu.yield
    }) : () -> ()
    %add3A_105 = arith.constant 128 : i32
    %add3A_106 = arith.addi %mul3A_102, %add3A_105 : i32
    "tpu.region"() ({
      %run_scoped3A_240 = tpu.sem_alloc : memref<!tpu.dma_semaphore, #tpu.memory_space<semaphore_mem>>
      %dma_start3A_241 = arith.constant 0 : i32
      %dma_start3A_242 = tpu.memref_slice %arg8[%add3A_106, %dma_start3A_241] : memref<10112x128xf32, #tpu.memory_space<vmem_shared>> -> memref<128x128xf32, #tpu.memory_space<vmem_shared>>
      %dma_start3A_243 = arith.constant 0 : i32
      %dma_start3A_244 = tpu.memref_slice %arg8[%add3A_106, %dma_start3A_243] : memref<10112x128xf32, #tpu.memory_space<vmem_shared>> -> memref<128x128xf32, #tpu.memory_space<vmem_shared>>
      tpu.enqueue_dma source(%arg7 : memref<128x128xf32, #tpu.memory_space<vmem>>) target(%dma_start3A_244 : memref<128x128xf32, #tpu.memory_space<vmem_shared>>) target_semaphore(%run_scoped3A_240 : memref<!tpu.dma_semaphore, #tpu.memory_space<semaphore_mem>>)
      %dma_wait3A_245 = arith.constant 0 : i32
      %dma_wait3A_246 = tpu.memref_slice %arg8[%add3A_106, %dma_wait3A_245] : memref<10112x128xf32, #tpu.memory_space<vmem_shared>> -> memref<128x128xf32, #tpu.memory_space<vmem_shared>>
      %dma_wait3A_247 = arith.constant 0 : i32
      %dma_wait3A_248 = tpu.memref_slice %arg8[%add3A_106, %dma_wait3A_247] : memref<10112x128xf32, #tpu.memory_space<vmem_shared>> -> memref<128x128xf32, #tpu.memory_space<vmem_shared>>
      tpu.wait_dma2 semaphore(%run_scoped3A_240 : memref<!tpu.dma_semaphore, #tpu.memory_space<semaphore_mem>>) src(%arg7 : memref<128x128xf32, #tpu.memory_space<vmem>>) dst(%dma_wait3A_248 : memref<128x128xf32, #tpu.memory_space<vmem_shared>>)
      tpu.yield
    }) : () -> ()
    %add3A_107 = arith.constant 256 : i32
    %add3A_108 = arith.addi %mul3A_102, %add3A_107 : i32
    "tpu.region"() ({
      %run_scoped3A_240 = tpu.sem_alloc : memref<!tpu.dma_semaphore, #tpu.memory_space<semaphore_mem>>
      %dma_start3A_241 = arith.constant 0 : i32
      %dma_start3A_242 = tpu.memref_slice %arg8[%add3A_108, %dma_start3A_241] : memref<10112x128xf32, #tpu.memory_space<vmem_shared>> -> memref<128x128xf32, #tpu.memory_space<vmem_shared>>
      %dma_start3A_243 = arith.constant 0 : i32
      %dma_start3A_244 = tpu.memref_slice %arg8[%add3A_108, %dma_start3A_243] : memref<10112x128xf32, #tpu.memory_space<vmem_shared>> -> memref<128x128xf32, #tpu.memory_space<vmem_shared>>
      tpu.enqueue_dma source(%arg7 : memref<128x128xf32, #tpu.memory_space<vmem>>) target(%dma_start3A_244 : memref<128x128xf32, #tpu.memory_space<vmem_shared>>) target_semaphore(%run_scoped3A_240 : memref<!tpu.dma_semaphore, #tpu.memory_space<semaphore_mem>>)
      %dma_wait3A_245 = arith.constant 0 : i32
      %dma_wait3A_246 = tpu.memref_slice %arg8[%add3A_108, %dma_wait3A_245] : memref<10112x128xf32, #tpu.memory_space<vmem_shared>> -> memref<128x128xf32, #tpu.memory_space<vmem_shared>>
      %dma_wait3A_247 = arith.constant 0 : i32
      %dma_wait3A_248 = tpu.memref_slice %arg8[%add3A_108, %dma_wait3A_247] : memref<10112x128xf32, #tpu.memory_space<vmem_shared>> -> memref<128x128xf32, #tpu.memory_space<vmem_shared>>
      tpu.wait_dma2 semaphore(%run_scoped3A_240 : memref<!tpu.dma_semaphore, #tpu.memory_space<semaphore_mem>>) src(%arg7 : memref<128x128xf32, #tpu.memory_space<vmem>>) dst(%dma_wait3A_248 : memref<128x128xf32, #tpu.memory_space<vmem_shared>>)
      tpu.yield
    }) : () -> ()
    %add3A_109 = arith.constant 384 : i32
    %add3A_110 = arith.addi %mul3A_102, %add3A_109 : i32
    "tpu.region"() ({
      %run_scoped3A_240 = tpu.sem_alloc : memref<!tpu.dma_semaphore, #tpu.memory_space<semaphore_mem>>
      %dma_start3A_241 = arith.constant 0 : i32
      %dma_start3A_242 = tpu.memref_slice %arg8[%add3A_110, %dma_start3A_241] : memref<10112x128xf32, #tpu.memory_space<vmem_shared>> -> memref<128x128xf32, #tpu.memory_space<vmem_shared>>
      %dma_start3A_243 = arith.constant 0 : i32
      %dma_start3A_244 = tpu.memref_slice %arg8[%add3A_110, %dma_start3A_243] : memref<10112x128xf32, #tpu.memory_space<vmem_shared>> -> memref<128x128xf32, #tpu.memory_space<vmem_shared>>
      tpu.enqueue_dma source(%arg7 : memref<128x128xf32, #tpu.memory_space<vmem>>) target(%dma_start3A_244 : memref<128x128xf32, #tpu.memory_space<vmem_shared>>) target_semaphore(%run_scoped3A_240 : memref<!tpu.dma_semaphore, #tpu.memory_space<semaphore_mem>>)
      %dma_wait3A_245 = arith.constant 0 : i32
      %dma_wait3A_246 = tpu.memref_slice %arg8[%add3A_110, %dma_wait3A_245] : memref<10112x128xf32, #tpu.memory_space<vmem_shared>> -> memref<128x128xf32, #tpu.memory_space<vmem_shared>>
      %dma_wait3A_247 = arith.constant 0 : i32
      %dma_wait3A_248 = tpu.memref_slice %arg8[%add3A_110, %dma_wait3A_247] : memref<10112x128xf32, #tpu.memory_space<vmem_shared>> -> memref<128x128xf32, #tpu.memory_space<vmem_shared>>
      tpu.wait_dma2 semaphore(%run_scoped3A_240 : memref<!tpu.dma_semaphore, #tpu.memory_space<semaphore_mem>>) src(%arg7 : memref<128x128xf32, #tpu.memory_space<vmem>>) dst(%dma_wait3A_248 : memref<128x128xf32, #tpu.memory_space<vmem_shared>>)
      tpu.yield
    }) : () -> ()
    %add3A_111 = arith.constant 512 : i32
    %add3A_112 = arith.addi %mul3A_102, %add3A_111 : i32
    "tpu.region"() ({
      %run_scoped3A_240 = tpu.sem_alloc : memref<!tpu.dma_semaphore, #tpu.memory_space<semaphore_mem>>
      %dma_start3A_241 = arith.constant 0 : i32
      %dma_start3A_242 = arith.constant 0 : i32
      %dma_start3A_243 = tpu.memref_slice %arg7[%dma_start3A_241, %dma_start3A_242] : memref<128x128xf32, #tpu.memory_space<vmem>> -> memref<120x128xf32, #tpu.memory_space<vmem>>
      %dma_start3A_244 = arith.constant 0 : i32
      %dma_start3A_245 = tpu.memref_slice %arg8[%add3A_112, %dma_start3A_244] : memref<10112x128xf32, #tpu.memory_space<vmem_shared>> -> memref<120x128xf32, #tpu.memory_space<vmem_shared>>
      %dma_start3A_246 = arith.constant 0 : i32
      %dma_start3A_247 = tpu.memref_slice %arg8[%add3A_112, %dma_start3A_246] : memref<10112x128xf32, #tpu.memory_space<vmem_shared>> -> memref<120x128xf32, #tpu.memory_space<vmem_shared>>
      %dma_start3A_248 = arith.constant 0 : i32
      %dma_start3A_249 = arith.constant 0 : i32
      %dma_start3A_250 = tpu.memref_slice %arg7[%dma_start3A_248, %dma_start3A_249] : memref<128x128xf32, #tpu.memory_space<vmem>> -> memref<120x128xf32, #tpu.memory_space<vmem>>
      tpu.enqueue_dma source(%dma_start3A_250 : memref<120x128xf32, #tpu.memory_space<vmem>>) target(%dma_start3A_247 : memref<120x128xf32, #tpu.memory_space<vmem_shared>>) target_semaphore(%run_scoped3A_240 : memref<!tpu.dma_semaphore, #tpu.memory_space<semaphore_mem>>)
      %dma_wait3A_251 = arith.constant 0 : i32
      %dma_wait3A_252 = arith.constant 0 : i32
      %dma_wait3A_253 = tpu.memref_slice %arg7[%dma_wait3A_251, %dma_wait3A_252] : memref<128x128xf32, #tpu.memory_space<vmem>> -> memref<120x128xf32, #tpu.memory_space<vmem>>
      %dma_wait3A_254 = arith.constant 0 : i32
      %dma_wait3A_255 = tpu.memref_slice %arg8[%add3A_112, %dma_wait3A_254] : memref<10112x128xf32, #tpu.memory_space<vmem_shared>> -> memref<120x128xf32, #tpu.memory_space<vmem_shared>>
      %dma_wait3A_256 = arith.constant 0 : i32
      %dma_wait3A_257 = tpu.memref_slice %arg8[%add3A_112, %dma_wait3A_256] : memref<10112x128xf32, #tpu.memory_space<vmem_shared>> -> memref<120x128xf32, #tpu.memory_space<vmem_shared>>
      %dma_wait3A_258 = arith.constant 0 : i32
      %dma_wait3A_259 = arith.constant 0 : i32
      %dma_wait3A_260 = tpu.memref_slice %arg7[%dma_wait3A_258, %dma_wait3A_259] : memref<128x128xf32, #tpu.memory_space<vmem>> -> memref<120x128xf32, #tpu.memory_space<vmem>>
      tpu.wait_dma2 semaphore(%run_scoped3A_240 : memref<!tpu.dma_semaphore, #tpu.memory_space<semaphore_mem>>) src(%dma_wait3A_260 : memref<120x128xf32, #tpu.memory_space<vmem>>) dst(%dma_wait3A_257 : memref<120x128xf32, #tpu.memory_space<vmem_shared>>)
      tpu.yield
    }) : () -> ()
    %barrier3A = arith.constant 0 : index
    tpu.barrier barrier_id(%barrier3A)
    %scan3A_113 = arith.constant 0 : i32
    %scan3A_114 = arith.constant 19 : i32
    %scan3A_115 = arith.addi %scan3A_113, %scan3A_114 : i32
    %scan3A_116 = arith.constant 1 : i32
    scf.for %scan3A_240 = %scan3A_113 to %scan3A_115 step %scan3A_116  : i32 {
      %mul3A_241 = arith.constant 4 : i32
      %mul3A_242 = arith.muli %scan3A_240, %mul3A_241 : i32
      %add3A_243 = arith.constant 0 : i32
      %add3A_244 = arith.addi %add3A_243, %mul3A_242 : i32
      %add3A_245 = arith.constant 0 : i32
      %add3A_246 = arith.addi %add3A_244, %add3A_245 : i32
      %dma_wait3A_247 = arith.constant 0 : i32
      %dma_wait3A_248 = arith.constant 1 : i32
      %dma_wait3A_249 = arith.constant 0 : i32
      %dma_wait3A_250 = arith.constant 0 : i32
      %dma_wait3A_251 = tpu.memref_slice %arg5[%dma_wait3A_248, %dma_wait3A_249, %dma_wait3A_250] : memref<4x2x128xi32, #tpu.memory_space<vmem>> -> memref<1x2x128xi32, #tpu.memory_space<vmem>>
      %dma_wait3A_252 = tpu.memref_squeeze %dma_wait3A_251 : memref<1x2x128xi32, #tpu.memory_space<vmem>> -> memref<2x128xi32, #tpu.memory_space<vmem>>
      %dma_wait3A_253 = arith.constant 0 : i32
      %dma_wait3A_254 = arith.constant 0 : i32
      %dma_wait3A_255 = tpu.memref_slice %arg3[%add3A, %dma_wait3A_247, %dma_wait3A_253, %dma_wait3A_254] : memref<32x80x2x128xi32, #tpu.memory_space<hbm>> -> memref<1x1x2x128xi32, #tpu.memory_space<hbm>>
      %dma_wait3A_256 = tpu.memref_squeeze %dma_wait3A_255 : memref<1x1x2x128xi32, #tpu.memory_space<hbm>> -> memref<2x128xi32, #tpu.memory_space<hbm>>
      %dma_wait3A_257 = arith.constant 0 : i32
      %dma_wait3A_258 = arith.constant 0 : i32
      %dma_wait3A_259 = tpu.memref_slice %arg5[%dma_wait3A_248, %dma_wait3A_257, %dma_wait3A_258] : memref<4x2x128xi32, #tpu.memory_space<vmem>> -> memref<1x2x128xi32, #tpu.memory_space<vmem>>
      %dma_wait3A_260 = tpu.memref_squeeze %dma_wait3A_259 : memref<1x2x128xi32, #tpu.memory_space<vmem>> -> memref<2x128xi32, #tpu.memory_space<vmem>>
      %dma_wait3A_261 = arith.constant 0 : i32
      %dma_wait3A_262 = arith.constant 0 : i32
      %dma_wait3A_263 = tpu.memref_slice %arg3[%add3A, %dma_wait3A_247, %dma_wait3A_261, %dma_wait3A_262] : memref<32x80x2x128xi32, #tpu.memory_space<hbm>> -> memref<1x1x2x128xi32, #tpu.memory_space<hbm>>
      %dma_wait3A_264 = tpu.memref_squeeze %dma_wait3A_263 : memref<1x1x2x128xi32, #tpu.memory_space<hbm>> -> memref<2x128xi32, #tpu.memory_space<hbm>>
      tpu.wait_dma2 semaphore(%arg10 : memref<!tpu.dma_semaphore, #tpu.memory_space<semaphore_mem>>) src(%dma_wait3A_264 : memref<2x128xi32, #tpu.memory_space<hbm>>) dst(%dma_wait3A_260 : memref<2x128xi32, #tpu.memory_space<vmem>>)
      %dma_start3A_265 = arith.constant 1 : i32
      %dma_start3A_266 = arith.constant 0 : i32
      %dma_start3A_267 = arith.constant 0 : i32
      %dma_start3A_268 = tpu.memref_slice %arg5[%dma_start3A_265, %dma_start3A_266, %dma_start3A_267] : memref<4x2x128xi32, #tpu.memory_space<vmem>> -> memref<1x1x128xi32, #tpu.memory_space<vmem>>
      %dma_start3A_269 = tpu.memref_squeeze %dma_start3A_268 : memref<1x1x128xi32, #tpu.memory_space<vmem>> -> memref<128xi32, #tpu.memory_space<vmem>>
      %dma_start3A_270 = arith.constant 0 : i32
      %dma_start3A_271 = arith.constant 0 : i32
      %dma_start3A_272 = tpu.memref_slice %arg2[%dma_start3A_270, %dma_start3A_271] : memref<10000x128xf32, #tpu.memory_space<hbm>> -> memref<10000x128xf32, #tpu.memory_space<hbm>>
      tpu.enqueue_indirect_dma source(%dma_start3A_272 : memref<10000x128xf32, #tpu.memory_space<hbm>>) target(%arg7 : memref<128x128xf32, #tpu.memory_space<vmem>>) offsets(%dma_start3A_269 : memref<128xi32, #tpu.memory_space<vmem>>) semaphore(%arg14 : memref<!tpu.dma_semaphore, #tpu.memory_space<semaphore_mem>>)
      %dma_wait3A_273 = arith.constant 0 : i32
      %dma_wait3A_274 = arith.constant 0 : i32
      %dma_wait3A_275 = arith.constant 0 : i32
      %dma_wait3A_276 = tpu.memref_slice %arg5[%dma_wait3A_273, %dma_wait3A_274, %dma_wait3A_275] : memref<4x2x128xi32, #tpu.memory_space<vmem>> -> memref<1x1x128xi32, #tpu.memory_space<vmem>>
      %dma_wait3A_277 = tpu.memref_squeeze %dma_wait3A_276 : memref<1x1x128xi32, #tpu.memory_space<vmem>> -> memref<128xi32, #tpu.memory_space<vmem>>
      %dma_wait3A_278 = arith.constant 0 : i32
      %dma_wait3A_279 = arith.constant 0 : i32
      %dma_wait3A_280 = tpu.memref_slice %arg2[%dma_wait3A_278, %dma_wait3A_279] : memref<10000x128xf32, #tpu.memory_space<hbm>> -> memref<10000x128xf32, #tpu.memory_space<hbm>>
      tpu.wait_indirect_dma semaphore(%arg13 : memref<!tpu.dma_semaphore, #tpu.memory_space<semaphore_mem>>) src(%dma_wait3A_280 : memref<10000x128xf32, #tpu.memory_space<hbm>>) dst(%arg6 : memref<128x128xf32, #tpu.memory_space<vmem>>)
      %run_scoped3A_281 = arith.constant 0 : i32
      %run_scoped3A_282 = arith.constant 1 : i32
      "tpu.region"() ({
        %run_scoped3A_473 = tpu.sem_alloc : memref<!tpu.dma_semaphore, #tpu.memory_space<semaphore_mem>>
        %dma_start3A_474 = arith.constant 0 : i32
        %dma_start3A_475 = tpu.memref_slice %arg5[%run_scoped3A_281, %run_scoped3A_282, %dma_start3A_474] : memref<4x2x128xi32, #tpu.memory_space<vmem>> -> memref<1x1x128xi32, #tpu.memory_space<vmem>>
        %dma_start3A_476 = tpu.memref_squeeze %dma_start3A_475 : memref<1x1x128xi32, #tpu.memory_space<vmem>> -> memref<128xi32, #tpu.memory_space<vmem>>
        %dma_start3A_477 = arith.constant 0 : i32
        %dma_start3A_478 = arith.constant 0 : i32
        %dma_start3A_479 = tpu.memref_slice %arg8[%dma_start3A_477, %dma_start3A_478] : memref<10112x128xf32, #tpu.memory_space<vmem_shared>> -> memref<10112x128xf32, #tpu.memory_space<vmem_shared>>
        tpu.enqueue_indirect_dma source(%arg6 : memref<128x128xf32, #tpu.memory_space<vmem>>) target(%dma_start3A_479 : memref<10112x128xf32, #tpu.memory_space<vmem_shared>>) offsets(%dma_start3A_476 : memref<128xi32, #tpu.memory_space<vmem>>) semaphore(%run_scoped3A_473 : memref<!tpu.dma_semaphore, #tpu.memory_space<semaphore_mem>>) {add = true}
        %dma_wait3A_480 = arith.constant 0 : i32
        %dma_wait3A_481 = tpu.memref_slice %arg5[%run_scoped3A_281, %run_scoped3A_282, %dma_wait3A_480] : memref<4x2x128xi32, #tpu.memory_space<vmem>> -> memref<1x1x128xi32, #tpu.memory_space<vmem>>
        %dma_wait3A_482 = tpu.memref_squeeze %dma_wait3A_481 : memref<1x1x128xi32, #tpu.memory_space<vmem>> -> memref<128xi32, #tpu.memory_space<vmem>>
        %dma_wait3A_483 = arith.constant 0 : i32
        %dma_wait3A_484 = arith.constant 0 : i32
        %dma_wait3A_485 = tpu.memref_slice %arg8[%dma_wait3A_483, %dma_wait3A_484] : memref<10112x128xf32, #tpu.memory_space<vmem_shared>> -> memref<10112x128xf32, #tpu.memory_space<vmem_shared>>
        tpu.wait_indirect_dma semaphore(%run_scoped3A_473 : memref<!tpu.dma_semaphore, #tpu.memory_space<semaphore_mem>>) src(%arg6 : memref<128x128xf32, #tpu.memory_space<vmem>>) dst(%dma_wait3A_485 : memref<10112x128xf32, #tpu.memory_space<vmem_shared>>)
        tpu.yield
      }) : () -> ()
      %add3A_283 = arith.constant 4 : i32
      %add3A_284 = arith.addi %add3A_246, %add3A_283 : i32
      %dma_start3A_285 = arith.constant 0 : i32
      %dma_start3A_286 = arith.constant 0 : i32
      %dma_start3A_287 = arith.constant 0 : i32
      %dma_start3A_288 = tpu.memref_slice %arg5[%dma_start3A_285, %dma_start3A_286, %dma_start3A_287] : memref<4x2x128xi32, #tpu.memory_space<vmem>> -> memref<1x2x128xi32, #tpu.memory_space<vmem>>
      %dma_start3A_289 = tpu.memref_squeeze %dma_start3A_288 : memref<1x2x128xi32, #tpu.memory_space<vmem>> -> memref<2x128xi32, #tpu.memory_space<vmem>>
      %dma_start3A_290 = arith.constant 0 : i32
      %dma_start3A_291 = arith.constant 0 : i32
      %dma_start3A_292 = tpu.memref_slice %arg3[%add3A, %add3A_284, %dma_start3A_290, %dma_start3A_291] : memref<32x80x2x128xi32, #tpu.memory_space<hbm>> -> memref<1x1x2x128xi32, #tpu.memory_space<hbm>>
      %dma_start3A_293 = tpu.memref_squeeze %dma_start3A_292 : memref<1x1x2x128xi32, #tpu.memory_space<hbm>> -> memref<2x128xi32, #tpu.memory_space<hbm>>
      %dma_start3A_294 = arith.constant 0 : i32
      %dma_start3A_295 = arith.constant 0 : i32
      %dma_start3A_296 = tpu.memref_slice %arg5[%dma_start3A_285, %dma_start3A_294, %dma_start3A_295] : memref<4x2x128xi32, #tpu.memory_space<vmem>> -> memref<1x2x128xi32, #tpu.memory_space<vmem>>
      %dma_start3A_297 = tpu.memref_squeeze %dma_start3A_296 : memref<1x2x128xi32, #tpu.memory_space<vmem>> -> memref<2x128xi32, #tpu.memory_space<vmem>>
      %dma_start3A_298 = arith.constant 0 : i32
      %dma_start3A_299 = arith.constant 0 : i32
      %dma_start3A_300 = tpu.memref_slice %arg3[%add3A, %add3A_284, %dma_start3A_298, %dma_start3A_299] : memref<32x80x2x128xi32, #tpu.memory_space<hbm>> -> memref<1x1x2x128xi32, #tpu.memory_space<hbm>>
      %dma_start3A_301 = tpu.memref_squeeze %dma_start3A_300 : memref<1x1x2x128xi32, #tpu.memory_space<hbm>> -> memref<2x128xi32, #tpu.memory_space<hbm>>
      tpu.enqueue_dma source(%dma_start3A_301 : memref<2x128xi32, #tpu.memory_space<hbm>>) target(%dma_start3A_297 : memref<2x128xi32, #tpu.memory_space<vmem>>) target_semaphore(%arg9 : memref<!tpu.dma_semaphore, #tpu.memory_space<semaphore_mem>>)
      %add3A_302 = arith.constant 1 : i32
      %add3A_303 = arith.addi %add3A_244, %add3A_302 : i32
      %dma_wait3A_304 = arith.constant 0 : i32
      %dma_wait3A_305 = arith.constant 2 : i32
      %dma_wait3A_306 = arith.constant 0 : i32
      %dma_wait3A_307 = arith.constant 0 : i32
      %dma_wait3A_308 = tpu.memref_slice %arg5[%dma_wait3A_305, %dma_wait3A_306, %dma_wait3A_307] : memref<4x2x128xi32, #tpu.memory_space<vmem>> -> memref<1x2x128xi32, #tpu.memory_space<vmem>>
      %dma_wait3A_309 = tpu.memref_squeeze %dma_wait3A_308 : memref<1x2x128xi32, #tpu.memory_space<vmem>> -> memref<2x128xi32, #tpu.memory_space<vmem>>
      %dma_wait3A_310 = arith.constant 0 : i32
      %dma_wait3A_311 = arith.constant 0 : i32
      %dma_wait3A_312 = tpu.memref_slice %arg3[%add3A, %dma_wait3A_304, %dma_wait3A_310, %dma_wait3A_311] : memref<32x80x2x128xi32, #tpu.memory_space<hbm>> -> memref<1x1x2x128xi32, #tpu.memory_space<hbm>>
      %dma_wait3A_313 = tpu.memref_squeeze %dma_wait3A_312 : memref<1x1x2x128xi32, #tpu.memory_space<hbm>> -> memref<2x128xi32, #tpu.memory_space<hbm>>
      %dma_wait3A_314 = arith.constant 0 : i32
      %dma_wait3A_315 = arith.constant 0 : i32
      %dma_wait3A_316 = tpu.memref_slice %arg5[%dma_wait3A_305, %dma_wait3A_314, %dma_wait3A_315] : memref<4x2x128xi32, #tpu.memory_space<vmem>> -> memref<1x2x128xi32, #tpu.memory_space<vmem>>
      %dma_wait3A_317 = tpu.memref_squeeze %dma_wait3A_316 : memref<1x2x128xi32, #tpu.memory_space<vmem>> -> memref<2x128xi32, #tpu.memory_space<vmem>>
      %dma_wait3A_318 = arith.constant 0 : i32
      %dma_wait3A_319 = arith.constant 0 : i32
      %dma_wait3A_320 = tpu.memref_slice %arg3[%add3A, %dma_wait3A_304, %dma_wait3A_318, %dma_wait3A_319] : memref<32x80x2x128xi32, #tpu.memory_space<hbm>> -> memref<1x1x2x128xi32, #tpu.memory_space<hbm>>
      %dma_wait3A_321 = tpu.memref_squeeze %dma_wait3A_320 : memref<1x1x2x128xi32, #tpu.memory_space<hbm>> -> memref<2x128xi32, #tpu.memory_space<hbm>>
      tpu.wait_dma2 semaphore(%arg11 : memref<!tpu.dma_semaphore, #tpu.memory_space<semaphore_mem>>) src(%dma_wait3A_321 : memref<2x128xi32, #tpu.memory_space<hbm>>) dst(%dma_wait3A_317 : memref<2x128xi32, #tpu.memory_space<vmem>>)
      %dma_start3A_322 = arith.constant 2 : i32
      %dma_start3A_323 = arith.constant 0 : i32
      %dma_start3A_324 = arith.constant 0 : i32
      %dma_start3A_325 = tpu.memref_slice %arg5[%dma_start3A_322, %dma_start3A_323, %dma_start3A_324] : memref<4x2x128xi32, #tpu.memory_space<vmem>> -> memref<1x1x128xi32, #tpu.memory_space<vmem>>
      %dma_start3A_326 = tpu.memref_squeeze %dma_start3A_325 : memref<1x1x128xi32, #tpu.memory_space<vmem>> -> memref<128xi32, #tpu.memory_space<vmem>>
      %dma_start3A_327 = arith.constant 0 : i32
      %dma_start3A_328 = arith.constant 0 : i32
      %dma_start3A_329 = tpu.memref_slice %arg2[%dma_start3A_327, %dma_start3A_328] : memref<10000x128xf32, #tpu.memory_space<hbm>> -> memref<10000x128xf32, #tpu.memory_space<hbm>>
      tpu.enqueue_indirect_dma source(%dma_start3A_329 : memref<10000x128xf32, #tpu.memory_space<hbm>>) target(%arg6 : memref<128x128xf32, #tpu.memory_space<vmem>>) offsets(%dma_start3A_326 : memref<128xi32, #tpu.memory_space<vmem>>) semaphore(%arg13 : memref<!tpu.dma_semaphore, #tpu.memory_space<semaphore_mem>>)
      %dma_wait3A_330 = arith.constant 0 : i32
      %dma_wait3A_331 = arith.constant 0 : i32
      %dma_wait3A_332 = arith.constant 0 : i32
      %dma_wait3A_333 = tpu.memref_slice %arg5[%dma_wait3A_330, %dma_wait3A_331, %dma_wait3A_332] : memref<4x2x128xi32, #tpu.memory_space<vmem>> -> memref<1x1x128xi32, #tpu.memory_space<vmem>>
      %dma_wait3A_334 = tpu.memref_squeeze %dma_wait3A_333 : memref<1x1x128xi32, #tpu.memory_space<vmem>> -> memref<128xi32, #tpu.memory_space<vmem>>
      %dma_wait3A_335 = arith.constant 0 : i32
      %dma_wait3A_336 = arith.constant 0 : i32
      %dma_wait3A_337 = tpu.memref_slice %arg2[%dma_wait3A_335, %dma_wait3A_336] : memref<10000x128xf32, #tpu.memory_space<hbm>> -> memref<10000x128xf32, #tpu.memory_space<hbm>>
      tpu.wait_indirect_dma semaphore(%arg14 : memref<!tpu.dma_semaphore, #tpu.memory_space<semaphore_mem>>) src(%dma_wait3A_337 : memref<10000x128xf32, #tpu.memory_space<hbm>>) dst(%arg7 : memref<128x128xf32, #tpu.memory_space<vmem>>)
      %run_scoped3A_338 = arith.constant 1 : i32
      %run_scoped3A_339 = arith.constant 1 : i32
      "tpu.region"() ({
        %run_scoped3A_473 = tpu.sem_alloc : memref<!tpu.dma_semaphore, #tpu.memory_space<semaphore_mem>>
        %dma_start3A_474 = arith.constant 0 : i32
        %dma_start3A_475 = tpu.memref_slice %arg5[%run_scoped3A_338, %run_scoped3A_339, %dma_start3A_474] : memref<4x2x128xi32, #tpu.memory_space<vmem>> -> memref<1x1x128xi32, #tpu.memory_space<vmem>>
        %dma_start3A_476 = tpu.memref_squeeze %dma_start3A_475 : memref<1x1x128xi32, #tpu.memory_space<vmem>> -> memref<128xi32, #tpu.memory_space<vmem>>
        %dma_start3A_477 = arith.constant 0 : i32
        %dma_start3A_478 = arith.constant 0 : i32
        %dma_start3A_479 = tpu.memref_slice %arg8[%dma_start3A_477, %dma_start3A_478] : memref<10112x128xf32, #tpu.memory_space<vmem_shared>> -> memref<10112x128xf32, #tpu.memory_space<vmem_shared>>
        tpu.enqueue_indirect_dma source(%arg7 : memref<128x128xf32, #tpu.memory_space<vmem>>) target(%dma_start3A_479 : memref<10112x128xf32, #tpu.memory_space<vmem_shared>>) offsets(%dma_start3A_476 : memref<128xi32, #tpu.memory_space<vmem>>) semaphore(%run_scoped3A_473 : memref<!tpu.dma_semaphore, #tpu.memory_space<semaphore_mem>>) {add = true}
        %dma_wait3A_480 = arith.constant 0 : i32
        %dma_wait3A_481 = tpu.memref_slice %arg5[%run_scoped3A_338, %run_scoped3A_339, %dma_wait3A_480] : memref<4x2x128xi32, #tpu.memory_space<vmem>> -> memref<1x1x128xi32, #tpu.memory_space<vmem>>
        %dma_wait3A_482 = tpu.memref_squeeze %dma_wait3A_481 : memref<1x1x128xi32, #tpu.memory_space<vmem>> -> memref<128xi32, #tpu.memory_space<vmem>>
        %dma_wait3A_483 = arith.constant 0 : i32
        %dma_wait3A_484 = arith.constant 0 : i32
        %dma_wait3A_485 = tpu.memref_slice %arg8[%dma_wait3A_483, %dma_wait3A_484] : memref<10112x128xf32, #tpu.memory_space<vmem_shared>> -> memref<10112x128xf32, #tpu.memory_space<vmem_shared>>
        tpu.wait_indirect_dma semaphore(%run_scoped3A_473 : memref<!tpu.dma_semaphore, #tpu.memory_space<semaphore_mem>>) src(%arg7 : memref<128x128xf32, #tpu.memory_space<vmem>>) dst(%dma_wait3A_485 : memref<10112x128xf32, #tpu.memory_space<vmem_shared>>)
        tpu.yield
      }) : () -> ()
      %add3A_340 = arith.constant 4 : i32
      %add3A_341 = arith.addi %add3A_303, %add3A_340 : i32
      %dma_start3A_342 = arith.constant 1 : i32
      %dma_start3A_343 = arith.constant 0 : i32
      %dma_start3A_344 = arith.constant 0 : i32
      %dma_start3A_345 = tpu.memref_slice %arg5[%dma_start3A_342, %dma_start3A_343, %dma_start3A_344] : memref<4x2x128xi32, #tpu.memory_space<vmem>> -> memref<1x2x128xi32, #tpu.memory_space<vmem>>
      %dma_start3A_346 = tpu.memref_squeeze %dma_start3A_345 : memref<1x2x128xi32, #tpu.memory_space<vmem>> -> memref<2x128xi32, #tpu.memory_space<vmem>>
      %dma_start3A_347 = arith.constant 0 : i32
      %dma_start3A_348 = arith.constant 0 : i32
      %dma_start3A_349 = tpu.memref_slice %arg3[%add3A, %add3A_341, %dma_start3A_347, %dma_start3A_348] : memref<32x80x2x128xi32, #tpu.memory_space<hbm>> -> memref<1x1x2x128xi32, #tpu.memory_space<hbm>>
      %dma_start3A_350 = tpu.memref_squeeze %dma_start3A_349 : memref<1x1x2x128xi32, #tpu.memory_space<hbm>> -> memref<2x128xi32, #tpu.memory_space<hbm>>
      %dma_start3A_351 = arith.constant 0 : i32
      %dma_start3A_352 = arith.constant 0 : i32
      %dma_start3A_353 = tpu.memref_slice %arg5[%dma_start3A_342, %dma_start3A_351, %dma_start3A_352] : memref<4x2x128xi32, #tpu.memory_space<vmem>> -> memref<1x2x128xi32, #tpu.memory_space<vmem>>
      %dma_start3A_354 = tpu.memref_squeeze %dma_start3A_353 : memref<1x2x128xi32, #tpu.memory_space<vmem>> -> memref<2x128xi32, #tpu.memory_space<vmem>>
      %dma_start3A_355 = arith.constant 0 : i32
      %dma_start3A_356 = arith.constant 0 : i32
      %dma_start3A_357 = tpu.memref_slice %arg3[%add3A, %add3A_341, %dma_start3A_355, %dma_start3A_356] : memref<32x80x2x128xi32, #tpu.memory_space<hbm>> -> memref<1x1x2x128xi32, #tpu.memory_space<hbm>>
      %dma_start3A_358 = tpu.memref_squeeze %dma_start3A_357 : memref<1x1x2x128xi32, #tpu.memory_space<hbm>> -> memref<2x128xi32, #tpu.memory_space<hbm>>
      tpu.enqueue_dma source(%dma_start3A_358 : memref<2x128xi32, #tpu.memory_space<hbm>>) target(%dma_start3A_354 : memref<2x128xi32, #tpu.memory_space<vmem>>) target_semaphore(%arg10 : memref<!tpu.dma_semaphore, #tpu.memory_space<semaphore_mem>>)
      %add3A_359 = arith.constant 2 : i32
      %add3A_360 = arith.addi %add3A_244, %add3A_359 : i32
      %dma_wait3A_361 = arith.constant 0 : i32
      %dma_wait3A_362 = arith.constant 3 : i32
      %dma_wait3A_363 = arith.constant 0 : i32
      %dma_wait3A_364 = arith.constant 0 : i32
      %dma_wait3A_365 = tpu.memref_slice %arg5[%dma_wait3A_362, %dma_wait3A_363, %dma_wait3A_364] : memref<4x2x128xi32, #tpu.memory_space<vmem>> -> memref<1x2x128xi32, #tpu.memory_space<vmem>>
      %dma_wait3A_366 = tpu.memref_squeeze %dma_wait3A_365 : memref<1x2x128xi32, #tpu.memory_space<vmem>> -> memref<2x128xi32, #tpu.memory_space<vmem>>
      %dma_wait3A_367 = arith.constant 0 : i32
      %dma_wait3A_368 = arith.constant 0 : i32
      %dma_wait3A_369 = tpu.memref_slice %arg3[%add3A, %dma_wait3A_361, %dma_wait3A_367, %dma_wait3A_368] : memref<32x80x2x128xi32, #tpu.memory_space<hbm>> -> memref<1x1x2x128xi32, #tpu.memory_space<hbm>>
      %dma_wait3A_370 = tpu.memref_squeeze %dma_wait3A_369 : memref<1x1x2x128xi32, #tpu.memory_space<hbm>> -> memref<2x128xi32, #tpu.memory_space<hbm>>
      %dma_wait3A_371 = arith.constant 0 : i32
      %dma_wait3A_372 = arith.constant 0 : i32
      %dma_wait3A_373 = tpu.memref_slice %arg5[%dma_wait3A_362, %dma_wait3A_371, %dma_wait3A_372] : memref<4x2x128xi32, #tpu.memory_space<vmem>> -> memref<1x2x128xi32, #tpu.memory_space<vmem>>
      %dma_wait3A_374 = tpu.memref_squeeze %dma_wait3A_373 : memref<1x2x128xi32, #tpu.memory_space<vmem>> -> memref<2x128xi32, #tpu.memory_space<vmem>>
      %dma_wait3A_375 = arith.constant 0 : i32
      %dma_wait3A_376 = arith.constant 0 : i32
      %dma_wait3A_377 = tpu.memref_slice %arg3[%add3A, %dma_wait3A_361, %dma_wait3A_375, %dma_wait3A_376] : memref<32x80x2x128xi32, #tpu.memory_space<hbm>> -> memref<1x1x2x128xi32, #tpu.memory_space<hbm>>
      %dma_wait3A_378 = tpu.memref_squeeze %dma_wait3A_377 : memref<1x1x2x128xi32, #tpu.memory_space<hbm>> -> memref<2x128xi32, #tpu.memory_space<hbm>>
      tpu.wait_dma2 semaphore(%arg12 : memref<!tpu.dma_semaphore, #tpu.memory_space<semaphore_mem>>) src(%dma_wait3A_378 : memref<2x128xi32, #tpu.memory_space<hbm>>) dst(%dma_wait3A_374 : memref<2x128xi32, #tpu.memory_space<vmem>>)
      %dma_start3A_379 = arith.constant 3 : i32
      %dma_start3A_380 = arith.constant 0 : i32
      %dma_start3A_381 = arith.constant 0 : i32
      %dma_start3A_382 = tpu.memref_slice %arg5[%dma_start3A_379, %dma_start3A_380, %dma_start3A_381] : memref<4x2x128xi32, #tpu.memory_space<vmem>> -> memref<1x1x128xi32, #tpu.memory_space<vmem>>
      %dma_start3A_383 = tpu.memref_squeeze %dma_start3A_382 : memref<1x1x128xi32, #tpu.memory_space<vmem>> -> memref<128xi32, #tpu.memory_space<vmem>>
      %dma_start3A_384 = arith.constant 0 : i32
      %dma_start3A_385 = arith.constant 0 : i32
      %dma_start3A_386 = tpu.memref_slice %arg2[%dma_start3A_384, %dma_start3A_385] : memref<10000x128xf32, #tpu.memory_space<hbm>> -> memref<10000x128xf32, #tpu.memory_space<hbm>>
      tpu.enqueue_indirect_dma source(%dma_start3A_386 : memref<10000x128xf32, #tpu.memory_space<hbm>>) target(%arg7 : memref<128x128xf32, #tpu.memory_space<vmem>>) offsets(%dma_start3A_383 : memref<128xi32, #tpu.memory_space<vmem>>) semaphore(%arg14 : memref<!tpu.dma_semaphore, #tpu.memory_space<semaphore_mem>>)
      %dma_wait3A_387 = arith.constant 0 : i32
      %dma_wait3A_388 = arith.constant 0 : i32
      %dma_wait3A_389 = arith.constant 0 : i32
      %dma_wait3A_390 = tpu.memref_slice %arg5[%dma_wait3A_387, %dma_wait3A_388, %dma_wait3A_389] : memref<4x2x128xi32, #tpu.memory_space<vmem>> -> memref<1x1x128xi32, #tpu.memory_space<vmem>>
      %dma_wait3A_391 = tpu.memref_squeeze %dma_wait3A_390 : memref<1x1x128xi32, #tpu.memory_space<vmem>> -> memref<128xi32, #tpu.memory_space<vmem>>
      %dma_wait3A_392 = arith.constant 0 : i32
      %dma_wait3A_393 = arith.constant 0 : i32
      %dma_wait3A_394 = tpu.memref_slice %arg2[%dma_wait3A_392, %dma_wait3A_393] : memref<10000x128xf32, #tpu.memory_space<hbm>> -> memref<10000x128xf32, #tpu.memory_space<hbm>>
      tpu.wait_indirect_dma semaphore(%arg13 : memref<!tpu.dma_semaphore, #tpu.memory_space<semaphore_mem>>) src(%dma_wait3A_394 : memref<10000x128xf32, #tpu.memory_space<hbm>>) dst(%arg6 : memref<128x128xf32, #tpu.memory_space<vmem>>)
      %run_scoped3A_395 = arith.constant 2 : i32
      %run_scoped3A_396 = arith.constant 1 : i32
      "tpu.region"() ({
        %run_scoped3A_473 = tpu.sem_alloc : memref<!tpu.dma_semaphore, #tpu.memory_space<semaphore_mem>>
        %dma_start3A_474 = arith.constant 0 : i32
        %dma_start3A_475 = tpu.memref_slice %arg5[%run_scoped3A_395, %run_scoped3A_396, %dma_start3A_474] : memref<4x2x128xi32, #tpu.memory_space<vmem>> -> memref<1x1x128xi32, #tpu.memory_space<vmem>>
        %dma_start3A_476 = tpu.memref_squeeze %dma_start3A_475 : memref<1x1x128xi32, #tpu.memory_space<vmem>> -> memref<128xi32, #tpu.memory_space<vmem>>
        %dma_start3A_477 = arith.constant 0 : i32
        %dma_start3A_478 = arith.constant 0 : i32
        %dma_start3A_479 = tpu.memref_slice %arg8[%dma_start3A_477, %dma_start3A_478] : memref<10112x128xf32, #tpu.memory_space<vmem_shared>> -> memref<10112x128xf32, #tpu.memory_space<vmem_shared>>
        tpu.enqueue_indirect_dma source(%arg6 : memref<128x128xf32, #tpu.memory_space<vmem>>) target(%dma_start3A_479 : memref<10112x128xf32, #tpu.memory_space<vmem_shared>>) offsets(%dma_start3A_476 : memref<128xi32, #tpu.memory_space<vmem>>) semaphore(%run_scoped3A_473 : memref<!tpu.dma_semaphore, #tpu.memory_space<semaphore_mem>>) {add = true}
        %dma_wait3A_480 = arith.constant 0 : i32
        %dma_wait3A_481 = tpu.memref_slice %arg5[%run_scoped3A_395, %run_scoped3A_396, %dma_wait3A_480] : memref<4x2x128xi32, #tpu.memory_space<vmem>> -> memref<1x1x128xi32, #tpu.memory_space<vmem>>
        %dma_wait3A_482 = tpu.memref_squeeze %dma_wait3A_481 : memref<1x1x128xi32, #tpu.memory_space<vmem>> -> memref<128xi32, #tpu.memory_space<vmem>>
        %dma_wait3A_483 = arith.constant 0 : i32
        %dma_wait3A_484 = arith.constant 0 : i32
        %dma_wait3A_485 = tpu.memref_slice %arg8[%dma_wait3A_483, %dma_wait3A_484] : memref<10112x128xf32, #tpu.memory_space<vmem_shared>> -> memref<10112x128xf32, #tpu.memory_space<vmem_shared>>
        tpu.wait_indirect_dma semaphore(%run_scoped3A_473 : memref<!tpu.dma_semaphore, #tpu.memory_space<semaphore_mem>>) src(%arg6 : memref<128x128xf32, #tpu.memory_space<vmem>>) dst(%dma_wait3A_485 : memref<10112x128xf32, #tpu.memory_space<vmem_shared>>)
        tpu.yield
      }) : () -> ()
      %add3A_397 = arith.constant 4 : i32
      %add3A_398 = arith.addi %add3A_360, %add3A_397 : i32
      %dma_start3A_399 = arith.constant 2 : i32
      %dma_start3A_400 = arith.constant 0 : i32
      %dma_start3A_401 = arith.constant 0 : i32
      %dma_start3A_402 = tpu.memref_slice %arg5[%dma_start3A_399, %dma_start3A_400, %dma_start3A_401] : memref<4x2x128xi32, #tpu.memory_space<vmem>> -> memref<1x2x128xi32, #tpu.memory_space<vmem>>
      %dma_start3A_403 = tpu.memref_squeeze %dma_start3A_402 : memref<1x2x128xi32, #tpu.memory_space<vmem>> -> memref<2x128xi32, #tpu.memory_space<vmem>>
      %dma_start3A_404 = arith.constant 0 : i32
      %dma_start3A_405 = arith.constant 0 : i32
      %dma_start3A_406 = tpu.memref_slice %arg3[%add3A, %add3A_398, %dma_start3A_404, %dma_start3A_405] : memref<32x80x2x128xi32, #tpu.memory_space<hbm>> -> memref<1x1x2x128xi32, #tpu.memory_space<hbm>>
      %dma_start3A_407 = tpu.memref_squeeze %dma_start3A_406 : memref<1x1x2x128xi32, #tpu.memory_space<hbm>> -> memref<2x128xi32, #tpu.memory_space<hbm>>
      %dma_start3A_408 = arith.constant 0 : i32
      %dma_start3A_409 = arith.constant 0 : i32
      %dma_start3A_410 = tpu.memref_slice %arg5[%dma_start3A_399, %dma_start3A_408, %dma_start3A_409] : memref<4x2x128xi32, #tpu.memory_space<vmem>> -> memref<1x2x128xi32, #tpu.memory_space<vmem>>
      %dma_start3A_411 = tpu.memref_squeeze %dma_start3A_410 : memref<1x2x128xi32, #tpu.memory_space<vmem>> -> memref<2x128xi32, #tpu.memory_space<vmem>>
      %dma_start3A_412 = arith.constant 0 : i32
      %dma_start3A_413 = arith.constant 0 : i32
      %dma_start3A_414 = tpu.memref_slice %arg3[%add3A, %add3A_398, %dma_start3A_412, %dma_start3A_413] : memref<32x80x2x128xi32, #tpu.memory_space<hbm>> -> memref<1x1x2x128xi32, #tpu.memory_space<hbm>>
      %dma_start3A_415 = tpu.memref_squeeze %dma_start3A_414 : memref<1x1x2x128xi32, #tpu.memory_space<hbm>> -> memref<2x128xi32, #tpu.memory_space<hbm>>
      tpu.enqueue_dma source(%dma_start3A_415 : memref<2x128xi32, #tpu.memory_space<hbm>>) target(%dma_start3A_411 : memref<2x128xi32, #tpu.memory_space<vmem>>) target_semaphore(%arg11 : memref<!tpu.dma_semaphore, #tpu.memory_space<semaphore_mem>>)
      %add3A_416 = arith.constant 3 : i32
      %add3A_417 = arith.addi %add3A_244, %add3A_416 : i32
      %dma_wait3A_418 = arith.constant 0 : i32
      %dma_wait3A_419 = arith.constant 0 : i32
      %dma_wait3A_420 = arith.constant 0 : i32
      %dma_wait3A_421 = arith.constant 0 : i32
      %dma_wait3A_422 = tpu.memref_slice %arg5[%dma_wait3A_419, %dma_wait3A_420, %dma_wait3A_421] : memref<4x2x128xi32, #tpu.memory_space<vmem>> -> memref<1x2x128xi32, #tpu.memory_space<vmem>>
      %dma_wait3A_423 = tpu.memref_squeeze %dma_wait3A_422 : memref<1x2x128xi32, #tpu.memory_space<vmem>> -> memref<2x128xi32, #tpu.memory_space<vmem>>
      %dma_wait3A_424 = arith.constant 0 : i32
      %dma_wait3A_425 = arith.constant 0 : i32
      %dma_wait3A_426 = tpu.memref_slice %arg3[%add3A, %dma_wait3A_418, %dma_wait3A_424, %dma_wait3A_425] : memref<32x80x2x128xi32, #tpu.memory_space<hbm>> -> memref<1x1x2x128xi32, #tpu.memory_space<hbm>>
      %dma_wait3A_427 = tpu.memref_squeeze %dma_wait3A_426 : memref<1x1x2x128xi32, #tpu.memory_space<hbm>> -> memref<2x128xi32, #tpu.memory_space<hbm>>
      %dma_wait3A_428 = arith.constant 0 : i32
      %dma_wait3A_429 = arith.constant 0 : i32
      %dma_wait3A_430 = tpu.memref_slice %arg5[%dma_wait3A_419, %dma_wait3A_428, %dma_wait3A_429] : memref<4x2x128xi32, #tpu.memory_space<vmem>> -> memref<1x2x128xi32, #tpu.memory_space<vmem>>
      %dma_wait3A_431 = tpu.memref_squeeze %dma_wait3A_430 : memref<1x2x128xi32, #tpu.memory_space<vmem>> -> memref<2x128xi32, #tpu.memory_space<vmem>>
      %dma_wait3A_432 = arith.constant 0 : i32
      %dma_wait3A_433 = arith.constant 0 : i32
      %dma_wait3A_434 = tpu.memref_slice %arg3[%add3A, %dma_wait3A_418, %dma_wait3A_432, %dma_wait3A_433] : memref<32x80x2x128xi32, #tpu.memory_space<hbm>> -> memref<1x1x2x128xi32, #tpu.memory_space<hbm>>
      %dma_wait3A_435 = tpu.memref_squeeze %dma_wait3A_434 : memref<1x1x2x128xi32, #tpu.memory_space<hbm>> -> memref<2x128xi32, #tpu.memory_space<hbm>>
      tpu.wait_dma2 semaphore(%arg9 : memref<!tpu.dma_semaphore, #tpu.memory_space<semaphore_mem>>) src(%dma_wait3A_435 : memref<2x128xi32, #tpu.memory_space<hbm>>) dst(%dma_wait3A_431 : memref<2x128xi32, #tpu.memory_space<vmem>>)
      %dma_start3A_436 = arith.constant 0 : i32
      %dma_start3A_437 = arith.constant 0 : i32
      %dma_start3A_438 = arith.constant 0 : i32
      %dma_start3A_439 = tpu.memref_slice %arg5[%dma_start3A_436, %dma_start3A_437, %dma_start3A_438] : memref<4x2x128xi32, #tpu.memory_space<vmem>> -> memref<1x1x128xi32, #tpu.memory_space<vmem>>
      %dma_start3A_440 = tpu.memref_squeeze %dma_start3A_439 : memref<1x1x128xi32, #tpu.memory_space<vmem>> -> memref<128xi32, #tpu.memory_space<vmem>>
      %dma_start3A_441 = arith.constant 0 : i32
      %dma_start3A_442 = arith.constant 0 : i32
      %dma_start3A_443 = tpu.memref_slice %arg2[%dma_start3A_441, %dma_start3A_442] : memref<10000x128xf32, #tpu.memory_space<hbm>> -> memref<10000x128xf32, #tpu.memory_space<hbm>>
      tpu.enqueue_indirect_dma source(%dma_start3A_443 : memref<10000x128xf32, #tpu.memory_space<hbm>>) target(%arg6 : memref<128x128xf32, #tpu.memory_space<vmem>>) offsets(%dma_start3A_440 : memref<128xi32, #tpu.memory_space<vmem>>) semaphore(%arg13 : memref<!tpu.dma_semaphore, #tpu.memory_space<semaphore_mem>>)
      %dma_wait3A_444 = arith.constant 0 : i32
      %dma_wait3A_445 = arith.constant 0 : i32
      %dma_wait3A_446 = arith.constant 0 : i32
      %dma_wait3A_447 = tpu.memref_slice %arg5[%dma_wait3A_444, %dma_wait3A_445, %dma_wait3A_446] : memref<4x2x128xi32, #tpu.memory_space<vmem>> -> memref<1x1x128xi32, #tpu.memory_space<vmem>>
      %dma_wait3A_448 = tpu.memref_squeeze %dma_wait3A_447 : memref<1x1x128xi32, #tpu.memory_space<vmem>> -> memref<128xi32, #tpu.memory_space<vmem>>
      %dma_wait3A_449 = arith.constant 0 : i32
      %dma_wait3A_450 = arith.constant 0 : i32
      %dma_wait3A_451 = tpu.memref_slice %arg2[%dma_wait3A_449, %dma_wait3A_450] : memref<10000x128xf32, #tpu.memory_space<hbm>> -> memref<10000x128xf32, #tpu.memory_space<hbm>>
      tpu.wait_indirect_dma semaphore(%arg14 : memref<!tpu.dma_semaphore, #tpu.memory_space<semaphore_mem>>) src(%dma_wait3A_451 : memref<10000x128xf32, #tpu.memory_space<hbm>>) dst(%arg7 : memref<128x128xf32, #tpu.memory_space<vmem>>)
      %run_scoped3A_452 = arith.constant 3 : i32
      %run_scoped3A_453 = arith.constant 1 : i32
      "tpu.region"() ({
        %run_scoped3A_473 = tpu.sem_alloc : memref<!tpu.dma_semaphore, #tpu.memory_space<semaphore_mem>>
        %dma_start3A_474 = arith.constant 0 : i32
        %dma_start3A_475 = tpu.memref_slice %arg5[%run_scoped3A_452, %run_scoped3A_453, %dma_start3A_474] : memref<4x2x128xi32, #tpu.memory_space<vmem>> -> memref<1x1x128xi32, #tpu.memory_space<vmem>>
        %dma_start3A_476 = tpu.memref_squeeze %dma_start3A_475 : memref<1x1x128xi32, #tpu.memory_space<vmem>> -> memref<128xi32, #tpu.memory_space<vmem>>
        %dma_start3A_477 = arith.constant 0 : i32
        %dma_start3A_478 = arith.constant 0 : i32
        %dma_start3A_479 = tpu.memref_slice %arg8[%dma_start3A_477, %dma_start3A_478] : memref<10112x128xf32, #tpu.memory_space<vmem_shared>> -> memref<10112x128xf32, #tpu.memory_space<vmem_shared>>
        tpu.enqueue_indirect_dma source(%arg7 : memref<128x128xf32, #tpu.memory_space<vmem>>) target(%dma_start3A_479 : memref<10112x128xf32, #tpu.memory_space<vmem_shared>>) offsets(%dma_start3A_476 : memref<128xi32, #tpu.memory_space<vmem>>) semaphore(%run_scoped3A_473 : memref<!tpu.dma_semaphore, #tpu.memory_space<semaphore_mem>>) {add = true}
        %dma_wait3A_480 = arith.constant 0 : i32
        %dma_wait3A_481 = tpu.memref_slice %arg5[%run_scoped3A_452, %run_scoped3A_453, %dma_wait3A_480] : memref<4x2x128xi32, #tpu.memory_space<vmem>> -> memref<1x1x128xi32, #tpu.memory_space<vmem>>
        %dma_wait3A_482 = tpu.memref_squeeze %dma_wait3A_481 : memref<1x1x128xi32, #tpu.memory_space<vmem>> -> memref<128xi32, #tpu.memory_space<vmem>>
        %dma_wait3A_483 = arith.constant 0 : i32
        %dma_wait3A_484 = arith.constant 0 : i32
        %dma_wait3A_485 = tpu.memref_slice %arg8[%dma_wait3A_483, %dma_wait3A_484] : memref<10112x128xf32, #tpu.memory_space<vmem_shared>> -> memref<10112x128xf32, #tpu.memory_space<vmem_shared>>
        tpu.wait_indirect_dma semaphore(%run_scoped3A_473 : memref<!tpu.dma_semaphore, #tpu.memory_space<semaphore_mem>>) src(%arg7 : memref<128x128xf32, #tpu.memory_space<vmem>>) dst(%dma_wait3A_485 : memref<10112x128xf32, #tpu.memory_space<vmem_shared>>)
        tpu.yield
      }) : () -> ()
      %add3A_454 = arith.constant 4 : i32
      %add3A_455 = arith.addi %add3A_417, %add3A_454 : i32
      %dma_start3A_456 = arith.constant 3 : i32
      %dma_start3A_457 = arith.constant 0 : i32
      %dma_start3A_458 = arith.constant 0 : i32
      %dma_start3A_459 = tpu.memref_slice %arg5[%dma_start3A_456, %dma_start3A_457, %dma_start3A_458] : memref<4x2x128xi32, #tpu.memory_space<vmem>> -> memref<1x2x128xi32, #tpu.memory_space<vmem>>
      %dma_start3A_460 = tpu.memref_squeeze %dma_start3A_459 : memref<1x2x128xi32, #tpu.memory_space<vmem>> -> memref<2x128xi32, #tpu.memory_space<vmem>>
      %dma_start3A_461 = arith.constant 0 : i32
      %dma_start3A_462 = arith.constant 0 : i32
      %dma_start3A_463 = tpu.memref_slice %arg3[%add3A, %add3A_455, %dma_start3A_461, %dma_start3A_462] : memref<32x80x2x128xi32, #tpu.memory_space<hbm>> -> memref<1x1x2x128xi32, #tpu.memory_space<hbm>>
      %dma_start3A_464 = tpu.memref_squeeze %dma_start3A_463 : memref<1x1x2x128xi32, #tpu.memory_space<hbm>> -> memref<2x128xi32, #tpu.memory_space<hbm>>
      %dma_start3A_465 = arith.constant 0 : i32
      %dma_start3A_466 = arith.constant 0 : i32
      %dma_start3A_467 = tpu.memref_slice %arg5[%dma_start3A_456, %dma_start3A_465, %dma_start3A_466] : memref<4x2x128xi32, #tpu.memory_space<vmem>> -> memref<1x2x128xi32, #tpu.memory_space<vmem>>
      %dma_start3A_468 = tpu.memref_squeeze %dma_start3A_467 : memref<1x2x128xi32, #tpu.memory_space<vmem>> -> memref<2x128xi32, #tpu.memory_space<vmem>>
      %dma_start3A_469 = arith.constant 0 : i32
      %dma_start3A_470 = arith.constant 0 : i32
      %dma_start3A_471 = tpu.memref_slice %arg3[%add3A, %add3A_455, %dma_start3A_469, %dma_start3A_470] : memref<32x80x2x128xi32, #tpu.memory_space<hbm>> -> memref<1x1x2x128xi32, #tpu.memory_space<hbm>>
      %dma_start3A_472 = tpu.memref_squeeze %dma_start3A_471 : memref<1x1x2x128xi32, #tpu.memory_space<hbm>> -> memref<2x128xi32, #tpu.memory_space<hbm>>
      tpu.enqueue_dma source(%dma_start3A_472 : memref<2x128xi32, #tpu.memory_space<hbm>>) target(%dma_start3A_468 : memref<2x128xi32, #tpu.memory_space<vmem>>) target_semaphore(%arg12 : memref<!tpu.dma_semaphore, #tpu.memory_space<semaphore_mem>>)
    }
    %scan3A_117 = arith.constant 19 : i32
    %dma_wait3A_118 = arith.constant 0 : i32
    %dma_wait3A_119 = arith.constant 1 : i32
    %dma_wait3A_120 = arith.constant 0 : i32
    %dma_wait3A_121 = arith.constant 0 : i32
    %dma_wait3A_122 = tpu.memref_slice %arg5[%dma_wait3A_119, %dma_wait3A_120, %dma_wait3A_121] : memref<4x2x128xi32, #tpu.memory_space<vmem>> -> memref<1x2x128xi32, #tpu.memory_space<vmem>>
    %dma_wait3A_123 = tpu.memref_squeeze %dma_wait3A_122 : memref<1x2x128xi32, #tpu.memory_space<vmem>> -> memref<2x128xi32, #tpu.memory_space<vmem>>
    %dma_wait3A_124 = arith.constant 0 : i32
    %dma_wait3A_125 = arith.constant 0 : i32
    %dma_wait3A_126 = tpu.memref_slice %arg3[%add3A, %dma_wait3A_118, %dma_wait3A_124, %dma_wait3A_125] : memref<32x80x2x128xi32, #tpu.memory_space<hbm>> -> memref<1x1x2x128xi32, #tpu.memory_space<hbm>>
    %dma_wait3A_127 = tpu.memref_squeeze %dma_wait3A_126 : memref<1x1x2x128xi32, #tpu.memory_space<hbm>> -> memref<2x128xi32, #tpu.memory_space<hbm>>
    %dma_wait3A_128 = arith.constant 0 : i32
    %dma_wait3A_129 = arith.constant 0 : i32
    %dma_wait3A_130 = tpu.memref_slice %arg5[%dma_wait3A_119, %dma_wait3A_128, %dma_wait3A_129] : memref<4x2x128xi32, #tpu.memory_space<vmem>> -> memref<1x2x128xi32, #tpu.memory_space<vmem>>
    %dma_wait3A_131 = tpu.memref_squeeze %dma_wait3A_130 : memref<1x2x128xi32, #tpu.memory_space<vmem>> -> memref<2x128xi32, #tpu.memory_space<vmem>>
    %dma_wait3A_132 = arith.constant 0 : i32
    %dma_wait3A_133 = arith.constant 0 : i32
    %dma_wait3A_134 = tpu.memref_slice %arg3[%add3A, %dma_wait3A_118, %dma_wait3A_132, %dma_wait3A_133] : memref<32x80x2x128xi32, #tpu.memory_space<hbm>> -> memref<1x1x2x128xi32, #tpu.memory_space<hbm>>
    %dma_wait3A_135 = tpu.memref_squeeze %dma_wait3A_134 : memref<1x1x2x128xi32, #tpu.memory_space<hbm>> -> memref<2x128xi32, #tpu.memory_space<hbm>>
    tpu.wait_dma2 semaphore(%arg10 : memref<!tpu.dma_semaphore, #tpu.memory_space<semaphore_mem>>) src(%dma_wait3A_135 : memref<2x128xi32, #tpu.memory_space<hbm>>) dst(%dma_wait3A_131 : memref<2x128xi32, #tpu.memory_space<vmem>>)
    %dma_start3A_136 = arith.constant 1 : i32
    %dma_start3A_137 = arith.constant 0 : i32
    %dma_start3A_138 = arith.constant 0 : i32
    %dma_start3A_139 = tpu.memref_slice %arg5[%dma_start3A_136, %dma_start3A_137, %dma_start3A_138] : memref<4x2x128xi32, #tpu.memory_space<vmem>> -> memref<1x1x128xi32, #tpu.memory_space<vmem>>
    %dma_start3A_140 = tpu.memref_squeeze %dma_start3A_139 : memref<1x1x128xi32, #tpu.memory_space<vmem>> -> memref<128xi32, #tpu.memory_space<vmem>>
    %dma_start3A_141 = arith.constant 0 : i32
    %dma_start3A_142 = arith.constant 0 : i32
    %dma_start3A_143 = tpu.memref_slice %arg2[%dma_start3A_141, %dma_start3A_142] : memref<10000x128xf32, #tpu.memory_space<hbm>> -> memref<10000x128xf32, #tpu.memory_space<hbm>>
    tpu.enqueue_indirect_dma source(%dma_start3A_143 : memref<10000x128xf32, #tpu.memory_space<hbm>>) target(%arg7 : memref<128x128xf32, #tpu.memory_space<vmem>>) offsets(%dma_start3A_140 : memref<128xi32, #tpu.memory_space<vmem>>) semaphore(%arg14 : memref<!tpu.dma_semaphore, #tpu.memory_space<semaphore_mem>>)
    %dma_wait3A_144 = arith.constant 0 : i32
    %dma_wait3A_145 = arith.constant 0 : i32
    %dma_wait3A_146 = arith.constant 0 : i32
    %dma_wait3A_147 = tpu.memref_slice %arg5[%dma_wait3A_144, %dma_wait3A_145, %dma_wait3A_146] : memref<4x2x128xi32, #tpu.memory_space<vmem>> -> memref<1x1x128xi32, #tpu.memory_space<vmem>>
    %dma_wait3A_148 = tpu.memref_squeeze %dma_wait3A_147 : memref<1x1x128xi32, #tpu.memory_space<vmem>> -> memref<128xi32, #tpu.memory_space<vmem>>
    %dma_wait3A_149 = arith.constant 0 : i32
    %dma_wait3A_150 = arith.constant 0 : i32
    %dma_wait3A_151 = tpu.memref_slice %arg2[%dma_wait3A_149, %dma_wait3A_150] : memref<10000x128xf32, #tpu.memory_space<hbm>> -> memref<10000x128xf32, #tpu.memory_space<hbm>>
    tpu.wait_indirect_dma semaphore(%arg13 : memref<!tpu.dma_semaphore, #tpu.memory_space<semaphore_mem>>) src(%dma_wait3A_151 : memref<10000x128xf32, #tpu.memory_space<hbm>>) dst(%arg6 : memref<128x128xf32, #tpu.memory_space<vmem>>)
    %run_scoped3A = arith.constant 0 : i32
    %run_scoped3A_152 = arith.constant 1 : i32
    "tpu.region"() ({
      %run_scoped3A_240 = tpu.sem_alloc : memref<!tpu.dma_semaphore, #tpu.memory_space<semaphore_mem>>
      %dma_start3A_241 = arith.constant 0 : i32
      %dma_start3A_242 = tpu.memref_slice %arg5[%run_scoped3A, %run_scoped3A_152, %dma_start3A_241] : memref<4x2x128xi32, #tpu.memory_space<vmem>> -> memref<1x1x128xi32, #tpu.memory_space<vmem>>
      %dma_start3A_243 = tpu.memref_squeeze %dma_start3A_242 : memref<1x1x128xi32, #tpu.memory_space<vmem>> -> memref<128xi32, #tpu.memory_space<vmem>>
      %dma_start3A_244 = arith.constant 0 : i32
      %dma_start3A_245 = arith.constant 0 : i32
      %dma_start3A_246 = tpu.memref_slice %arg8[%dma_start3A_244, %dma_start3A_245] : memref<10112x128xf32, #tpu.memory_space<vmem_shared>> -> memref<10112x128xf32, #tpu.memory_space<vmem_shared>>
      tpu.enqueue_indirect_dma source(%arg6 : memref<128x128xf32, #tpu.memory_space<vmem>>) target(%dma_start3A_246 : memref<10112x128xf32, #tpu.memory_space<vmem_shared>>) offsets(%dma_start3A_243 : memref<128xi32, #tpu.memory_space<vmem>>) semaphore(%run_scoped3A_240 : memref<!tpu.dma_semaphore, #tpu.memory_space<semaphore_mem>>) {add = true}
      %dma_wait3A_247 = arith.constant 0 : i32
      %dma_wait3A_248 = tpu.memref_slice %arg5[%run_scoped3A, %run_scoped3A_152, %dma_wait3A_247] : memref<4x2x128xi32, #tpu.memory_space<vmem>> -> memref<1x1x128xi32, #tpu.memory_space<vmem>>
      %dma_wait3A_249 = tpu.memref_squeeze %dma_wait3A_248 : memref<1x1x128xi32, #tpu.memory_space<vmem>> -> memref<128xi32, #tpu.memory_space<vmem>>
      %dma_wait3A_250 = arith.constant 0 : i32
      %dma_wait3A_251 = arith.constant 0 : i32
      %dma_wait3A_252 = tpu.memref_slice %arg8[%dma_wait3A_250, %dma_wait3A_251] : memref<10112x128xf32, #tpu.memory_space<vmem_shared>> -> memref<10112x128xf32, #tpu.memory_space<vmem_shared>>
      tpu.wait_indirect_dma semaphore(%run_scoped3A_240 : memref<!tpu.dma_semaphore, #tpu.memory_space<semaphore_mem>>) src(%arg6 : memref<128x128xf32, #tpu.memory_space<vmem>>) dst(%dma_wait3A_252 : memref<10112x128xf32, #tpu.memory_space<vmem_shared>>)
      tpu.yield
    }) : () -> ()
    %dma_wait3A_153 = arith.constant 0 : i32
    %dma_wait3A_154 = arith.constant 2 : i32
    %dma_wait3A_155 = arith.constant 0 : i32
    %dma_wait3A_156 = arith.constant 0 : i32
    %dma_wait3A_157 = tpu.memref_slice %arg5[%dma_wait3A_154, %dma_wait3A_155, %dma_wait3A_156] : memref<4x2x128xi32, #tpu.memory_space<vmem>> -> memref<1x2x128xi32, #tpu.memory_space<vmem>>
    %dma_wait3A_158 = tpu.memref_squeeze %dma_wait3A_157 : memref<1x2x128xi32, #tpu.memory_space<vmem>> -> memref<2x128xi32, #tpu.memory_space<vmem>>
    %dma_wait3A_159 = arith.constant 0 : i32
    %dma_wait3A_160 = arith.constant 0 : i32
    %dma_wait3A_161 = tpu.memref_slice %arg3[%add3A, %dma_wait3A_153, %dma_wait3A_159, %dma_wait3A_160] : memref<32x80x2x128xi32, #tpu.memory_space<hbm>> -> memref<1x1x2x128xi32, #tpu.memory_space<hbm>>
    %dma_wait3A_162 = tpu.memref_squeeze %dma_wait3A_161 : memref<1x1x2x128xi32, #tpu.memory_space<hbm>> -> memref<2x128xi32, #tpu.memory_space<hbm>>
    %dma_wait3A_163 = arith.constant 0 : i32
    %dma_wait3A_164 = arith.constant 0 : i32
    %dma_wait3A_165 = tpu.memref_slice %arg5[%dma_wait3A_154, %dma_wait3A_163, %dma_wait3A_164] : memref<4x2x128xi32, #tpu.memory_space<vmem>> -> memref<1x2x128xi32, #tpu.memory_space<vmem>>
    %dma_wait3A_166 = tpu.memref_squeeze %dma_wait3A_165 : memref<1x2x128xi32, #tpu.memory_space<vmem>> -> memref<2x128xi32, #tpu.memory_space<vmem>>
    %dma_wait3A_167 = arith.constant 0 : i32
    %dma_wait3A_168 = arith.constant 0 : i32
    %dma_wait3A_169 = tpu.memref_slice %arg3[%add3A, %dma_wait3A_153, %dma_wait3A_167, %dma_wait3A_168] : memref<32x80x2x128xi32, #tpu.memory_space<hbm>> -> memref<1x1x2x128xi32, #tpu.memory_space<hbm>>
    %dma_wait3A_170 = tpu.memref_squeeze %dma_wait3A_169 : memref<1x1x2x128xi32, #tpu.memory_space<hbm>> -> memref<2x128xi32, #tpu.memory_space<hbm>>
    tpu.wait_dma2 semaphore(%arg11 : memref<!tpu.dma_semaphore, #tpu.memory_space<semaphore_mem>>) src(%dma_wait3A_170 : memref<2x128xi32, #tpu.memory_space<hbm>>) dst(%dma_wait3A_166 : memref<2x128xi32, #tpu.memory_space<vmem>>)
    %dma_start3A_171 = arith.constant 2 : i32
    %dma_start3A_172 = arith.constant 0 : i32
    %dma_start3A_173 = arith.constant 0 : i32
    %dma_start3A_174 = tpu.memref_slice %arg5[%dma_start3A_171, %dma_start3A_172, %dma_start3A_173] : memref<4x2x128xi32, #tpu.memory_space<vmem>> -> memref<1x1x128xi32, #tpu.memory_space<vmem>>
    %dma_start3A_175 = tpu.memref_squeeze %dma_start3A_174 : memref<1x1x128xi32, #tpu.memory_space<vmem>> -> memref<128xi32, #tpu.memory_space<vmem>>
    %dma_start3A_176 = arith.constant 0 : i32
    %dma_start3A_177 = arith.constant 0 : i32
    %dma_start3A_178 = tpu.memref_slice %arg2[%dma_start3A_176, %dma_start3A_177] : memref<10000x128xf32, #tpu.memory_space<hbm>> -> memref<10000x128xf32, #tpu.memory_space<hbm>>
    tpu.enqueue_indirect_dma source(%dma_start3A_178 : memref<10000x128xf32, #tpu.memory_space<hbm>>) target(%arg6 : memref<128x128xf32, #tpu.memory_space<vmem>>) offsets(%dma_start3A_175 : memref<128xi32, #tpu.memory_space<vmem>>) semaphore(%arg13 : memref<!tpu.dma_semaphore, #tpu.memory_space<semaphore_mem>>)
    %dma_wait3A_179 = arith.constant 0 : i32
    %dma_wait3A_180 = arith.constant 0 : i32
    %dma_wait3A_181 = arith.constant 0 : i32
    %dma_wait3A_182 = tpu.memref_slice %arg5[%dma_wait3A_179, %dma_wait3A_180, %dma_wait3A_181] : memref<4x2x128xi32, #tpu.memory_space<vmem>> -> memref<1x1x128xi32, #tpu.memory_space<vmem>>
    %dma_wait3A_183 = tpu.memref_squeeze %dma_wait3A_182 : memref<1x1x128xi32, #tpu.memory_space<vmem>> -> memref<128xi32, #tpu.memory_space<vmem>>
    %dma_wait3A_184 = arith.constant 0 : i32
    %dma_wait3A_185 = arith.constant 0 : i32
    %dma_wait3A_186 = tpu.memref_slice %arg2[%dma_wait3A_184, %dma_wait3A_185] : memref<10000x128xf32, #tpu.memory_space<hbm>> -> memref<10000x128xf32, #tpu.memory_space<hbm>>
    tpu.wait_indirect_dma semaphore(%arg14 : memref<!tpu.dma_semaphore, #tpu.memory_space<semaphore_mem>>) src(%dma_wait3A_186 : memref<10000x128xf32, #tpu.memory_space<hbm>>) dst(%arg7 : memref<128x128xf32, #tpu.memory_space<vmem>>)
    %run_scoped3A_187 = arith.constant 1 : i32
    %run_scoped3A_188 = arith.constant 1 : i32
    "tpu.region"() ({
      %run_scoped3A_240 = tpu.sem_alloc : memref<!tpu.dma_semaphore, #tpu.memory_space<semaphore_mem>>
      %dma_start3A_241 = arith.constant 0 : i32
      %dma_start3A_242 = tpu.memref_slice %arg5[%run_scoped3A_187, %run_scoped3A_188, %dma_start3A_241] : memref<4x2x128xi32, #tpu.memory_space<vmem>> -> memref<1x1x128xi32, #tpu.memory_space<vmem>>
      %dma_start3A_243 = tpu.memref_squeeze %dma_start3A_242 : memref<1x1x128xi32, #tpu.memory_space<vmem>> -> memref<128xi32, #tpu.memory_space<vmem>>
      %dma_start3A_244 = arith.constant 0 : i32
      %dma_start3A_245 = arith.constant 0 : i32
      %dma_start3A_246 = tpu.memref_slice %arg8[%dma_start3A_244, %dma_start3A_245] : memref<10112x128xf32, #tpu.memory_space<vmem_shared>> -> memref<10112x128xf32, #tpu.memory_space<vmem_shared>>
      tpu.enqueue_indirect_dma source(%arg7 : memref<128x128xf32, #tpu.memory_space<vmem>>) target(%dma_start3A_246 : memref<10112x128xf32, #tpu.memory_space<vmem_shared>>) offsets(%dma_start3A_243 : memref<128xi32, #tpu.memory_space<vmem>>) semaphore(%run_scoped3A_240 : memref<!tpu.dma_semaphore, #tpu.memory_space<semaphore_mem>>) {add = true}
      %dma_wait3A_247 = arith.constant 0 : i32
      %dma_wait3A_248 = tpu.memref_slice %arg5[%run_scoped3A_187, %run_scoped3A_188, %dma_wait3A_247] : memref<4x2x128xi32, #tpu.memory_space<vmem>> -> memref<1x1x128xi32, #tpu.memory_space<vmem>>
      %dma_wait3A_249 = tpu.memref_squeeze %dma_wait3A_248 : memref<1x1x128xi32, #tpu.memory_space<vmem>> -> memref<128xi32, #tpu.memory_space<vmem>>
      %dma_wait3A_250 = arith.constant 0 : i32
      %dma_wait3A_251 = arith.constant 0 : i32
      %dma_wait3A_252 = tpu.memref_slice %arg8[%dma_wait3A_250, %dma_wait3A_251] : memref<10112x128xf32, #tpu.memory_space<vmem_shared>> -> memref<10112x128xf32, #tpu.memory_space<vmem_shared>>
      tpu.wait_indirect_dma semaphore(%run_scoped3A_240 : memref<!tpu.dma_semaphore, #tpu.memory_space<semaphore_mem>>) src(%arg7 : memref<128x128xf32, #tpu.memory_space<vmem>>) dst(%dma_wait3A_252 : memref<10112x128xf32, #tpu.memory_space<vmem_shared>>)
      tpu.yield
    }) : () -> ()
    %dma_wait3A_189 = arith.constant 0 : i32
    %dma_wait3A_190 = arith.constant 3 : i32
    %dma_wait3A_191 = arith.constant 0 : i32
    %dma_wait3A_192 = arith.constant 0 : i32
    %dma_wait3A_193 = tpu.memref_slice %arg5[%dma_wait3A_190, %dma_wait3A_191, %dma_wait3A_192] : memref<4x2x128xi32, #tpu.memory_space<vmem>> -> memref<1x2x128xi32, #tpu.memory_space<vmem>>
    %dma_wait3A_194 = tpu.memref_squeeze %dma_wait3A_193 : memref<1x2x128xi32, #tpu.memory_space<vmem>> -> memref<2x128xi32, #tpu.memory_space<vmem>>
    %dma_wait3A_195 = arith.constant 0 : i32
    %dma_wait3A_196 = arith.constant 0 : i32
    %dma_wait3A_197 = tpu.memref_slice %arg3[%add3A, %dma_wait3A_189, %dma_wait3A_195, %dma_wait3A_196] : memref<32x80x2x128xi32, #tpu.memory_space<hbm>> -> memref<1x1x2x128xi32, #tpu.memory_space<hbm>>
    %dma_wait3A_198 = tpu.memref_squeeze %dma_wait3A_197 : memref<1x1x2x128xi32, #tpu.memory_space<hbm>> -> memref<2x128xi32, #tpu.memory_space<hbm>>
    %dma_wait3A_199 = arith.constant 0 : i32
    %dma_wait3A_200 = arith.constant 0 : i32
    %dma_wait3A_201 = tpu.memref_slice %arg5[%dma_wait3A_190, %dma_wait3A_199, %dma_wait3A_200] : memref<4x2x128xi32, #tpu.memory_space<vmem>> -> memref<1x2x128xi32, #tpu.memory_space<vmem>>
    %dma_wait3A_202 = tpu.memref_squeeze %dma_wait3A_201 : memref<1x2x128xi32, #tpu.memory_space<vmem>> -> memref<2x128xi32, #tpu.memory_space<vmem>>
    %dma_wait3A_203 = arith.constant 0 : i32
    %dma_wait3A_204 = arith.constant 0 : i32
    %dma_wait3A_205 = tpu.memref_slice %arg3[%add3A, %dma_wait3A_189, %dma_wait3A_203, %dma_wait3A_204] : memref<32x80x2x128xi32, #tpu.memory_space<hbm>> -> memref<1x1x2x128xi32, #tpu.memory_space<hbm>>
    %dma_wait3A_206 = tpu.memref_squeeze %dma_wait3A_205 : memref<1x1x2x128xi32, #tpu.memory_space<hbm>> -> memref<2x128xi32, #tpu.memory_space<hbm>>
    tpu.wait_dma2 semaphore(%arg12 : memref<!tpu.dma_semaphore, #tpu.memory_space<semaphore_mem>>) src(%dma_wait3A_206 : memref<2x128xi32, #tpu.memory_space<hbm>>) dst(%dma_wait3A_202 : memref<2x128xi32, #tpu.memory_space<vmem>>)
    %dma_start3A_207 = arith.constant 3 : i32
    %dma_start3A_208 = arith.constant 0 : i32
    %dma_start3A_209 = arith.constant 0 : i32
    %dma_start3A_210 = tpu.memref_slice %arg5[%dma_start3A_207, %dma_start3A_208, %dma_start3A_209] : memref<4x2x128xi32, #tpu.memory_space<vmem>> -> memref<1x1x128xi32, #tpu.memory_space<vmem>>
    %dma_start3A_211 = tpu.memref_squeeze %dma_start3A_210 : memref<1x1x128xi32, #tpu.memory_space<vmem>> -> memref<128xi32, #tpu.memory_space<vmem>>
    %dma_start3A_212 = arith.constant 0 : i32
    %dma_start3A_213 = arith.constant 0 : i32
    %dma_start3A_214 = tpu.memref_slice %arg2[%dma_start3A_212, %dma_start3A_213] : memref<10000x128xf32, #tpu.memory_space<hbm>> -> memref<10000x128xf32, #tpu.memory_space<hbm>>
    tpu.enqueue_indirect_dma source(%dma_start3A_214 : memref<10000x128xf32, #tpu.memory_space<hbm>>) target(%arg7 : memref<128x128xf32, #tpu.memory_space<vmem>>) offsets(%dma_start3A_211 : memref<128xi32, #tpu.memory_space<vmem>>) semaphore(%arg14 : memref<!tpu.dma_semaphore, #tpu.memory_space<semaphore_mem>>)
    %dma_wait3A_215 = arith.constant 0 : i32
    %dma_wait3A_216 = arith.constant 0 : i32
    %dma_wait3A_217 = arith.constant 0 : i32
    %dma_wait3A_218 = tpu.memref_slice %arg5[%dma_wait3A_215, %dma_wait3A_216, %dma_wait3A_217] : memref<4x2x128xi32, #tpu.memory_space<vmem>> -> memref<1x1x128xi32, #tpu.memory_space<vmem>>
    %dma_wait3A_219 = tpu.memref_squeeze %dma_wait3A_218 : memref<1x1x128xi32, #tpu.memory_space<vmem>> -> memref<128xi32, #tpu.memory_space<vmem>>
    %dma_wait3A_220 = arith.constant 0 : i32
    %dma_wait3A_221 = arith.constant 0 : i32
    %dma_wait3A_222 = tpu.memref_slice %arg2[%dma_wait3A_220, %dma_wait3A_221] : memref<10000x128xf32, #tpu.memory_space<hbm>> -> memref<10000x128xf32, #tpu.memory_space<hbm>>
    tpu.wait_indirect_dma semaphore(%arg13 : memref<!tpu.dma_semaphore, #tpu.memory_space<semaphore_mem>>) src(%dma_wait3A_222 : memref<10000x128xf32, #tpu.memory_space<hbm>>) dst(%arg6 : memref<128x128xf32, #tpu.memory_space<vmem>>)
    %run_scoped3A_223 = arith.constant 2 : i32
    %run_scoped3A_224 = arith.constant 1 : i32
    "tpu.region"() ({
      %run_scoped3A_240 = tpu.sem_alloc : memref<!tpu.dma_semaphore, #tpu.memory_space<semaphore_mem>>
      %dma_start3A_241 = arith.constant 0 : i32
      %dma_start3A_242 = tpu.memref_slice %arg5[%run_scoped3A_223, %run_scoped3A_224, %dma_start3A_241] : memref<4x2x128xi32, #tpu.memory_space<vmem>> -> memref<1x1x128xi32, #tpu.memory_space<vmem>>
      %dma_start3A_243 = tpu.memref_squeeze %dma_start3A_242 : memref<1x1x128xi32, #tpu.memory_space<vmem>> -> memref<128xi32, #tpu.memory_space<vmem>>
      %dma_start3A_244 = arith.constant 0 : i32
      %dma_start3A_245 = arith.constant 0 : i32
      %dma_start3A_246 = tpu.memref_slice %arg8[%dma_start3A_244, %dma_start3A_245] : memref<10112x128xf32, #tpu.memory_space<vmem_shared>> -> memref<10112x128xf32, #tpu.memory_space<vmem_shared>>
      tpu.enqueue_indirect_dma source(%arg6 : memref<128x128xf32, #tpu.memory_space<vmem>>) target(%dma_start3A_246 : memref<10112x128xf32, #tpu.memory_space<vmem_shared>>) offsets(%dma_start3A_243 : memref<128xi32, #tpu.memory_space<vmem>>) semaphore(%run_scoped3A_240 : memref<!tpu.dma_semaphore, #tpu.memory_space<semaphore_mem>>) {add = true}
      %dma_wait3A_247 = arith.constant 0 : i32
      %dma_wait3A_248 = tpu.memref_slice %arg5[%run_scoped3A_223, %run_scoped3A_224, %dma_wait3A_247] : memref<4x2x128xi32, #tpu.memory_space<vmem>> -> memref<1x1x128xi32, #tpu.memory_space<vmem>>
      %dma_wait3A_249 = tpu.memref_squeeze %dma_wait3A_248 : memref<1x1x128xi32, #tpu.memory_space<vmem>> -> memref<128xi32, #tpu.memory_space<vmem>>
      %dma_wait3A_250 = arith.constant 0 : i32
      %dma_wait3A_251 = arith.constant 0 : i32
      %dma_wait3A_252 = tpu.memref_slice %arg8[%dma_wait3A_250, %dma_wait3A_251] : memref<10112x128xf32, #tpu.memory_space<vmem_shared>> -> memref<10112x128xf32, #tpu.memory_space<vmem_shared>>
      tpu.wait_indirect_dma semaphore(%run_scoped3A_240 : memref<!tpu.dma_semaphore, #tpu.memory_space<semaphore_mem>>) src(%arg6 : memref<128x128xf32, #tpu.memory_space<vmem>>) dst(%dma_wait3A_252 : memref<10112x128xf32, #tpu.memory_space<vmem_shared>>)
      tpu.yield
    }) : () -> ()
    %dma_wait3A_225 = arith.constant 0 : i32
    %dma_wait3A_226 = arith.constant 0 : i32
    %dma_wait3A_227 = arith.constant 0 : i32
    %dma_wait3A_228 = tpu.memref_slice %arg5[%dma_wait3A_225, %dma_wait3A_226, %dma_wait3A_227] : memref<4x2x128xi32, #tpu.memory_space<vmem>> -> memref<1x1x128xi32, #tpu.memory_space<vmem>>
    %dma_wait3A_229 = tpu.memref_squeeze %dma_wait3A_228 : memref<1x1x128xi32, #tpu.memory_space<vmem>> -> memref<128xi32, #tpu.memory_space<vmem>>
    %dma_wait3A_230 = arith.constant 0 : i32
    %dma_wait3A_231 = arith.constant 0 : i32
    %dma_wait3A_232 = tpu.memref_slice %arg2[%dma_wait3A_230, %dma_wait3A_231] : memref<10000x128xf32, #tpu.memory_space<hbm>> -> memref<10000x128xf32, #tpu.memory_space<hbm>>
    tpu.wait_indirect_dma semaphore(%arg14 : memref<!tpu.dma_semaphore, #tpu.memory_space<semaphore_mem>>) src(%dma_wait3A_232 : memref<10000x128xf32, #tpu.memory_space<hbm>>) dst(%arg7 : memref<128x128xf32, #tpu.memory_space<vmem>>)
    %run_scoped3A_233 = arith.constant 3 : i32
    %run_scoped3A_234 = arith.constant 1 : i32
    "tpu.region"() ({
      %run_scoped3A_240 = tpu.sem_alloc : memref<!tpu.dma_semaphore, #tpu.memory_space<semaphore_mem>>
      %dma_start3A_241 = arith.constant 0 : i32
      %dma_start3A_242 = tpu.memref_slice %arg5[%run_scoped3A_233, %run_scoped3A_234, %dma_start3A_241] : memref<4x2x128xi32, #tpu.memory_space<vmem>> -> memref<1x1x128xi32, #tpu.memory_space<vmem>>
      %dma_start3A_243 = tpu.memref_squeeze %dma_start3A_242 : memref<1x1x128xi32, #tpu.memory_space<vmem>> -> memref<128xi32, #tpu.memory_space<vmem>>
      %dma_start3A_244 = arith.constant 0 : i32
      %dma_start3A_245 = arith.constant 0 : i32
      %dma_start3A_246 = tpu.memref_slice %arg8[%dma_start3A_244, %dma_start3A_245] : memref<10112x128xf32, #tpu.memory_space<vmem_shared>> -> memref<10112x128xf32, #tpu.memory_space<vmem_shared>>
      tpu.enqueue_indirect_dma source(%arg7 : memref<128x128xf32, #tpu.memory_space<vmem>>) target(%dma_start3A_246 : memref<10112x128xf32, #tpu.memory_space<vmem_shared>>) offsets(%dma_start3A_243 : memref<128xi32, #tpu.memory_space<vmem>>) semaphore(%run_scoped3A_240 : memref<!tpu.dma_semaphore, #tpu.memory_space<semaphore_mem>>) {add = true}
      %dma_wait3A_247 = arith.constant 0 : i32
      %dma_wait3A_248 = tpu.memref_slice %arg5[%run_scoped3A_233, %run_scoped3A_234, %dma_wait3A_247] : memref<4x2x128xi32, #tpu.memory_space<vmem>> -> memref<1x1x128xi32, #tpu.memory_space<vmem>>
      %dma_wait3A_249 = tpu.memref_squeeze %dma_wait3A_248 : memref<1x1x128xi32, #tpu.memory_space<vmem>> -> memref<128xi32, #tpu.memory_space<vmem>>
      %dma_wait3A_250 = arith.constant 0 : i32
      %dma_wait3A_251 = arith.constant 0 : i32
      %dma_wait3A_252 = tpu.memref_slice %arg8[%dma_wait3A_250, %dma_wait3A_251] : memref<10112x128xf32, #tpu.memory_space<vmem_shared>> -> memref<10112x128xf32, #tpu.memory_space<vmem_shared>>
      tpu.wait_indirect_dma semaphore(%run_scoped3A_240 : memref<!tpu.dma_semaphore, #tpu.memory_space<semaphore_mem>>) src(%arg7 : memref<128x128xf32, #tpu.memory_space<vmem>>) dst(%dma_wait3A_252 : memref<10112x128xf32, #tpu.memory_space<vmem_shared>>)
      tpu.yield
    }) : () -> ()
    %barrier3A_235 = arith.constant 0 : index
    tpu.barrier barrier_id(%barrier3A_235)
    %mul3A_236 = arith.constant 632 : i32
    %mul3A_237 = arith.muli %arg1, %mul3A_236 : i32
    %mul3A_238 = arith.constant 632 : i32
    %mul3A_239 = arith.muli %arg1, %mul3A_238 : i32
    "tpu.region"() ({
      %run_scoped3A_240 = tpu.sem_alloc : memref<!tpu.dma_semaphore, #tpu.memory_space<semaphore_mem>>
      %dma_start3A_241 = arith.constant 0 : i32
      %dma_start3A_242 = tpu.memref_slice %arg4[%arg0, %mul3A_239, %dma_start3A_241] : memref<2x10112x128xf32, #tpu.memory_space<hbm>> -> memref<1x632x128xf32, #tpu.memory_space<hbm>>
      %dma_start3A_243 = tpu.memref_squeeze %dma_start3A_242 : memref<1x632x128xf32, #tpu.memory_space<hbm>> -> memref<632x128xf32, #tpu.memory_space<hbm>>
      %dma_start3A_244 = arith.constant 0 : i32
      %dma_start3A_245 = tpu.memref_slice %arg8[%mul3A_237, %dma_start3A_244] : memref<10112x128xf32, #tpu.memory_space<vmem_shared>> -> memref<632x128xf32, #tpu.memory_space<vmem_shared>>
      tpu.enqueue_dma source(%dma_start3A_245 : memref<632x128xf32, #tpu.memory_space<vmem_shared>>) target(%dma_start3A_243 : memref<632x128xf32, #tpu.memory_space<hbm>>) target_semaphore(%run_scoped3A_240 : memref<!tpu.dma_semaphore, #tpu.memory_space<semaphore_mem>>)
      %dma_wait3A_246 = arith.constant 0 : i32
      %dma_wait3A_247 = tpu.memref_slice %arg4[%arg0, %mul3A_239, %dma_wait3A_246] : memref<2x10112x128xf32, #tpu.memory_space<hbm>> -> memref<1x632x128xf32, #tpu.memory_space<hbm>>
      %dma_wait3A_248 = tpu.memref_squeeze %dma_wait3A_247 : memref<1x632x128xf32, #tpu.memory_space<hbm>> -> memref<632x128xf32, #tpu.memory_space<hbm>>
      %dma_wait3A_249 = arith.constant 0 : i32
      %dma_wait3A_250 = tpu.memref_slice %arg8[%mul3A_237, %dma_wait3A_249] : memref<10112x128xf32, #tpu.memory_space<vmem_shared>> -> memref<632x128xf32, #tpu.memory_space<vmem_shared>>
      tpu.wait_dma2 semaphore(%run_scoped3A_240 : memref<!tpu.dma_semaphore, #tpu.memory_space<semaphore_mem>>) src(%dma_wait3A_250 : memref<632x128xf32, #tpu.memory_space<vmem_shared>>) dst(%dma_wait3A_248 : memref<632x128xf32, #tpu.memory_space<hbm>>)
      tpu.yield
    }) : () -> ()
    return
  }
}

#map = affine_map<(d0, d1) -> (0, 0, 0)>
#map1 = affine_map<(d0, d1) -> (0, 0)>
module attributes {stable_mosaic.version = 14 : i64} {
  func.func @k(%arg0: i32, %arg1: i32, %arg2: memref<32x80x128xi32, #tpu.memory_space<hbm>>, %arg3: memref<2x10240xf32, #tpu.memory_space<hbm>>, %arg4: memref<80x128xi32, #tpu.memory_space<vmem>>, %arg5: memref<128xf32, #tpu.memory_space<vmem>>, %arg6: memref<128xf32, #tpu.memory_space<vmem>>, %arg7: memref<10240xf32, #tpu.memory_space<vmem_shared>>, %arg8: memref<!tpu.dma_semaphore, #tpu.memory_space<semaphore_mem>>) attributes {dimension_semantics = [#tpu.dimension_semantics<core_parallel>, #tpu.dimension_semantics<subcore_parallel>], iteration_bounds = array<i64: 2, 16>, scalar_prefetch = 0 : i64, scratch_operands = 5 : i64, tpu.core_type = #tpu.core_type<sc_vector_subcore>, window_params = [{transform_indices = #map}, {transform_indices = #map1}]} {
    %mul3A = arith.constant 16 : i32
    %mul3A_0 = arith.muli %arg0, %mul3A : i32
    %add3A = arith.addi %mul3A_0, %arg1 : i32
    "tpu.region"() ({
      %run_scoped3A = tpu.sem_alloc : memref<!tpu.dma_semaphore, #tpu.memory_space<semaphore_mem>>
      %dma_start3A = arith.constant 0 : i32
      %dma_start3A_37 = arith.constant 0 : i32
      %dma_start3A_38 = tpu.memref_slice %arg2[%add3A, %dma_start3A, %dma_start3A_37] : memref<32x80x128xi32, #tpu.memory_space<hbm>> -> memref<1x80x128xi32, #tpu.memory_space<hbm>>
      %dma_start3A_39 = tpu.memref_squeeze %dma_start3A_38 : memref<1x80x128xi32, #tpu.memory_space<hbm>> -> memref<80x128xi32, #tpu.memory_space<hbm>>
      %dma_start3A_40 = arith.constant 0 : i32
      %dma_start3A_41 = arith.constant 0 : i32
      %dma_start3A_42 = tpu.memref_slice %arg2[%add3A, %dma_start3A_40, %dma_start3A_41] : memref<32x80x128xi32, #tpu.memory_space<hbm>> -> memref<1x80x128xi32, #tpu.memory_space<hbm>>
      %dma_start3A_43 = tpu.memref_squeeze %dma_start3A_42 : memref<1x80x128xi32, #tpu.memory_space<hbm>> -> memref<80x128xi32, #tpu.memory_space<hbm>>
      tpu.enqueue_dma source(%dma_start3A_43 : memref<80x128xi32, #tpu.memory_space<hbm>>) target(%arg4 : memref<80x128xi32, #tpu.memory_space<vmem>>) target_semaphore(%run_scoped3A : memref<!tpu.dma_semaphore, #tpu.memory_space<semaphore_mem>>)
      %dma_wait3A = arith.constant 0 : i32
      %dma_wait3A_44 = arith.constant 0 : i32
      %dma_wait3A_45 = tpu.memref_slice %arg2[%add3A, %dma_wait3A, %dma_wait3A_44] : memref<32x80x128xi32, #tpu.memory_space<hbm>> -> memref<1x80x128xi32, #tpu.memory_space<hbm>>
      %dma_wait3A_46 = tpu.memref_squeeze %dma_wait3A_45 : memref<1x80x128xi32, #tpu.memory_space<hbm>> -> memref<80x128xi32, #tpu.memory_space<hbm>>
      %dma_wait3A_47 = arith.constant 0 : i32
      %dma_wait3A_48 = arith.constant 0 : i32
      %dma_wait3A_49 = tpu.memref_slice %arg2[%add3A, %dma_wait3A_47, %dma_wait3A_48] : memref<32x80x128xi32, #tpu.memory_space<hbm>> -> memref<1x80x128xi32, #tpu.memory_space<hbm>>
      %dma_wait3A_50 = tpu.memref_squeeze %dma_wait3A_49 : memref<1x80x128xi32, #tpu.memory_space<hbm>> -> memref<80x128xi32, #tpu.memory_space<hbm>>
      tpu.wait_dma2 semaphore(%run_scoped3A : memref<!tpu.dma_semaphore, #tpu.memory_space<semaphore_mem>>) src(%dma_wait3A_50 : memref<80x128xi32, #tpu.memory_space<hbm>>) dst(%arg4 : memref<80x128xi32, #tpu.memory_space<vmem>>)
      tpu.yield
    }) : () -> ()
    %scan3A = arith.constant 0 : i32
    %scan3A_1 = arith.constant 8 : i32
    %scan3A_2 = arith.addi %scan3A, %scan3A_1 : i32
    %scan3A_3 = arith.constant 1 : i32
    scf.for %scan3A_37 = %scan3A to %scan3A_2 step %scan3A_3  : i32 {
      %mul3A_38 = arith.constant 16 : i32
      %mul3A_39 = arith.muli %scan3A_37, %mul3A_38 : i32
      %add3A_40 = arith.constant 0 : i32
      %add3A_41 = arith.addi %add3A_40, %mul3A_39 : i32
      %broadcast_in_dim3A = arith.constant 1.000000e+00 : f32
      %broadcast_in_dim3A_42 = vector.broadcast %broadcast_in_dim3A : f32 to vector<16xf32>
      %swap3A = arith.index_cast %add3A_41 : i32 to index
      %swap3A_43 = tpu.vector_load %arg5[%swap3A] {strides = array<i32>} : memref<128xf32, #tpu.memory_space<vmem>>, vector<16xf32>,
      %swap3A_44 = vector.shape_cast %swap3A_43 : vector<16xf32> to vector<16xf32>
      %swap3A_45 = vector.shape_cast %broadcast_in_dim3A_42 : vector<16xf32> to vector<16xf32>
      tpu.vector_store %arg5[%swap3A], %swap3A_45 {strides = array<i32>} : memref<128xf32, #tpu.memory_space<vmem>>, vector<16xf32>,
    }
    %scan3A_4 = arith.constant 8 : i32
    %scan3A_5 = arith.constant 0 : i32
    %scan3A_6 = arith.constant 8 : i32
    %scan3A_7 = arith.addi %scan3A_5, %scan3A_6 : i32
    %scan3A_8 = arith.constant 1 : i32
    scf.for %scan3A_37 = %scan3A_5 to %scan3A_7 step %scan3A_8  : i32 {
      %mul3A_38 = arith.constant 16 : i32
      %mul3A_39 = arith.muli %scan3A_37, %mul3A_38 : i32
      %add3A_40 = arith.constant 0 : i32
      %add3A_41 = arith.addi %add3A_40, %mul3A_39 : i32
      %broadcast_in_dim3A = arith.constant 0.000000e+00 : f32
      %broadcast_in_dim3A_42 = vector.broadcast %broadcast_in_dim3A : f32 to vector<16xf32>
      %swap3A = arith.index_cast %add3A_41 : i32 to index
      %swap3A_43 = tpu.vector_load %arg6[%swap3A] {strides = array<i32>} : memref<128xf32, #tpu.memory_space<vmem>>, vector<16xf32>,
      %swap3A_44 = vector.shape_cast %swap3A_43 : vector<16xf32> to vector<16xf32>
      %swap3A_45 = vector.shape_cast %broadcast_in_dim3A_42 : vector<16xf32> to vector<16xf32>
      tpu.vector_store %arg6[%swap3A], %swap3A_45 {strides = array<i32>} : memref<128xf32, #tpu.memory_space<vmem>>, vector<16xf32>,
    }
    %scan3A_9 = arith.constant 8 : i32
    %mul3A_10 = arith.constant 640 : i32
    %mul3A_11 = arith.muli %arg1, %mul3A_10 : i32
    %add3A_12 = arith.constant 0 : i32
    %add3A_13 = arith.addi %mul3A_11, %add3A_12 : i32
    "tpu.region"() ({
      %run_scoped3A = tpu.sem_alloc : memref<!tpu.dma_semaphore, #tpu.memory_space<semaphore_mem>>
      %dma_start3A = tpu.memref_slice %arg7[%add3A_13] : memref<10240xf32, #tpu.memory_space<vmem_shared>> -> memref<128xf32, #tpu.memory_space<vmem_shared>>
      %dma_start3A_37 = tpu.memref_slice %arg7[%add3A_13] : memref<10240xf32, #tpu.memory_space<vmem_shared>> -> memref<128xf32, #tpu.memory_space<vmem_shared>>
      tpu.enqueue_dma source(%arg6 : memref<128xf32, #tpu.memory_space<vmem>>) target(%dma_start3A_37 : memref<128xf32, #tpu.memory_space<vmem_shared>>) target_semaphore(%run_scoped3A : memref<!tpu.dma_semaphore, #tpu.memory_space<semaphore_mem>>)
      %dma_wait3A = tpu.memref_slice %arg7[%add3A_13] : memref<10240xf32, #tpu.memory_space<vmem_shared>> -> memref<128xf32, #tpu.memory_space<vmem_shared>>
      %dma_wait3A_38 = tpu.memref_slice %arg7[%add3A_13] : memref<10240xf32, #tpu.memory_space<vmem_shared>> -> memref<128xf32, #tpu.memory_space<vmem_shared>>
      tpu.wait_dma2 semaphore(%run_scoped3A : memref<!tpu.dma_semaphore, #tpu.memory_space<semaphore_mem>>) src(%arg6 : memref<128xf32, #tpu.memory_space<vmem>>) dst(%dma_wait3A_38 : memref<128xf32, #tpu.memory_space<vmem_shared>>)
      tpu.yield
    }) : () -> ()
    %add3A_14 = arith.constant 128 : i32
    %add3A_15 = arith.addi %mul3A_11, %add3A_14 : i32
    "tpu.region"() ({
      %run_scoped3A = tpu.sem_alloc : memref<!tpu.dma_semaphore, #tpu.memory_space<semaphore_mem>>
      %dma_start3A = tpu.memref_slice %arg7[%add3A_15] : memref<10240xf32, #tpu.memory_space<vmem_shared>> -> memref<128xf32, #tpu.memory_space<vmem_shared>>
      %dma_start3A_37 = tpu.memref_slice %arg7[%add3A_15] : memref<10240xf32, #tpu.memory_space<vmem_shared>> -> memref<128xf32, #tpu.memory_space<vmem_shared>>
      tpu.enqueue_dma source(%arg6 : memref<128xf32, #tpu.memory_space<vmem>>) target(%dma_start3A_37 : memref<128xf32, #tpu.memory_space<vmem_shared>>) target_semaphore(%run_scoped3A : memref<!tpu.dma_semaphore, #tpu.memory_space<semaphore_mem>>)
      %dma_wait3A = tpu.memref_slice %arg7[%add3A_15] : memref<10240xf32, #tpu.memory_space<vmem_shared>> -> memref<128xf32, #tpu.memory_space<vmem_shared>>
      %dma_wait3A_38 = tpu.memref_slice %arg7[%add3A_15] : memref<10240xf32, #tpu.memory_space<vmem_shared>> -> memref<128xf32, #tpu.memory_space<vmem_shared>>
      tpu.wait_dma2 semaphore(%run_scoped3A : memref<!tpu.dma_semaphore, #tpu.memory_space<semaphore_mem>>) src(%arg6 : memref<128xf32, #tpu.memory_space<vmem>>) dst(%dma_wait3A_38 : memref<128xf32, #tpu.memory_space<vmem_shared>>)
      tpu.yield
    }) : () -> ()
    %add3A_16 = arith.constant 256 : i32
    %add3A_17 = arith.addi %mul3A_11, %add3A_16 : i32
    "tpu.region"() ({
      %run_scoped3A = tpu.sem_alloc : memref<!tpu.dma_semaphore, #tpu.memory_space<semaphore_mem>>
      %dma_start3A = tpu.memref_slice %arg7[%add3A_17] : memref<10240xf32, #tpu.memory_space<vmem_shared>> -> memref<128xf32, #tpu.memory_space<vmem_shared>>
      %dma_start3A_37 = tpu.memref_slice %arg7[%add3A_17] : memref<10240xf32, #tpu.memory_space<vmem_shared>> -> memref<128xf32, #tpu.memory_space<vmem_shared>>
      tpu.enqueue_dma source(%arg6 : memref<128xf32, #tpu.memory_space<vmem>>) target(%dma_start3A_37 : memref<128xf32, #tpu.memory_space<vmem_shared>>) target_semaphore(%run_scoped3A : memref<!tpu.dma_semaphore, #tpu.memory_space<semaphore_mem>>)
      %dma_wait3A = tpu.memref_slice %arg7[%add3A_17] : memref<10240xf32, #tpu.memory_space<vmem_shared>> -> memref<128xf32, #tpu.memory_space<vmem_shared>>
      %dma_wait3A_38 = tpu.memref_slice %arg7[%add3A_17] : memref<10240xf32, #tpu.memory_space<vmem_shared>> -> memref<128xf32, #tpu.memory_space<vmem_shared>>
      tpu.wait_dma2 semaphore(%run_scoped3A : memref<!tpu.dma_semaphore, #tpu.memory_space<semaphore_mem>>) src(%arg6 : memref<128xf32, #tpu.memory_space<vmem>>) dst(%dma_wait3A_38 : memref<128xf32, #tpu.memory_space<vmem_shared>>)
      tpu.yield
    }) : () -> ()
    %add3A_18 = arith.constant 384 : i32
    %add3A_19 = arith.addi %mul3A_11, %add3A_18 : i32
    "tpu.region"() ({
      %run_scoped3A = tpu.sem_alloc : memref<!tpu.dma_semaphore, #tpu.memory_space<semaphore_mem>>
      %dma_start3A = tpu.memref_slice %arg7[%add3A_19] : memref<10240xf32, #tpu.memory_space<vmem_shared>> -> memref<128xf32, #tpu.memory_space<vmem_shared>>
      %dma_start3A_37 = tpu.memref_slice %arg7[%add3A_19] : memref<10240xf32, #tpu.memory_space<vmem_shared>> -> memref<128xf32, #tpu.memory_space<vmem_shared>>
      tpu.enqueue_dma source(%arg6 : memref<128xf32, #tpu.memory_space<vmem>>) target(%dma_start3A_37 : memref<128xf32, #tpu.memory_space<vmem_shared>>) target_semaphore(%run_scoped3A : memref<!tpu.dma_semaphore, #tpu.memory_space<semaphore_mem>>)
      %dma_wait3A = tpu.memref_slice %arg7[%add3A_19] : memref<10240xf32, #tpu.memory_space<vmem_shared>> -> memref<128xf32, #tpu.memory_space<vmem_shared>>
      %dma_wait3A_38 = tpu.memref_slice %arg7[%add3A_19] : memref<10240xf32, #tpu.memory_space<vmem_shared>> -> memref<128xf32, #tpu.memory_space<vmem_shared>>
      tpu.wait_dma2 semaphore(%run_scoped3A : memref<!tpu.dma_semaphore, #tpu.memory_space<semaphore_mem>>) src(%arg6 : memref<128xf32, #tpu.memory_space<vmem>>) dst(%dma_wait3A_38 : memref<128xf32, #tpu.memory_space<vmem_shared>>)
      tpu.yield
    }) : () -> ()
    %add3A_20 = arith.constant 512 : i32
    %add3A_21 = arith.addi %mul3A_11, %add3A_20 : i32
    "tpu.region"() ({
      %run_scoped3A = tpu.sem_alloc : memref<!tpu.dma_semaphore, #tpu.memory_space<semaphore_mem>>
      %dma_start3A = tpu.memref_slice %arg7[%add3A_21] : memref<10240xf32, #tpu.memory_space<vmem_shared>> -> memref<128xf32, #tpu.memory_space<vmem_shared>>
      %dma_start3A_37 = tpu.memref_slice %arg7[%add3A_21] : memref<10240xf32, #tpu.memory_space<vmem_shared>> -> memref<128xf32, #tpu.memory_space<vmem_shared>>
      tpu.enqueue_dma source(%arg6 : memref<128xf32, #tpu.memory_space<vmem>>) target(%dma_start3A_37 : memref<128xf32, #tpu.memory_space<vmem_shared>>) target_semaphore(%run_scoped3A : memref<!tpu.dma_semaphore, #tpu.memory_space<semaphore_mem>>)
      %dma_wait3A = tpu.memref_slice %arg7[%add3A_21] : memref<10240xf32, #tpu.memory_space<vmem_shared>> -> memref<128xf32, #tpu.memory_space<vmem_shared>>
      %dma_wait3A_38 = tpu.memref_slice %arg7[%add3A_21] : memref<10240xf32, #tpu.memory_space<vmem_shared>> -> memref<128xf32, #tpu.memory_space<vmem_shared>>
      tpu.wait_dma2 semaphore(%run_scoped3A : memref<!tpu.dma_semaphore, #tpu.memory_space<semaphore_mem>>) src(%arg6 : memref<128xf32, #tpu.memory_space<vmem>>) dst(%dma_wait3A_38 : memref<128xf32, #tpu.memory_space<vmem_shared>>)
      tpu.yield
    }) : () -> ()
    %barrier3A = arith.constant 0 : index
    tpu.barrier barrier_id(%barrier3A)
    %scan3A_22 = arith.constant 0 : i32
    %scan3A_23 = arith.constant 80 : i32
    %scan3A_24 = arith.addi %scan3A_22, %scan3A_23 : i32
    %scan3A_25 = arith.constant 1 : i32
    scf.for %scan3A_37 = %scan3A_22 to %scan3A_24 step %scan3A_25  : i32 {
      %mul3A_38 = arith.constant 1 : i32
      %mul3A_39 = arith.muli %scan3A_37, %mul3A_38 : i32
      %add3A_40 = arith.constant 0 : i32
      %add3A_41 = arith.addi %add3A_40, %mul3A_39 : i32
      %dma_start3A = arith.constant 0 : i32
      %dma_start3A_42 = tpu.memref_slice %arg4[%add3A_41, %dma_start3A] : memref<80x128xi32, #tpu.memory_space<vmem>> -> memref<1x128xi32, #tpu.memory_space<vmem>>
      %dma_start3A_43 = tpu.memref_squeeze %dma_start3A_42 : memref<1x128xi32, #tpu.memory_space<vmem>> -> memref<128xi32, #tpu.memory_space<vmem>>
      %dma_start3A_44 = arith.constant 0 : i32
      %dma_start3A_45 = tpu.memref_slice %arg7[%dma_start3A_44] : memref<10240xf32, #tpu.memory_space<vmem_shared>> -> memref<10240xf32, #tpu.memory_space<vmem_shared>>
      tpu.enqueue_indirect_dma source(%arg5 : memref<128xf32, #tpu.memory_space<vmem>>) target(%dma_start3A_45 : memref<10240xf32, #tpu.memory_space<vmem_shared>>) offsets(%dma_start3A_43 : memref<128xi32, #tpu.memory_space<vmem>>) semaphore(%arg8 : memref<!tpu.dma_semaphore, #tpu.memory_space<semaphore_mem>>) {add = true}
    }
    %scan3A_26 = arith.constant 80 : i32
    %scan3A_27 = arith.constant 0 : i32
    %scan3A_28 = arith.constant 80 : i32
    %scan3A_29 = arith.addi %scan3A_27, %scan3A_28 : i32
    %scan3A_30 = arith.constant 1 : i32
    scf.for %scan3A_37 = %scan3A_27 to %scan3A_29 step %scan3A_30  : i32 {
      %mul3A_38 = arith.constant 1 : i32
      %mul3A_39 = arith.muli %scan3A_37, %mul3A_38 : i32
      %add3A_40 = arith.constant 0 : i32
      %add3A_41 = arith.addi %add3A_40, %mul3A_39 : i32
      %dma_wait3A = arith.constant 0 : i32
      %dma_wait3A_42 = arith.constant 0 : i32
      %dma_wait3A_43 = tpu.memref_slice %arg4[%dma_wait3A, %dma_wait3A_42] : memref<80x128xi32, #tpu.memory_space<vmem>> -> memref<1x128xi32, #tpu.memory_space<vmem>>
      %dma_wait3A_44 = tpu.memref_squeeze %dma_wait3A_43 : memref<1x128xi32, #tpu.memory_space<vmem>> -> memref<128xi32, #tpu.memory_space<vmem>>
      %dma_wait3A_45 = arith.constant 0 : i32
      %dma_wait3A_46 = tpu.memref_slice %arg7[%dma_wait3A_45] : memref<10240xf32, #tpu.memory_space<vmem_shared>> -> memref<10240xf32, #tpu.memory_space<vmem_shared>>
      tpu.wait_indirect_dma semaphore(%arg8 : memref<!tpu.dma_semaphore, #tpu.memory_space<semaphore_mem>>) src(%arg5 : memref<128xf32, #tpu.memory_space<vmem>>) dst(%dma_wait3A_46 : memref<10240xf32, #tpu.memory_space<vmem_shared>>)
    }
    %scan3A_31 = arith.constant 80 : i32
    %barrier3A_32 = arith.constant 0 : index
    tpu.barrier barrier_id(%barrier3A_32)
    %mul3A_33 = arith.constant 640 : i32
    %mul3A_34 = arith.muli %arg1, %mul3A_33 : i32
    %mul3A_35 = arith.constant 640 : i32
    %mul3A_36 = arith.muli %arg1, %mul3A_35 : i32
    "tpu.region"() ({
      %run_scoped3A = tpu.sem_alloc : memref<!tpu.dma_semaphore, #tpu.memory_space<semaphore_mem>>
      %dma_start3A = tpu.memref_slice %arg3[%arg0, %mul3A_36] : memref<2x10240xf32, #tpu.memory_space<hbm>> -> memref<1x640xf32, #tpu.memory_space<hbm>>
      %dma_start3A_37 = tpu.memref_squeeze %dma_start3A : memref<1x640xf32, #tpu.memory_space<hbm>> -> memref<640xf32, #tpu.memory_space<hbm>>
      %dma_start3A_38 = tpu.memref_slice %arg7[%mul3A_34] : memref<10240xf32, #tpu.memory_space<vmem_shared>> -> memref<640xf32, #tpu.memory_space<vmem_shared>>
      tpu.enqueue_dma source(%dma_start3A_38 : memref<640xf32, #tpu.memory_space<vmem_shared>>) target(%dma_start3A_37 : memref<640xf32, #tpu.memory_space<hbm>>) target_semaphore(%run_scoped3A : memref<!tpu.dma_semaphore, #tpu.memory_space<semaphore_mem>>)
      %dma_wait3A = tpu.memref_slice %arg3[%arg0, %mul3A_36] : memref<2x10240xf32, #tpu.memory_space<hbm>> -> memref<1x640xf32, #tpu.memory_space<hbm>>
      %dma_wait3A_39 = tpu.memref_squeeze %dma_wait3A : memref<1x640xf32, #tpu.memory_space<hbm>> -> memref<640xf32, #tpu.memory_space<hbm>>
      %dma_wait3A_40 = tpu.memref_slice %arg7[%mul3A_34] : memref<10240xf32, #tpu.memory_space<vmem_shared>> -> memref<640xf32, #tpu.memory_space<vmem_shared>>
      tpu.wait_dma2 semaphore(%run_scoped3A : memref<!tpu.dma_semaphore, #tpu.memory_space<semaphore_mem>>) src(%dma_wait3A_40 : memref<640xf32, #tpu.memory_space<vmem_shared>>) dst(%dma_wait3A_39 : memref<640xf32, #tpu.memory_space<hbm>>)
      tpu.yield
    }) : () -> ()
    return
  }
}

#map = affine_map<(d0, d1) -> (0, 0)>
#map1 = affine_map<(d0, d1) -> (0, 0, 0, 0)>
#map2 = affine_map<(d0, d1) -> (0, 0, 0)>
module attributes {stable_mosaic.version = 14 : i64} {
  func.func @k(%arg0: i32, %arg1: i32, %arg2: memref<10000x128xf32, #tpu.memory_space<hbm>>, %arg3: memref<32x80x2x128xi32, #tpu.memory_space<hbm>>, %arg4: memref<2x10112x128xf32, #tpu.memory_space<hbm>>, %arg5: memref<4x2x128xi32, #tpu.memory_space<vmem>>, %arg6: memref<128x128xf32, #tpu.memory_space<vmem>>, %arg7: memref<128x128xf32, #tpu.memory_space<vmem>>, %arg8: memref<10112x128xf32, #tpu.memory_space<vmem_shared>>, %arg9: memref<!tpu.dma_semaphore, #tpu.memory_space<semaphore_mem>>, %arg10: memref<!tpu.dma_semaphore, #tpu.memory_space<semaphore_mem>>, %arg11: memref<!tpu.dma_semaphore, #tpu.memory_space<semaphore_mem>>, %arg12: memref<!tpu.dma_semaphore, #tpu.memory_space<semaphore_mem>>, %arg13: memref<!tpu.dma_semaphore, #tpu.memory_space<semaphore_mem>>, %arg14: memref<!tpu.dma_semaphore, #tpu.memory_space<semaphore_mem>>) attributes {dimension_semantics = [#tpu.dimension_semantics<core_parallel>, #tpu.dimension_semantics<subcore_parallel>], iteration_bounds = array<i64: 2, 16>, scalar_prefetch = 0 : i64, scratch_operands = 10 : i64, tpu.core_type = #tpu.core_type<sc_vector_subcore>, window_params = [{transform_indices = #map}, {transform_indices = #map1}, {transform_indices = #map2}]} {
    %mul3A = arith.constant 16 : i32
    %mul3A_0 = arith.muli %arg0, %mul3A : i32
    %add3A = arith.addi %mul3A_0, %arg1 : i32
    %dma_start3A = arith.constant 0 : i32
    %dma_start3A_1 = arith.constant 0 : i32
    %dma_start3A_2 = arith.constant 0 : i32
    %dma_start3A_3 = arith.constant 0 : i32
    %dma_start3A_4 = tpu.memref_slice %arg5[%dma_start3A_1, %dma_start3A_2, %dma_start3A_3] : memref<4x2x128xi32, #tpu.memory_space<vmem>> -> memref<1x2x128xi32, #tpu.memory_space<vmem>>
    %dma_start3A_5 = tpu.memref_squeeze %dma_start3A_4 : memref<1x2x128xi32, #tpu.memory_space<vmem>> -> memref<2x128xi32, #tpu.memory_space<vmem>>
    %dma_start3A_6 = arith.constant 0 : i32
    %dma_start3A_7 = arith.constant 0 : i32
    %dma_start3A_8 = tpu.memref_slice %arg3[%add3A, %dma_start3A, %dma_start3A_6, %dma_start3A_7] : memref<32x80x2x128xi32, #tpu.memory_space<hbm>> -> memref<1x1x2x128xi32, #tpu.memory_space<hbm>>
    %dma_start3A_9 = tpu.memref_squeeze %dma_start3A_8 : memref<1x1x2x128xi32, #tpu.memory_space<hbm>> -> memref<2x128xi32, #tpu.memory_space<hbm>>
    %dma_start3A_10 = arith.constant 0 : i32
    %dma_start3A_11 = arith.constant 0 : i32
    %dma_start3A_12 = tpu.memref_slice %arg5[%dma_start3A_1, %dma_start3A_10, %dma_start3A_11] : memref<4x2x128xi32, #tpu.memory_space<vmem>> -> memref<1x2x128xi32, #tpu.memory_space<vmem>>
    %dma_start3A_13 = tpu.memref_squeeze %dma_start3A_12 : memref<1x2x128xi32, #tpu.memory_space<vmem>> -> memref<2x128xi32, #tpu.memory_space<vmem>>
    %dma_start3A_14 = arith.constant 0 : i32
    %dma_start3A_15 = arith.constant 0 : i32
    %dma_start3A_16 = tpu.memref_slice %arg3[%add3A, %dma_start3A, %dma_start3A_14, %dma_start3A_15] : memref<32x80x2x128xi32, #tpu.memory_space<hbm>> -> memref<1x1x2x128xi32, #tpu.memory_space<hbm>>
    %dma_start3A_17 = tpu.memref_squeeze %dma_start3A_16 : memref<1x1x2x128xi32, #tpu.memory_space<hbm>> -> memref<2x128xi32, #tpu.memory_space<hbm>>
    tpu.enqueue_dma source(%dma_start3A_17 : memref<2x128xi32, #tpu.memory_space<hbm>>) target(%dma_start3A_13 : memref<2x128xi32, #tpu.memory_space<vmem>>) target_semaphore(%arg9 : memref<!tpu.dma_semaphore, #tpu.memory_space<semaphore_mem>>)
    %dma_start3A_18 = arith.constant 1 : i32
    %dma_start3A_19 = arith.constant 1 : i32
    %dma_start3A_20 = arith.constant 0 : i32
    %dma_start3A_21 = arith.constant 0 : i32
    %dma_start3A_22 = tpu.memref_slice %arg5[%dma_start3A_19, %dma_start3A_20, %dma_start3A_21] : memref<4x2x128xi32, #tpu.memory_space<vmem>> -> memref<1x2x128xi32, #tpu.memory_space<vmem>>
    %dma_start3A_23 = tpu.memref_squeeze %dma_start3A_22 : memref<1x2x128xi32, #tpu.memory_space<vmem>> -> memref<2x128xi32, #tpu.memory_space<vmem>>
    %dma_start3A_24 = arith.constant 0 : i32
    %dma_start3A_25 = arith.constant 0 : i32
    %dma_start3A_26 = tpu.memref_slice %arg3[%add3A, %dma_start3A_18, %dma_start3A_24, %dma_start3A_25] : memref<32x80x2x128xi32, #tpu.memory_space<hbm>> -> memref<1x1x2x128xi32, #tpu.memory_space<hbm>>
    %dma_start3A_27 = tpu.memref_squeeze %dma_start3A_26 : memref<1x1x2x128xi32, #tpu.memory_space<hbm>> -> memref<2x128xi32, #tpu.memory_space<hbm>>
    %dma_start3A_28 = arith.constant 0 : i32
    %dma_start3A_29 = arith.constant 0 : i32
    %dma_start3A_30 = tpu.memref_slice %arg5[%dma_start3A_19, %dma_start3A_28, %dma_start3A_29] : memref<4x2x128xi32, #tpu.memory_space<vmem>> -> memref<1x2x128xi32, #tpu.memory_space<vmem>>
    %dma_start3A_31 = tpu.memref_squeeze %dma_start3A_30 : memref<1x2x128xi32, #tpu.memory_space<vmem>> -> memref<2x128xi32, #tpu.memory_space<vmem>>
    %dma_start3A_32 = arith.constant 0 : i32
    %dma_start3A_33 = arith.constant 0 : i32
    %dma_start3A_34 = tpu.memref_slice %arg3[%add3A, %dma_start3A_18, %dma_start3A_32, %dma_start3A_33] : memref<32x80x2x128xi32, #tpu.memory_space<hbm>> -> memref<1x1x2x128xi32, #tpu.memory_space<hbm>>
    %dma_start3A_35 = tpu.memref_squeeze %dma_start3A_34 : memref<1x1x2x128xi32, #tpu.memory_space<hbm>> -> memref<2x128xi32, #tpu.memory_space<hbm>>
    tpu.enqueue_dma source(%dma_start3A_35 : memref<2x128xi32, #tpu.memory_space<hbm>>) target(%dma_start3A_31 : memref<2x128xi32, #tpu.memory_space<vmem>>) target_semaphore(%arg10 : memref<!tpu.dma_semaphore, #tpu.memory_space<semaphore_mem>>)
    %dma_start3A_36 = arith.constant 2 : i32
    %dma_start3A_37 = arith.constant 2 : i32
    %dma_start3A_38 = arith.constant 0 : i32
    %dma_start3A_39 = arith.constant 0 : i32
    %dma_start3A_40 = tpu.memref_slice %arg5[%dma_start3A_37, %dma_start3A_38, %dma_start3A_39] : memref<4x2x128xi32, #tpu.memory_space<vmem>> -> memref<1x2x128xi32, #tpu.memory_space<vmem>>
    %dma_start3A_41 = tpu.memref_squeeze %dma_start3A_40 : memref<1x2x128xi32, #tpu.memory_space<vmem>> -> memref<2x128xi32, #tpu.memory_space<vmem>>
    %dma_start3A_42 = arith.constant 0 : i32
    %dma_start3A_43 = arith.constant 0 : i32
    %dma_start3A_44 = tpu.memref_slice %arg3[%add3A, %dma_start3A_36, %dma_start3A_42, %dma_start3A_43] : memref<32x80x2x128xi32, #tpu.memory_space<hbm>> -> memref<1x1x2x128xi32, #tpu.memory_space<hbm>>
    %dma_start3A_45 = tpu.memref_squeeze %dma_start3A_44 : memref<1x1x2x128xi32, #tpu.memory_space<hbm>> -> memref<2x128xi32, #tpu.memory_space<hbm>>
    %dma_start3A_46 = arith.constant 0 : i32
    %dma_start3A_47 = arith.constant 0 : i32
    %dma_start3A_48 = tpu.memref_slice %arg5[%dma_start3A_37, %dma_start3A_46, %dma_start3A_47] : memref<4x2x128xi32, #tpu.memory_space<vmem>> -> memref<1x2x128xi32, #tpu.memory_space<vmem>>
    %dma_start3A_49 = tpu.memref_squeeze %dma_start3A_48 : memref<1x2x128xi32, #tpu.memory_space<vmem>> -> memref<2x128xi32, #tpu.memory_space<vmem>>
    %dma_start3A_50 = arith.constant 0 : i32
    %dma_start3A_51 = arith.constant 0 : i32
    %dma_start3A_52 = tpu.memref_slice %arg3[%add3A, %dma_start3A_36, %dma_start3A_50, %dma_start3A_51] : memref<32x80x2x128xi32, #tpu.memory_space<hbm>> -> memref<1x1x2x128xi32, #tpu.memory_space<hbm>>
    %dma_start3A_53 = tpu.memref_squeeze %dma_start3A_52 : memref<1x1x2x128xi32, #tpu.memory_space<hbm>> -> memref<2x128xi32, #tpu.memory_space<hbm>>
    tpu.enqueue_dma source(%dma_start3A_53 : memref<2x128xi32, #tpu.memory_space<hbm>>) target(%dma_start3A_49 : memref<2x128xi32, #tpu.memory_space<vmem>>) target_semaphore(%arg11 : memref<!tpu.dma_semaphore, #tpu.memory_space<semaphore_mem>>)
    %dma_start3A_54 = arith.constant 3 : i32
    %dma_start3A_55 = arith.constant 3 : i32
    %dma_start3A_56 = arith.constant 0 : i32
    %dma_start3A_57 = arith.constant 0 : i32
    %dma_start3A_58 = tpu.memref_slice %arg5[%dma_start3A_55, %dma_start3A_56, %dma_start3A_57] : memref<4x2x128xi32, #tpu.memory_space<vmem>> -> memref<1x2x128xi32, #tpu.memory_space<vmem>>
    %dma_start3A_59 = tpu.memref_squeeze %dma_start3A_58 : memref<1x2x128xi32, #tpu.memory_space<vmem>> -> memref<2x128xi32, #tpu.memory_space<vmem>>
    %dma_start3A_60 = arith.constant 0 : i32
    %dma_start3A_61 = arith.constant 0 : i32
    %dma_start3A_62 = tpu.memref_slice %arg3[%add3A, %dma_start3A_54, %dma_start3A_60, %dma_start3A_61] : memref<32x80x2x128xi32, #tpu.memory_space<hbm>> -> memref<1x1x2x128xi32, #tpu.memory_space<hbm>>
    %dma_start3A_63 = tpu.memref_squeeze %dma_start3A_62 : memref<1x1x2x128xi32, #tpu.memory_space<hbm>> -> memref<2x128xi32, #tpu.memory_space<hbm>>
    %dma_start3A_64 = arith.constant 0 : i32
    %dma_start3A_65 = arith.constant 0 : i32
    %dma_start3A_66 = tpu.memref_slice %arg5[%dma_start3A_55, %dma_start3A_64, %dma_start3A_65] : memref<4x2x128xi32, #tpu.memory_space<vmem>> -> memref<1x2x128xi32, #tpu.memory_space<vmem>>
    %dma_start3A_67 = tpu.memref_squeeze %dma_start3A_66 : memref<1x2x128xi32, #tpu.memory_space<vmem>> -> memref<2x128xi32, #tpu.memory_space<vmem>>
    %dma_start3A_68 = arith.constant 0 : i32
    %dma_start3A_69 = arith.constant 0 : i32
    %dma_start3A_70 = tpu.memref_slice %arg3[%add3A, %dma_start3A_54, %dma_start3A_68, %dma_start3A_69] : memref<32x80x2x128xi32, #tpu.memory_space<hbm>> -> memref<1x1x2x128xi32, #tpu.memory_space<hbm>>
    %dma_start3A_71 = tpu.memref_squeeze %dma_start3A_70 : memref<1x1x2x128xi32, #tpu.memory_space<hbm>> -> memref<2x128xi32, #tpu.memory_space<hbm>>
    tpu.enqueue_dma source(%dma_start3A_71 : memref<2x128xi32, #tpu.memory_space<hbm>>) target(%dma_start3A_67 : memref<2x128xi32, #tpu.memory_space<vmem>>) target_semaphore(%arg12 : memref<!tpu.dma_semaphore, #tpu.memory_space<semaphore_mem>>)
    %scan3A = arith.constant 0 : i32
    %scan3A_72 = arith.constant 128 : i32
    %scan3A_73 = arith.addi %scan3A, %scan3A_72 : i32
    %scan3A_74 = arith.constant 1 : i32
    scf.for %scan3A_240 = %scan3A to %scan3A_73 step %scan3A_74  : i32 {
      %mul3A_241 = arith.constant 1 : i32
      %mul3A_242 = arith.muli %scan3A_240, %mul3A_241 : i32
      %add3A_243 = arith.constant 0 : i32
      %add3A_244 = arith.addi %add3A_243, %mul3A_242 : i32
      %broadcast_in_dim3A = arith.constant 0.000000e+00 : f32
      %broadcast_in_dim3A_245 = vector.broadcast %broadcast_in_dim3A : f32 to vector<16xf32>
      %swap3A = arith.index_cast %add3A_244 : i32 to index
      %swap3A_246 = arith.constant 0 : index
      %swap3A_247 = tpu.vector_load %arg7[%swap3A, %swap3A_246] {strides = array<i32>} : memref<128x128xf32, #tpu.memory_space<vmem>>, vector<1x16xf32>,
      %swap3A_248 = vector.shape_cast %swap3A_247 : vector<1x16xf32> to vector<16xf32>
      %swap3A_249 = vector.shape_cast %broadcast_in_dim3A_245 : vector<16xf32> to vector<1x16xf32>
      tpu.vector_store %arg7[%swap3A, %swap3A_246], %swap3A_249 {strides = array<i32>} : memref<128x128xf32, #tpu.memory_space<vmem>>, vector<1x16xf32>,
      %broadcast_in_dim3A_250 = arith.constant 0.000000e+00 : f32
      %broadcast_in_dim3A_251 = vector.broadcast %broadcast_in_dim3A_250 : f32 to vector<16xf32>
      %swap3A_252 = arith.index_cast %add3A_244 : i32 to index
      %swap3A_253 = arith.constant 16 : index
      %swap3A_254 = tpu.vector_load %arg7[%swap3A_252, %swap3A_253] {strides = array<i32>} : memref<128x128xf32, #tpu.memory_space<vmem>>, vector<1x16xf32>,
      %swap3A_255 = vector.shape_cast %swap3A_254 : vector<1x16xf32> to vector<16xf32>
      %swap3A_256 = vector.shape_cast %broadcast_in_dim3A_251 : vector<16xf32> to vector<1x16xf32>
      tpu.vector_store %arg7[%swap3A_252, %swap3A_253], %swap3A_256 {strides = array<i32>} : memref<128x128xf32, #tpu.memory_space<vmem>>, vector<1x16xf32>,
      %broadcast_in_dim3A_257 = arith.constant 0.000000e+00 : f32
      %broadcast_in_dim3A_258 = vector.broadcast %broadcast_in_dim3A_257 : f32 to vector<16xf32>
      %swap3A_259 = arith.index_cast %add3A_244 : i32 to index
      %swap3A_260 = arith.constant 32 : index
      %swap3A_261 = tpu.vector_load %arg7[%swap3A_259, %swap3A_260] {strides = array<i32>} : memref<128x128xf32, #tpu.memory_space<vmem>>, vector<1x16xf32>,
      %swap3A_262 = vector.shape_cast %swap3A_261 : vector<1x16xf32> to vector<16xf32>
      %swap3A_263 = vector.shape_cast %broadcast_in_dim3A_258 : vector<16xf32> to vector<1x16xf32>
      tpu.vector_store %arg7[%swap3A_259, %swap3A_260], %swap3A_263 {strides = array<i32>} : memref<128x128xf32, #tpu.memory_space<vmem>>, vector<1x16xf32>,
      %broadcast_in_dim3A_264 = arith.constant 0.000000e+00 : f32
      %broadcast_in_dim3A_265 = vector.broadcast %broadcast_in_dim3A_264 : f32 to vector<16xf32>
      %swap3A_266 = arith.index_cast %add3A_244 : i32 to index
      %swap3A_267 = arith.constant 48 : index
      %swap3A_268 = tpu.vector_load %arg7[%swap3A_266, %swap3A_267] {strides = array<i32>} : memref<128x128xf32, #tpu.memory_space<vmem>>, vector<1x16xf32>,
      %swap3A_269 = vector.shape_cast %swap3A_268 : vector<1x16xf32> to vector<16xf32>
      %swap3A_270 = vector.shape_cast %broadcast_in_dim3A_265 : vector<16xf32> to vector<1x16xf32>
      tpu.vector_store %arg7[%swap3A_266, %swap3A_267], %swap3A_270 {strides = array<i32>} : memref<128x128xf32, #tpu.memory_space<vmem>>, vector<1x16xf32>,
      %broadcast_in_dim3A_271 = arith.constant 0.000000e+00 : f32
      %broadcast_in_dim3A_272 = vector.broadcast %broadcast_in_dim3A_271 : f32 to vector<16xf32>
      %swap3A_273 = arith.index_cast %add3A_244 : i32 to index
      %swap3A_274 = arith.constant 64 : index
      %swap3A_275 = tpu.vector_load %arg7[%swap3A_273, %swap3A_274] {strides = array<i32>} : memref<128x128xf32, #tpu.memory_space<vmem>>, vector<1x16xf32>,
      %swap3A_276 = vector.shape_cast %swap3A_275 : vector<1x16xf32> to vector<16xf32>
      %swap3A_277 = vector.shape_cast %broadcast_in_dim3A_272 : vector<16xf32> to vector<1x16xf32>
      tpu.vector_store %arg7[%swap3A_273, %swap3A_274], %swap3A_277 {strides = array<i32>} : memref<128x128xf32, #tpu.memory_space<vmem>>, vector<1x16xf32>,
      %broadcast_in_dim3A_278 = arith.constant 0.000000e+00 : f32
      %broadcast_in_dim3A_279 = vector.broadcast %broadcast_in_dim3A_278 : f32 to vector<16xf32>
      %swap3A_280 = arith.index_cast %add3A_244 : i32 to index
      %swap3A_281 = arith.constant 80 : index
      %swap3A_282 = tpu.vector_load %arg7[%swap3A_280, %swap3A_281] {strides = array<i32>} : memref<128x128xf32, #tpu.memory_space<vmem>>, vector<1x16xf32>,
      %swap3A_283 = vector.shape_cast %swap3A_282 : vector<1x16xf32> to vector<16xf32>
      %swap3A_284 = vector.shape_cast %broadcast_in_dim3A_279 : vector<16xf32> to vector<1x16xf32>
      tpu.vector_store %arg7[%swap3A_280, %swap3A_281], %swap3A_284 {strides = array<i32>} : memref<128x128xf32, #tpu.memory_space<vmem>>, vector<1x16xf32>,
      %broadcast_in_dim3A_285 = arith.constant 0.000000e+00 : f32
      %broadcast_in_dim3A_286 = vector.broadcast %broadcast_in_dim3A_285 : f32 to vector<16xf32>
      %swap3A_287 = arith.index_cast %add3A_244 : i32 to index
      %swap3A_288 = arith.constant 96 : index
      %swap3A_289 = tpu.vector_load %arg7[%swap3A_287, %swap3A_288] {strides = array<i32>} : memref<128x128xf32, #tpu.memory_space<vmem>>, vector<1x16xf32>,
      %swap3A_290 = vector.shape_cast %swap3A_289 : vector<1x16xf32> to vector<16xf32>
      %swap3A_291 = vector.shape_cast %broadcast_in_dim3A_286 : vector<16xf32> to vector<1x16xf32>
      tpu.vector_store %arg7[%swap3A_287, %swap3A_288], %swap3A_291 {strides = array<i32>} : memref<128x128xf32, #tpu.memory_space<vmem>>, vector<1x16xf32>,
      %broadcast_in_dim3A_292 = arith.constant 0.000000e+00 : f32
      %broadcast_in_dim3A_293 = vector.broadcast %broadcast_in_dim3A_292 : f32 to vector<16xf32>
      %swap3A_294 = arith.index_cast %add3A_244 : i32 to index
      %swap3A_295 = arith.constant 112 : index
      %swap3A_296 = tpu.vector_load %arg7[%swap3A_294, %swap3A_295] {strides = array<i32>} : memref<128x128xf32, #tpu.memory_space<vmem>>, vector<1x16xf32>,
      %swap3A_297 = vector.shape_cast %swap3A_296 : vector<1x16xf32> to vector<16xf32>
      %swap3A_298 = vector.shape_cast %broadcast_in_dim3A_293 : vector<16xf32> to vector<1x16xf32>
      tpu.vector_store %arg7[%swap3A_294, %swap3A_295], %swap3A_298 {strides = array<i32>} : memref<128x128xf32, #tpu.memory_space<vmem>>, vector<1x16xf32>,
    }
    %scan3A_75 = arith.constant 128 : i32
    %dma_wait3A = arith.constant 0 : i32
    %dma_wait3A_76 = arith.constant 0 : i32
    %dma_wait3A_77 = arith.constant 0 : i32
    %dma_wait3A_78 = arith.constant 0 : i32
    %dma_wait3A_79 = tpu.memref_slice %arg5[%dma_wait3A_76, %dma_wait3A_77, %dma_wait3A_78] : memref<4x2x128xi32, #tpu.memory_space<vmem>> -> memref<1x2x128xi32, #tpu.memory_space<vmem>>
    %dma_wait3A_80 = tpu.memref_squeeze %dma_wait3A_79 : memref<1x2x128xi32, #tpu.memory_space<vmem>> -> memref<2x128xi32, #tpu.memory_space<vmem>>
    %dma_wait3A_81 = arith.constant 0 : i32
    %dma_wait3A_82 = arith.constant 0 : i32
    %dma_wait3A_83 = tpu.memref_slice %arg3[%add3A, %dma_wait3A, %dma_wait3A_81, %dma_wait3A_82] : memref<32x80x2x128xi32, #tpu.memory_space<hbm>> -> memref<1x1x2x128xi32, #tpu.memory_space<hbm>>
    %dma_wait3A_84 = tpu.memref_squeeze %dma_wait3A_83 : memref<1x1x2x128xi32, #tpu.memory_space<hbm>> -> memref<2x128xi32, #tpu.memory_space<hbm>>
    %dma_wait3A_85 = arith.constant 0 : i32
    %dma_wait3A_86 = arith.constant 0 : i32
    %dma_wait3A_87 = tpu.memref_slice %arg5[%dma_wait3A_76, %dma_wait3A_85, %dma_wait3A_86] : memref<4x2x128xi32, #tpu.memory_space<vmem>> -> memref<1x2x128xi32, #tpu.memory_space<vmem>>
    %dma_wait3A_88 = tpu.memref_squeeze %dma_wait3A_87 : memref<1x2x128xi32, #tpu.memory_space<vmem>> -> memref<2x128xi32, #tpu.memory_space<vmem>>
    %dma_wait3A_89 = arith.constant 0 : i32
    %dma_wait3A_90 = arith.constant 0 : i32
    %dma_wait3A_91 = tpu.memref_slice %arg3[%add3A, %dma_wait3A, %dma_wait3A_89, %dma_wait3A_90] : memref<32x80x2x128xi32, #tpu.memory_space<hbm>> -> memref<1x1x2x128xi32, #tpu.memory_space<hbm>>
    %dma_wait3A_92 = tpu.memref_squeeze %dma_wait3A_91 : memref<1x1x2x128xi32, #tpu.memory_space<hbm>> -> memref<2x128xi32, #tpu.memory_space<hbm>>
    tpu.wait_dma2 semaphore(%arg9 : memref<!tpu.dma_semaphore, #tpu.memory_space<semaphore_mem>>) src(%dma_wait3A_92 : memref<2x128xi32, #tpu.memory_space<hbm>>) dst(%dma_wait3A_88 : memref<2x128xi32, #tpu.memory_space<vmem>>)
    %dma_start3A_93 = arith.constant 0 : i32
    %dma_start3A_94 = arith.constant 0 : i32
    %dma_start3A_95 = arith.constant 0 : i32
    %dma_start3A_96 = tpu.memref_slice %arg5[%dma_start3A_93, %dma_start3A_94, %dma_start3A_95] : memref<4x2x128xi32, #tpu.memory_space<vmem>> -> memref<1x1x128xi32, #tpu.memory_space<vmem>>
    %dma_start3A_97 = tpu.memref_squeeze %dma_start3A_96 : memref<1x1x128xi32, #tpu.memory_space<vmem>> -> memref<128xi32, #tpu.memory_space<vmem>>
    %dma_start3A_98 = arith.constant 0 : i32
    %dma_start3A_99 = arith.constant 0 : i32
    %dma_start3A_100 = tpu.memref_slice %arg2[%dma_start3A_98, %dma_start3A_99] : memref<10000x128xf32, #tpu.memory_space<hbm>> -> memref<10000x128xf32, #tpu.memory_space<hbm>>
    tpu.enqueue_indirect_dma source(%dma_start3A_100 : memref<10000x128xf32, #tpu.memory_space<hbm>>) target(%arg6 : memref<128x128xf32, #tpu.memory_space<vmem>>) offsets(%dma_start3A_97 : memref<128xi32, #tpu.memory_space<vmem>>) semaphore(%arg13 : memref<!tpu.dma_semaphore, #tpu.memory_space<semaphore_mem>>)
    %mul3A_101 = arith.constant 632 : i32
    %mul3A_102 = arith.muli %arg1, %mul3A_101 : i32
    %add3A_103 = arith.constant 0 : i32
    %add3A_104 = arith.addi %mul3A_102, %add3A_103 : i32
    "tpu.region"() ({
      %run_scoped3A_240 = tpu.sem_alloc : memref<!tpu.dma_semaphore, #tpu.memory_space<semaphore_mem>>
      %dma_start3A_241 = arith.constant 0 : i32
      %dma_start3A_242 = tpu.memref_slice %arg8[%add3A_104, %dma_start3A_241] : memref<10112x128xf32, #tpu.memory_space<vmem_shared>> -> memref<128x128xf32, #tpu.memory_space<vmem_shared>>
      %dma_start3A_243 = arith.constant 0 : i32
      %dma_start3A_244 = tpu.memref_slice %arg8[%add3A_104, %dma_start3A_243] : memref<10112x128xf32, #tpu.memory_space<vmem_shared>> -> memref<128x128xf32, #tpu.memory_space<vmem_shared>>
      tpu.enqueue_dma source(%arg7 : memref<128x128xf32, #tpu.memory_space<vmem>>) target(%dma_start3A_244 : memref<128x128xf32, #tpu.memory_space<vmem_shared>>) target_semaphore(%run_scoped3A_240 : memref<!tpu.dma_semaphore, #tpu.memory_space<semaphore_mem>>)
      %dma_wait3A_245 = arith.constant 0 : i32
      %dma_wait3A_246 = tpu.memref_slice %arg8[%add3A_104, %dma_wait3A_245] : memref<10112x128xf32, #tpu.memory_space<vmem_shared>> -> memref<128x128xf32, #tpu.memory_space<vmem_shared>>
      %dma_wait3A_247 = arith.constant 0 : i32
      %dma_wait3A_248 = tpu.memref_slice %arg8[%add3A_104, %dma_wait3A_247] : memref<10112x128xf32, #tpu.memory_space<vmem_shared>> -> memref<128x128xf32, #tpu.memory_space<vmem_shared>>
      tpu.wait_dma2 semaphore(%run_scoped3A_240 : memref<!tpu.dma_semaphore, #tpu.memory_space<semaphore_mem>>) src(%arg7 : memref<128x128xf32, #tpu.memory_space<vmem>>) dst(%dma_wait3A_248 : memref<128x128xf32, #tpu.memory_space<vmem_shared>>)
      tpu.yield
    }) : () -> ()
    %add3A_105 = arith.constant 128 : i32
    %add3A_106 = arith.addi %mul3A_102, %add3A_105 : i32
    "tpu.region"() ({
      %run_scoped3A_240 = tpu.sem_alloc : memref<!tpu.dma_semaphore, #tpu.memory_space<semaphore_mem>>
      %dma_start3A_241 = arith.constant 0 : i32
      %dma_start3A_242 = tpu.memref_slice %arg8[%add3A_106, %dma_start3A_241] : memref<10112x128xf32, #tpu.memory_space<vmem_shared>> -> memref<128x128xf32, #tpu.memory_space<vmem_shared>>
      %dma_start3A_243 = arith.constant 0 : i32
      %dma_start3A_244 = tpu.memref_slice %arg8[%add3A_106, %dma_start3A_243] : memref<10112x128xf32, #tpu.memory_space<vmem_shared>> -> memref<128x128xf32, #tpu.memory_space<vmem_shared>>
      tpu.enqueue_dma source(%arg7 : memref<128x128xf32, #tpu.memory_space<vmem>>) target(%dma_start3A_244 : memref<128x128xf32, #tpu.memory_space<vmem_shared>>) target_semaphore(%run_scoped3A_240 : memref<!tpu.dma_semaphore, #tpu.memory_space<semaphore_mem>>)
      %dma_wait3A_245 = arith.constant 0 : i32
      %dma_wait3A_246 = tpu.memref_slice %arg8[%add3A_106, %dma_wait3A_245] : memref<10112x128xf32, #tpu.memory_space<vmem_shared>> -> memref<128x128xf32, #tpu.memory_space<vmem_shared>>
      %dma_wait3A_247 = arith.constant 0 : i32
      %dma_wait3A_248 = tpu.memref_slice %arg8[%add3A_106, %dma_wait3A_247] : memref<10112x128xf32, #tpu.memory_space<vmem_shared>> -> memref<128x128xf32, #tpu.memory_space<vmem_shared>>
      tpu.wait_dma2 semaphore(%run_scoped3A_240 : memref<!tpu.dma_semaphore, #tpu.memory_space<semaphore_mem>>) src(%arg7 : memref<128x128xf32, #tpu.memory_space<vmem>>) dst(%dma_wait3A_248 : memref<128x128xf32, #tpu.memory_space<vmem_shared>>)
      tpu.yield
    }) : () -> ()
    %add3A_107 = arith.constant 256 : i32
    %add3A_108 = arith.addi %mul3A_102, %add3A_107 : i32
    "tpu.region"() ({
      %run_scoped3A_240 = tpu.sem_alloc : memref<!tpu.dma_semaphore, #tpu.memory_space<semaphore_mem>>
      %dma_start3A_241 = arith.constant 0 : i32
      %dma_start3A_242 = tpu.memref_slice %arg8[%add3A_108, %dma_start3A_241] : memref<10112x128xf32, #tpu.memory_space<vmem_shared>> -> memref<128x128xf32, #tpu.memory_space<vmem_shared>>
      %dma_start3A_243 = arith.constant 0 : i32
      %dma_start3A_244 = tpu.memref_slice %arg8[%add3A_108, %dma_start3A_243] : memref<10112x128xf32, #tpu.memory_space<vmem_shared>> -> memref<128x128xf32, #tpu.memory_space<vmem_shared>>
      tpu.enqueue_dma source(%arg7 : memref<128x128xf32, #tpu.memory_space<vmem>>) target(%dma_start3A_244 : memref<128x128xf32, #tpu.memory_space<vmem_shared>>) target_semaphore(%run_scoped3A_240 : memref<!tpu.dma_semaphore, #tpu.memory_space<semaphore_mem>>)
      %dma_wait3A_245 = arith.constant 0 : i32
      %dma_wait3A_246 = tpu.memref_slice %arg8[%add3A_108, %dma_wait3A_245] : memref<10112x128xf32, #tpu.memory_space<vmem_shared>> -> memref<128x128xf32, #tpu.memory_space<vmem_shared>>
      %dma_wait3A_247 = arith.constant 0 : i32
      %dma_wait3A_248 = tpu.memref_slice %arg8[%add3A_108, %dma_wait3A_247] : memref<10112x128xf32, #tpu.memory_space<vmem_shared>> -> memref<128x128xf32, #tpu.memory_space<vmem_shared>>
      tpu.wait_dma2 semaphore(%run_scoped3A_240 : memref<!tpu.dma_semaphore, #tpu.memory_space<semaphore_mem>>) src(%arg7 : memref<128x128xf32, #tpu.memory_space<vmem>>) dst(%dma_wait3A_248 : memref<128x128xf32, #tpu.memory_space<vmem_shared>>)
      tpu.yield
    }) : () -> ()
    %add3A_109 = arith.constant 384 : i32
    %add3A_110 = arith.addi %mul3A_102, %add3A_109 : i32
    "tpu.region"() ({
      %run_scoped3A_240 = tpu.sem_alloc : memref<!tpu.dma_semaphore, #tpu.memory_space<semaphore_mem>>
      %dma_start3A_241 = arith.constant 0 : i32
      %dma_start3A_242 = tpu.memref_slice %arg8[%add3A_110, %dma_start3A_241] : memref<10112x128xf32, #tpu.memory_space<vmem_shared>> -> memref<128x128xf32, #tpu.memory_space<vmem_shared>>
      %dma_start3A_243 = arith.constant 0 : i32
      %dma_start3A_244 = tpu.memref_slice %arg8[%add3A_110, %dma_start3A_243] : memref<10112x128xf32, #tpu.memory_space<vmem_shared>> -> memref<128x128xf32, #tpu.memory_space<vmem_shared>>
      tpu.enqueue_dma source(%arg7 : memref<128x128xf32, #tpu.memory_space<vmem>>) target(%dma_start3A_244 : memref<128x128xf32, #tpu.memory_space<vmem_shared>>) target_semaphore(%run_scoped3A_240 : memref<!tpu.dma_semaphore, #tpu.memory_space<semaphore_mem>>)
      %dma_wait3A_245 = arith.constant 0 : i32
      %dma_wait3A_246 = tpu.memref_slice %arg8[%add3A_110, %dma_wait3A_245] : memref<10112x128xf32, #tpu.memory_space<vmem_shared>> -> memref<128x128xf32, #tpu.memory_space<vmem_shared>>
      %dma_wait3A_247 = arith.constant 0 : i32
      %dma_wait3A_248 = tpu.memref_slice %arg8[%add3A_110, %dma_wait3A_247] : memref<10112x128xf32, #tpu.memory_space<vmem_shared>> -> memref<128x128xf32, #tpu.memory_space<vmem_shared>>
      tpu.wait_dma2 semaphore(%run_scoped3A_240 : memref<!tpu.dma_semaphore, #tpu.memory_space<semaphore_mem>>) src(%arg7 : memref<128x128xf32, #tpu.memory_space<vmem>>) dst(%dma_wait3A_248 : memref<128x128xf32, #tpu.memory_space<vmem_shared>>)
      tpu.yield
    }) : () -> ()
    %add3A_111 = arith.constant 512 : i32
    %add3A_112 = arith.addi %mul3A_102, %add3A_111 : i32
    "tpu.region"() ({
      %run_scoped3A_240 = tpu.sem_alloc : memref<!tpu.dma_semaphore, #tpu.memory_space<semaphore_mem>>
      %dma_start3A_241 = arith.constant 0 : i32
      %dma_start3A_242 = arith.constant 0 : i32
      %dma_start3A_243 = tpu.memref_slice %arg7[%dma_start3A_241, %dma_start3A_242] : memref<128x128xf32, #tpu.memory_space<vmem>> -> memref<120x128xf32, #tpu.memory_space<vmem>>
      %dma_start3A_244 = arith.constant 0 : i32
      %dma_start3A_245 = tpu.memref_slice %arg8[%add3A_112, %dma_start3A_244] : memref<10112x128xf32, #tpu.memory_space<vmem_shared>> -> memref<120x128xf32, #tpu.memory_space<vmem_shared>>
      %dma_start3A_246 = arith.constant 0 : i32
      %dma_start3A_247 = tpu.memref_slice %arg8[%add3A_112, %dma_start3A_246] : memref<10112x128xf32, #tpu.memory_space<vmem_shared>> -> memref<120x128xf32, #tpu.memory_space<vmem_shared>>
      %dma_start3A_248 = arith.constant 0 : i32
      %dma_start3A_249 = arith.constant 0 : i32
      %dma_start3A_250 = tpu.memref_slice %arg7[%dma_start3A_248, %dma_start3A_249] : memref<128x128xf32, #tpu.memory_space<vmem>> -> memref<120x128xf32, #tpu.memory_space<vmem>>
      tpu.enqueue_dma source(%dma_start3A_250 : memref<120x128xf32, #tpu.memory_space<vmem>>) target(%dma_start3A_247 : memref<120x128xf32, #tpu.memory_space<vmem_shared>>) target_semaphore(%run_scoped3A_240 : memref<!tpu.dma_semaphore, #tpu.memory_space<semaphore_mem>>)
      %dma_wait3A_251 = arith.constant 0 : i32
      %dma_wait3A_252 = arith.constant 0 : i32
      %dma_wait3A_253 = tpu.memref_slice %arg7[%dma_wait3A_251, %dma_wait3A_252] : memref<128x128xf32, #tpu.memory_space<vmem>> -> memref<120x128xf32, #tpu.memory_space<vmem>>
      %dma_wait3A_254 = arith.constant 0 : i32
      %dma_wait3A_255 = tpu.memref_slice %arg8[%add3A_112, %dma_wait3A_254] : memref<10112x128xf32, #tpu.memory_space<vmem_shared>> -> memref<120x128xf32, #tpu.memory_space<vmem_shared>>
      %dma_wait3A_256 = arith.constant 0 : i32
      %dma_wait3A_257 = tpu.memref_slice %arg8[%add3A_112, %dma_wait3A_256] : memref<10112x128xf32, #tpu.memory_space<vmem_shared>> -> memref<120x128xf32, #tpu.memory_space<vmem_shared>>
      %dma_wait3A_258 = arith.constant 0 : i32
      %dma_wait3A_259 = arith.constant 0 : i32
      %dma_wait3A_260 = tpu.memref_slice %arg7[%dma_wait3A_258, %dma_wait3A_259] : memref<128x128xf32, #tpu.memory_space<vmem>> -> memref<120x128xf32, #tpu.memory_space<vmem>>
      tpu.wait_dma2 semaphore(%run_scoped3A_240 : memref<!tpu.dma_semaphore, #tpu.memory_space<semaphore_mem>>) src(%dma_wait3A_260 : memref<120x128xf32, #tpu.memory_space<vmem>>) dst(%dma_wait3A_257 : memref<120x128xf32, #tpu.memory_space<vmem_shared>>)
      tpu.yield
    }) : () -> ()
    %barrier3A = arith.constant 0 : index
    tpu.barrier barrier_id(%barrier3A)
    %scan3A_113 = arith.constant 0 : i32
    %scan3A_114 = arith.constant 19 : i32
    %scan3A_115 = arith.addi %scan3A_113, %scan3A_114 : i32
    %scan3A_116 = arith.constant 1 : i32
    scf.for %scan3A_240 = %scan3A_113 to %scan3A_115 step %scan3A_116  : i32 {
      %mul3A_241 = arith.constant 4 : i32
      %mul3A_242 = arith.muli %scan3A_240, %mul3A_241 : i32
      %add3A_243 = arith.constant 0 : i32
      %add3A_244 = arith.addi %add3A_243, %mul3A_242 : i32
      %add3A_245 = arith.constant 0 : i32
      %add3A_246 = arith.addi %add3A_244, %add3A_245 : i32
      %dma_wait3A_247 = arith.constant 0 : i32
      %dma_wait3A_248 = arith.constant 1 : i32
      %dma_wait3A_249 = arith.constant 0 : i32
      %dma_wait3A_250 = arith.constant 0 : i32
      %dma_wait3A_251 = tpu.memref_slice %arg5[%dma_wait3A_248, %dma_wait3A_249, %dma_wait3A_250] : memref<4x2x128xi32, #tpu.memory_space<vmem>> -> memref<1x2x128xi32, #tpu.memory_space<vmem>>
      %dma_wait3A_252 = tpu.memref_squeeze %dma_wait3A_251 : memref<1x2x128xi32, #tpu.memory_space<vmem>> -> memref<2x128xi32, #tpu.memory_space<vmem>>
      %dma_wait3A_253 = arith.constant 0 : i32
      %dma_wait3A_254 = arith.constant 0 : i32
      %dma_wait3A_255 = tpu.memref_slice %arg3[%add3A, %dma_wait3A_247, %dma_wait3A_253, %dma_wait3A_254] : memref<32x80x2x128xi32, #tpu.memory_space<hbm>> -> memref<1x1x2x128xi32, #tpu.memory_space<hbm>>
      %dma_wait3A_256 = tpu.memref_squeeze %dma_wait3A_255 : memref<1x1x2x128xi32, #tpu.memory_space<hbm>> -> memref<2x128xi32, #tpu.memory_space<hbm>>
      %dma_wait3A_257 = arith.constant 0 : i32
      %dma_wait3A_258 = arith.constant 0 : i32
      %dma_wait3A_259 = tpu.memref_slice %arg5[%dma_wait3A_248, %dma_wait3A_257, %dma_wait3A_258] : memref<4x2x128xi32, #tpu.memory_space<vmem>> -> memref<1x2x128xi32, #tpu.memory_space<vmem>>
      %dma_wait3A_260 = tpu.memref_squeeze %dma_wait3A_259 : memref<1x2x128xi32, #tpu.memory_space<vmem>> -> memref<2x128xi32, #tpu.memory_space<vmem>>
      %dma_wait3A_261 = arith.constant 0 : i32
      %dma_wait3A_262 = arith.constant 0 : i32
      %dma_wait3A_263 = tpu.memref_slice %arg3[%add3A, %dma_wait3A_247, %dma_wait3A_261, %dma_wait3A_262] : memref<32x80x2x128xi32, #tpu.memory_space<hbm>> -> memref<1x1x2x128xi32, #tpu.memory_space<hbm>>
      %dma_wait3A_264 = tpu.memref_squeeze %dma_wait3A_263 : memref<1x1x2x128xi32, #tpu.memory_space<hbm>> -> memref<2x128xi32, #tpu.memory_space<hbm>>
      tpu.wait_dma2 semaphore(%arg10 : memref<!tpu.dma_semaphore, #tpu.memory_space<semaphore_mem>>) src(%dma_wait3A_264 : memref<2x128xi32, #tpu.memory_space<hbm>>) dst(%dma_wait3A_260 : memref<2x128xi32, #tpu.memory_space<vmem>>)
      %dma_start3A_265 = arith.constant 1 : i32
      %dma_start3A_266 = arith.constant 0 : i32
      %dma_start3A_267 = arith.constant 0 : i32
      %dma_start3A_268 = tpu.memref_slice %arg5[%dma_start3A_265, %dma_start3A_266, %dma_start3A_267] : memref<4x2x128xi32, #tpu.memory_space<vmem>> -> memref<1x1x128xi32, #tpu.memory_space<vmem>>
      %dma_start3A_269 = tpu.memref_squeeze %dma_start3A_268 : memref<1x1x128xi32, #tpu.memory_space<vmem>> -> memref<128xi32, #tpu.memory_space<vmem>>
      %dma_start3A_270 = arith.constant 0 : i32
      %dma_start3A_271 = arith.constant 0 : i32
      %dma_start3A_272 = tpu.memref_slice %arg2[%dma_start3A_270, %dma_start3A_271] : memref<10000x128xf32, #tpu.memory_space<hbm>> -> memref<10000x128xf32, #tpu.memory_space<hbm>>
      tpu.enqueue_indirect_dma source(%dma_start3A_272 : memref<10000x128xf32, #tpu.memory_space<hbm>>) target(%arg7 : memref<128x128xf32, #tpu.memory_space<vmem>>) offsets(%dma_start3A_269 : memref<128xi32, #tpu.memory_space<vmem>>) semaphore(%arg14 : memref<!tpu.dma_semaphore, #tpu.memory_space<semaphore_mem>>)
      %dma_wait3A_273 = arith.constant 0 : i32
      %dma_wait3A_274 = arith.constant 0 : i32
      %dma_wait3A_275 = arith.constant 0 : i32
      %dma_wait3A_276 = tpu.memref_slice %arg5[%dma_wait3A_273, %dma_wait3A_274, %dma_wait3A_275] : memref<4x2x128xi32, #tpu.memory_space<vmem>> -> memref<1x1x128xi32, #tpu.memory_space<vmem>>
      %dma_wait3A_277 = tpu.memref_squeeze %dma_wait3A_276 : memref<1x1x128xi32, #tpu.memory_space<vmem>> -> memref<128xi32, #tpu.memory_space<vmem>>
      %dma_wait3A_278 = arith.constant 0 : i32
      %dma_wait3A_279 = arith.constant 0 : i32
      %dma_wait3A_280 = tpu.memref_slice %arg2[%dma_wait3A_278, %dma_wait3A_279] : memref<10000x128xf32, #tpu.memory_space<hbm>> -> memref<10000x128xf32, #tpu.memory_space<hbm>>
      tpu.wait_indirect_dma semaphore(%arg13 : memref<!tpu.dma_semaphore, #tpu.memory_space<semaphore_mem>>) src(%dma_wait3A_280 : memref<10000x128xf32, #tpu.memory_space<hbm>>) dst(%arg6 : memref<128x128xf32, #tpu.memory_space<vmem>>)
      %run_scoped3A_281 = arith.constant 0 : i32
      %run_scoped3A_282 = arith.constant 1 : i32
      "tpu.region"() ({
        %run_scoped3A_473 = tpu.sem_alloc : memref<!tpu.dma_semaphore, #tpu.memory_space<semaphore_mem>>
        %dma_start3A_474 = arith.constant 0 : i32
        %dma_start3A_475 = tpu.memref_slice %arg5[%run_scoped3A_281, %run_scoped3A_282, %dma_start3A_474] : memref<4x2x128xi32, #tpu.memory_space<vmem>> -> memref<1x1x128xi32, #tpu.memory_space<vmem>>
        %dma_start3A_476 = tpu.memref_squeeze %dma_start3A_475 : memref<1x1x128xi32, #tpu.memory_space<vmem>> -> memref<128xi32, #tpu.memory_space<vmem>>
        %dma_start3A_477 = arith.constant 0 : i32
        %dma_start3A_478 = arith.constant 0 : i32
        %dma_start3A_479 = tpu.memref_slice %arg8[%dma_start3A_477, %dma_start3A_478] : memref<10112x128xf32, #tpu.memory_space<vmem_shared>> -> memref<10112x128xf32, #tpu.memory_space<vmem_shared>>
        tpu.enqueue_indirect_dma source(%arg6 : memref<128x128xf32, #tpu.memory_space<vmem>>) target(%dma_start3A_479 : memref<10112x128xf32, #tpu.memory_space<vmem_shared>>) offsets(%dma_start3A_476 : memref<128xi32, #tpu.memory_space<vmem>>) semaphore(%run_scoped3A_473 : memref<!tpu.dma_semaphore, #tpu.memory_space<semaphore_mem>>) {add = true}
        %dma_wait3A_480 = arith.constant 0 : i32
        %dma_wait3A_481 = tpu.memref_slice %arg5[%run_scoped3A_281, %run_scoped3A_282, %dma_wait3A_480] : memref<4x2x128xi32, #tpu.memory_space<vmem>> -> memref<1x1x128xi32, #tpu.memory_space<vmem>>
        %dma_wait3A_482 = tpu.memref_squeeze %dma_wait3A_481 : memref<1x1x128xi32, #tpu.memory_space<vmem>> -> memref<128xi32, #tpu.memory_space<vmem>>
        %dma_wait3A_483 = arith.constant 0 : i32
        %dma_wait3A_484 = arith.constant 0 : i32
        %dma_wait3A_485 = tpu.memref_slice %arg8[%dma_wait3A_483, %dma_wait3A_484] : memref<10112x128xf32, #tpu.memory_space<vmem_shared>> -> memref<10112x128xf32, #tpu.memory_space<vmem_shared>>
        tpu.wait_indirect_dma semaphore(%run_scoped3A_473 : memref<!tpu.dma_semaphore, #tpu.memory_space<semaphore_mem>>) src(%arg6 : memref<128x128xf32, #tpu.memory_space<vmem>>) dst(%dma_wait3A_485 : memref<10112x128xf32, #tpu.memory_space<vmem_shared>>)
        tpu.yield
      }) : () -> ()
      %add3A_283 = arith.constant 4 : i32
      %add3A_284 = arith.addi %add3A_246, %add3A_283 : i32
      %dma_start3A_285 = arith.constant 0 : i32
      %dma_start3A_286 = arith.constant 0 : i32
      %dma_start3A_287 = arith.constant 0 : i32
      %dma_start3A_288 = tpu.memref_slice %arg5[%dma_start3A_285, %dma_start3A_286, %dma_start3A_287] : memref<4x2x128xi32, #tpu.memory_space<vmem>> -> memref<1x2x128xi32, #tpu.memory_space<vmem>>
      %dma_start3A_289 = tpu.memref_squeeze %dma_start3A_288 : memref<1x2x128xi32, #tpu.memory_space<vmem>> -> memref<2x128xi32, #tpu.memory_space<vmem>>
      %dma_start3A_290 = arith.constant 0 : i32
      %dma_start3A_291 = arith.constant 0 : i32
      %dma_start3A_292 = tpu.memref_slice %arg3[%add3A, %add3A_284, %dma_start3A_290, %dma_start3A_291] : memref<32x80x2x128xi32, #tpu.memory_space<hbm>> -> memref<1x1x2x128xi32, #tpu.memory_space<hbm>>
      %dma_start3A_293 = tpu.memref_squeeze %dma_start3A_292 : memref<1x1x2x128xi32, #tpu.memory_space<hbm>> -> memref<2x128xi32, #tpu.memory_space<hbm>>
      %dma_start3A_294 = arith.constant 0 : i32
      %dma_start3A_295 = arith.constant 0 : i32
      %dma_start3A_296 = tpu.memref_slice %arg5[%dma_start3A_285, %dma_start3A_294, %dma_start3A_295] : memref<4x2x128xi32, #tpu.memory_space<vmem>> -> memref<1x2x128xi32, #tpu.memory_space<vmem>>
      %dma_start3A_297 = tpu.memref_squeeze %dma_start3A_296 : memref<1x2x128xi32, #tpu.memory_space<vmem>> -> memref<2x128xi32, #tpu.memory_space<vmem>>
      %dma_start3A_298 = arith.constant 0 : i32
      %dma_start3A_299 = arith.constant 0 : i32
      %dma_start3A_300 = tpu.memref_slice %arg3[%add3A, %add3A_284, %dma_start3A_298, %dma_start3A_299] : memref<32x80x2x128xi32, #tpu.memory_space<hbm>> -> memref<1x1x2x128xi32, #tpu.memory_space<hbm>>
      %dma_start3A_301 = tpu.memref_squeeze %dma_start3A_300 : memref<1x1x2x128xi32, #tpu.memory_space<hbm>> -> memref<2x128xi32, #tpu.memory_space<hbm>>
      tpu.enqueue_dma source(%dma_start3A_301 : memref<2x128xi32, #tpu.memory_space<hbm>>) target(%dma_start3A_297 : memref<2x128xi32, #tpu.memory_space<vmem>>) target_semaphore(%arg9 : memref<!tpu.dma_semaphore, #tpu.memory_space<semaphore_mem>>)
      %add3A_302 = arith.constant 1 : i32
      %add3A_303 = arith.addi %add3A_244, %add3A_302 : i32
      %dma_wait3A_304 = arith.constant 0 : i32
      %dma_wait3A_305 = arith.constant 2 : i32
      %dma_wait3A_306 = arith.constant 0 : i32
      %dma_wait3A_307 = arith.constant 0 : i32
      %dma_wait3A_308 = tpu.memref_slice %arg5[%dma_wait3A_305, %dma_wait3A_306, %dma_wait3A_307] : memref<4x2x128xi32, #tpu.memory_space<vmem>> -> memref<1x2x128xi32, #tpu.memory_space<vmem>>
      %dma_wait3A_309 = tpu.memref_squeeze %dma_wait3A_308 : memref<1x2x128xi32, #tpu.memory_space<vmem>> -> memref<2x128xi32, #tpu.memory_space<vmem>>
      %dma_wait3A_310 = arith.constant 0 : i32
      %dma_wait3A_311 = arith.constant 0 : i32
      %dma_wait3A_312 = tpu.memref_slice %arg3[%add3A, %dma_wait3A_304, %dma_wait3A_310, %dma_wait3A_311] : memref<32x80x2x128xi32, #tpu.memory_space<hbm>> -> memref<1x1x2x128xi32, #tpu.memory_space<hbm>>
      %dma_wait3A_313 = tpu.memref_squeeze %dma_wait3A_312 : memref<1x1x2x128xi32, #tpu.memory_space<hbm>> -> memref<2x128xi32, #tpu.memory_space<hbm>>
      %dma_wait3A_314 = arith.constant 0 : i32
      %dma_wait3A_315 = arith.constant 0 : i32
      %dma_wait3A_316 = tpu.memref_slice %arg5[%dma_wait3A_305, %dma_wait3A_314, %dma_wait3A_315] : memref<4x2x128xi32, #tpu.memory_space<vmem>> -> memref<1x2x128xi32, #tpu.memory_space<vmem>>
      %dma_wait3A_317 = tpu.memref_squeeze %dma_wait3A_316 : memref<1x2x128xi32, #tpu.memory_space<vmem>> -> memref<2x128xi32, #tpu.memory_space<vmem>>
      %dma_wait3A_318 = arith.constant 0 : i32
      %dma_wait3A_319 = arith.constant 0 : i32
      %dma_wait3A_320 = tpu.memref_slice %arg3[%add3A, %dma_wait3A_304, %dma_wait3A_318, %dma_wait3A_319] : memref<32x80x2x128xi32, #tpu.memory_space<hbm>> -> memref<1x1x2x128xi32, #tpu.memory_space<hbm>>
      %dma_wait3A_321 = tpu.memref_squeeze %dma_wait3A_320 : memref<1x1x2x128xi32, #tpu.memory_space<hbm>> -> memref<2x128xi32, #tpu.memory_space<hbm>>
      tpu.wait_dma2 semaphore(%arg11 : memref<!tpu.dma_semaphore, #tpu.memory_space<semaphore_mem>>) src(%dma_wait3A_321 : memref<2x128xi32, #tpu.memory_space<hbm>>) dst(%dma_wait3A_317 : memref<2x128xi32, #tpu.memory_space<vmem>>)
      %dma_start3A_322 = arith.constant 2 : i32
      %dma_start3A_323 = arith.constant 0 : i32
      %dma_start3A_324 = arith.constant 0 : i32
      %dma_start3A_325 = tpu.memref_slice %arg5[%dma_start3A_322, %dma_start3A_323, %dma_start3A_324] : memref<4x2x128xi32, #tpu.memory_space<vmem>> -> memref<1x1x128xi32, #tpu.memory_space<vmem>>
      %dma_start3A_326 = tpu.memref_squeeze %dma_start3A_325 : memref<1x1x128xi32, #tpu.memory_space<vmem>> -> memref<128xi32, #tpu.memory_space<vmem>>
      %dma_start3A_327 = arith.constant 0 : i32
      %dma_start3A_328 = arith.constant 0 : i32
      %dma_start3A_329 = tpu.memref_slice %arg2[%dma_start3A_327, %dma_start3A_328] : memref<10000x128xf32, #tpu.memory_space<hbm>> -> memref<10000x128xf32, #tpu.memory_space<hbm>>
      tpu.enqueue_indirect_dma source(%dma_start3A_329 : memref<10000x128xf32, #tpu.memory_space<hbm>>) target(%arg6 : memref<128x128xf32, #tpu.memory_space<vmem>>) offsets(%dma_start3A_326 : memref<128xi32, #tpu.memory_space<vmem>>) semaphore(%arg13 : memref<!tpu.dma_semaphore, #tpu.memory_space<semaphore_mem>>)
      %dma_wait3A_330 = arith.constant 0 : i32
      %dma_wait3A_331 = arith.constant 0 : i32
      %dma_wait3A_332 = arith.constant 0 : i32
      %dma_wait3A_333 = tpu.memref_slice %arg5[%dma_wait3A_330, %dma_wait3A_331, %dma_wait3A_332] : memref<4x2x128xi32, #tpu.memory_space<vmem>> -> memref<1x1x128xi32, #tpu.memory_space<vmem>>
      %dma_wait3A_334 = tpu.memref_squeeze %dma_wait3A_333 : memref<1x1x128xi32, #tpu.memory_space<vmem>> -> memref<128xi32, #tpu.memory_space<vmem>>
      %dma_wait3A_335 = arith.constant 0 : i32
      %dma_wait3A_336 = arith.constant 0 : i32
      %dma_wait3A_337 = tpu.memref_slice %arg2[%dma_wait3A_335, %dma_wait3A_336] : memref<10000x128xf32, #tpu.memory_space<hbm>> -> memref<10000x128xf32, #tpu.memory_space<hbm>>
      tpu.wait_indirect_dma semaphore(%arg14 : memref<!tpu.dma_semaphore, #tpu.memory_space<semaphore_mem>>) src(%dma_wait3A_337 : memref<10000x128xf32, #tpu.memory_space<hbm>>) dst(%arg7 : memref<128x128xf32, #tpu.memory_space<vmem>>)
      %run_scoped3A_338 = arith.constant 1 : i32
      %run_scoped3A_339 = arith.constant 1 : i32
      "tpu.region"() ({
        %run_scoped3A_473 = tpu.sem_alloc : memref<!tpu.dma_semaphore, #tpu.memory_space<semaphore_mem>>
        %dma_start3A_474 = arith.constant 0 : i32
        %dma_start3A_475 = tpu.memref_slice %arg5[%run_scoped3A_338, %run_scoped3A_339, %dma_start3A_474] : memref<4x2x128xi32, #tpu.memory_space<vmem>> -> memref<1x1x128xi32, #tpu.memory_space<vmem>>
        %dma_start3A_476 = tpu.memref_squeeze %dma_start3A_475 : memref<1x1x128xi32, #tpu.memory_space<vmem>> -> memref<128xi32, #tpu.memory_space<vmem>>
        %dma_start3A_477 = arith.constant 0 : i32
        %dma_start3A_478 = arith.constant 0 : i32
        %dma_start3A_479 = tpu.memref_slice %arg8[%dma_start3A_477, %dma_start3A_478] : memref<10112x128xf32, #tpu.memory_space<vmem_shared>> -> memref<10112x128xf32, #tpu.memory_space<vmem_shared>>
        tpu.enqueue_indirect_dma source(%arg7 : memref<128x128xf32, #tpu.memory_space<vmem>>) target(%dma_start3A_479 : memref<10112x128xf32, #tpu.memory_space<vmem_shared>>) offsets(%dma_start3A_476 : memref<128xi32, #tpu.memory_space<vmem>>) semaphore(%run_scoped3A_473 : memref<!tpu.dma_semaphore, #tpu.memory_space<semaphore_mem>>) {add = true}
        %dma_wait3A_480 = arith.constant 0 : i32
        %dma_wait3A_481 = tpu.memref_slice %arg5[%run_scoped3A_338, %run_scoped3A_339, %dma_wait3A_480] : memref<4x2x128xi32, #tpu.memory_space<vmem>> -> memref<1x1x128xi32, #tpu.memory_space<vmem>>
        %dma_wait3A_482 = tpu.memref_squeeze %dma_wait3A_481 : memref<1x1x128xi32, #tpu.memory_space<vmem>> -> memref<128xi32, #tpu.memory_space<vmem>>
        %dma_wait3A_483 = arith.constant 0 : i32
        %dma_wait3A_484 = arith.constant 0 : i32
        %dma_wait3A_485 = tpu.memref_slice %arg8[%dma_wait3A_483, %dma_wait3A_484] : memref<10112x128xf32, #tpu.memory_space<vmem_shared>> -> memref<10112x128xf32, #tpu.memory_space<vmem_shared>>
        tpu.wait_indirect_dma semaphore(%run_scoped3A_473 : memref<!tpu.dma_semaphore, #tpu.memory_space<semaphore_mem>>) src(%arg7 : memref<128x128xf32, #tpu.memory_space<vmem>>) dst(%dma_wait3A_485 : memref<10112x128xf32, #tpu.memory_space<vmem_shared>>)
        tpu.yield
      }) : () -> ()
      %add3A_340 = arith.constant 4 : i32
      %add3A_341 = arith.addi %add3A_303, %add3A_340 : i32
      %dma_start3A_342 = arith.constant 1 : i32
      %dma_start3A_343 = arith.constant 0 : i32
      %dma_start3A_344 = arith.constant 0 : i32
      %dma_start3A_345 = tpu.memref_slice %arg5[%dma_start3A_342, %dma_start3A_343, %dma_start3A_344] : memref<4x2x128xi32, #tpu.memory_space<vmem>> -> memref<1x2x128xi32, #tpu.memory_space<vmem>>
      %dma_start3A_346 = tpu.memref_squeeze %dma_start3A_345 : memref<1x2x128xi32, #tpu.memory_space<vmem>> -> memref<2x128xi32, #tpu.memory_space<vmem>>
      %dma_start3A_347 = arith.constant 0 : i32
      %dma_start3A_348 = arith.constant 0 : i32
      %dma_start3A_349 = tpu.memref_slice %arg3[%add3A, %add3A_341, %dma_start3A_347, %dma_start3A_348] : memref<32x80x2x128xi32, #tpu.memory_space<hbm>> -> memref<1x1x2x128xi32, #tpu.memory_space<hbm>>
      %dma_start3A_350 = tpu.memref_squeeze %dma_start3A_349 : memref<1x1x2x128xi32, #tpu.memory_space<hbm>> -> memref<2x128xi32, #tpu.memory_space<hbm>>
      %dma_start3A_351 = arith.constant 0 : i32
      %dma_start3A_352 = arith.constant 0 : i32
      %dma_start3A_353 = tpu.memref_slice %arg5[%dma_start3A_342, %dma_start3A_351, %dma_start3A_352] : memref<4x2x128xi32, #tpu.memory_space<vmem>> -> memref<1x2x128xi32, #tpu.memory_space<vmem>>
      %dma_start3A_354 = tpu.memref_squeeze %dma_start3A_353 : memref<1x2x128xi32, #tpu.memory_space<vmem>> -> memref<2x128xi32, #tpu.memory_space<vmem>>
      %dma_start3A_355 = arith.constant 0 : i32
      %dma_start3A_356 = arith.constant 0 : i32
      %dma_start3A_357 = tpu.memref_slice %arg3[%add3A, %add3A_341, %dma_start3A_355, %dma_start3A_356] : memref<32x80x2x128xi32, #tpu.memory_space<hbm>> -> memref<1x1x2x128xi32, #tpu.memory_space<hbm>>
      %dma_start3A_358 = tpu.memref_squeeze %dma_start3A_357 : memref<1x1x2x128xi32, #tpu.memory_space<hbm>> -> memref<2x128xi32, #tpu.memory_space<hbm>>
      tpu.enqueue_dma source(%dma_start3A_358 : memref<2x128xi32, #tpu.memory_space<hbm>>) target(%dma_start3A_354 : memref<2x128xi32, #tpu.memory_space<vmem>>) target_semaphore(%arg10 : memref<!tpu.dma_semaphore, #tpu.memory_space<semaphore_mem>>)
      %add3A_359 = arith.constant 2 : i32
      %add3A_360 = arith.addi %add3A_244, %add3A_359 : i32
      %dma_wait3A_361 = arith.constant 0 : i32
      %dma_wait3A_362 = arith.constant 3 : i32
      %dma_wait3A_363 = arith.constant 0 : i32
      %dma_wait3A_364 = arith.constant 0 : i32
      %dma_wait3A_365 = tpu.memref_slice %arg5[%dma_wait3A_362, %dma_wait3A_363, %dma_wait3A_364] : memref<4x2x128xi32, #tpu.memory_space<vmem>> -> memref<1x2x128xi32, #tpu.memory_space<vmem>>
      %dma_wait3A_366 = tpu.memref_squeeze %dma_wait3A_365 : memref<1x2x128xi32, #tpu.memory_space<vmem>> -> memref<2x128xi32, #tpu.memory_space<vmem>>
      %dma_wait3A_367 = arith.constant 0 : i32
      %dma_wait3A_368 = arith.constant 0 : i32
      %dma_wait3A_369 = tpu.memref_slice %arg3[%add3A, %dma_wait3A_361, %dma_wait3A_367, %dma_wait3A_368] : memref<32x80x2x128xi32, #tpu.memory_space<hbm>> -> memref<1x1x2x128xi32, #tpu.memory_space<hbm>>
      %dma_wait3A_370 = tpu.memref_squeeze %dma_wait3A_369 : memref<1x1x2x128xi32, #tpu.memory_space<hbm>> -> memref<2x128xi32, #tpu.memory_space<hbm>>
      %dma_wait3A_371 = arith.constant 0 : i32
      %dma_wait3A_372 = arith.constant 0 : i32
      %dma_wait3A_373 = tpu.memref_slice %arg5[%dma_wait3A_362, %dma_wait3A_371, %dma_wait3A_372] : memref<4x2x128xi32, #tpu.memory_space<vmem>> -> memref<1x2x128xi32, #tpu.memory_space<vmem>>
      %dma_wait3A_374 = tpu.memref_squeeze %dma_wait3A_373 : memref<1x2x128xi32, #tpu.memory_space<vmem>> -> memref<2x128xi32, #tpu.memory_space<vmem>>
      %dma_wait3A_375 = arith.constant 0 : i32
      %dma_wait3A_376 = arith.constant 0 : i32
      %dma_wait3A_377 = tpu.memref_slice %arg3[%add3A, %dma_wait3A_361, %dma_wait3A_375, %dma_wait3A_376] : memref<32x80x2x128xi32, #tpu.memory_space<hbm>> -> memref<1x1x2x128xi32, #tpu.memory_space<hbm>>
      %dma_wait3A_378 = tpu.memref_squeeze %dma_wait3A_377 : memref<1x1x2x128xi32, #tpu.memory_space<hbm>> -> memref<2x128xi32, #tpu.memory_space<hbm>>
      tpu.wait_dma2 semaphore(%arg12 : memref<!tpu.dma_semaphore, #tpu.memory_space<semaphore_mem>>) src(%dma_wait3A_378 : memref<2x128xi32, #tpu.memory_space<hbm>>) dst(%dma_wait3A_374 : memref<2x128xi32, #tpu.memory_space<vmem>>)
      %dma_start3A_379 = arith.constant 3 : i32
      %dma_start3A_380 = arith.constant 0 : i32
      %dma_start3A_381 = arith.constant 0 : i32
      %dma_start3A_382 = tpu.memref_slice %arg5[%dma_start3A_379, %dma_start3A_380, %dma_start3A_381] : memref<4x2x128xi32, #tpu.memory_space<vmem>> -> memref<1x1x128xi32, #tpu.memory_space<vmem>>
      %dma_start3A_383 = tpu.memref_squeeze %dma_start3A_382 : memref<1x1x128xi32, #tpu.memory_space<vmem>> -> memref<128xi32, #tpu.memory_space<vmem>>
      %dma_start3A_384 = arith.constant 0 : i32
      %dma_start3A_385 = arith.constant 0 : i32
      %dma_start3A_386 = tpu.memref_slice %arg2[%dma_start3A_384, %dma_start3A_385] : memref<10000x128xf32, #tpu.memory_space<hbm>> -> memref<10000x128xf32, #tpu.memory_space<hbm>>
      tpu.enqueue_indirect_dma source(%dma_start3A_386 : memref<10000x128xf32, #tpu.memory_space<hbm>>) target(%arg7 : memref<128x128xf32, #tpu.memory_space<vmem>>) offsets(%dma_start3A_383 : memref<128xi32, #tpu.memory_space<vmem>>) semaphore(%arg14 : memref<!tpu.dma_semaphore, #tpu.memory_space<semaphore_mem>>)
      %dma_wait3A_387 = arith.constant 0 : i32
      %dma_wait3A_388 = arith.constant 0 : i32
      %dma_wait3A_389 = arith.constant 0 : i32
      %dma_wait3A_390 = tpu.memref_slice %arg5[%dma_wait3A_387, %dma_wait3A_388, %dma_wait3A_389] : memref<4x2x128xi32, #tpu.memory_space<vmem>> -> memref<1x1x128xi32, #tpu.memory_space<vmem>>
      %dma_wait3A_391 = tpu.memref_squeeze %dma_wait3A_390 : memref<1x1x128xi32, #tpu.memory_space<vmem>> -> memref<128xi32, #tpu.memory_space<vmem>>
      %dma_wait3A_392 = arith.constant 0 : i32
      %dma_wait3A_393 = arith.constant 0 : i32
      %dma_wait3A_394 = tpu.memref_slice %arg2[%dma_wait3A_392, %dma_wait3A_393] : memref<10000x128xf32, #tpu.memory_space<hbm>> -> memref<10000x128xf32, #tpu.memory_space<hbm>>
      tpu.wait_indirect_dma semaphore(%arg13 : memref<!tpu.dma_semaphore, #tpu.memory_space<semaphore_mem>>) src(%dma_wait3A_394 : memref<10000x128xf32, #tpu.memory_space<hbm>>) dst(%arg6 : memref<128x128xf32, #tpu.memory_space<vmem>>)
      %run_scoped3A_395 = arith.constant 2 : i32
      %run_scoped3A_396 = arith.constant 1 : i32
      "tpu.region"() ({
        %run_scoped3A_473 = tpu.sem_alloc : memref<!tpu.dma_semaphore, #tpu.memory_space<semaphore_mem>>
        %dma_start3A_474 = arith.constant 0 : i32
        %dma_start3A_475 = tpu.memref_slice %arg5[%run_scoped3A_395, %run_scoped3A_396, %dma_start3A_474] : memref<4x2x128xi32, #tpu.memory_space<vmem>> -> memref<1x1x128xi32, #tpu.memory_space<vmem>>
        %dma_start3A_476 = tpu.memref_squeeze %dma_start3A_475 : memref<1x1x128xi32, #tpu.memory_space<vmem>> -> memref<128xi32, #tpu.memory_space<vmem>>
        %dma_start3A_477 = arith.constant 0 : i32
        %dma_start3A_478 = arith.constant 0 : i32
        %dma_start3A_479 = tpu.memref_slice %arg8[%dma_start3A_477, %dma_start3A_478] : memref<10112x128xf32, #tpu.memory_space<vmem_shared>> -> memref<10112x128xf32, #tpu.memory_space<vmem_shared>>
        tpu.enqueue_indirect_dma source(%arg6 : memref<128x128xf32, #tpu.memory_space<vmem>>) target(%dma_start3A_479 : memref<10112x128xf32, #tpu.memory_space<vmem_shared>>) offsets(%dma_start3A_476 : memref<128xi32, #tpu.memory_space<vmem>>) semaphore(%run_scoped3A_473 : memref<!tpu.dma_semaphore, #tpu.memory_space<semaphore_mem>>) {add = true}
        %dma_wait3A_480 = arith.constant 0 : i32
        %dma_wait3A_481 = tpu.memref_slice %arg5[%run_scoped3A_395, %run_scoped3A_396, %dma_wait3A_480] : memref<4x2x128xi32, #tpu.memory_space<vmem>> -> memref<1x1x128xi32, #tpu.memory_space<vmem>>
        %dma_wait3A_482 = tpu.memref_squeeze %dma_wait3A_481 : memref<1x1x128xi32, #tpu.memory_space<vmem>> -> memref<128xi32, #tpu.memory_space<vmem>>
        %dma_wait3A_483 = arith.constant 0 : i32
        %dma_wait3A_484 = arith.constant 0 : i32
        %dma_wait3A_485 = tpu.memref_slice %arg8[%dma_wait3A_483, %dma_wait3A_484] : memref<10112x128xf32, #tpu.memory_space<vmem_shared>> -> memref<10112x128xf32, #tpu.memory_space<vmem_shared>>
        tpu.wait_indirect_dma semaphore(%run_scoped3A_473 : memref<!tpu.dma_semaphore, #tpu.memory_space<semaphore_mem>>) src(%arg6 : memref<128x128xf32, #tpu.memory_space<vmem>>) dst(%dma_wait3A_485 : memref<10112x128xf32, #tpu.memory_space<vmem_shared>>)
        tpu.yield
      }) : () -> ()
      %add3A_397 = arith.constant 4 : i32
      %add3A_398 = arith.addi %add3A_360, %add3A_397 : i32
      %dma_start3A_399 = arith.constant 2 : i32
      %dma_start3A_400 = arith.constant 0 : i32
      %dma_start3A_401 = arith.constant 0 : i32
      %dma_start3A_402 = tpu.memref_slice %arg5[%dma_start3A_399, %dma_start3A_400, %dma_start3A_401] : memref<4x2x128xi32, #tpu.memory_space<vmem>> -> memref<1x2x128xi32, #tpu.memory_space<vmem>>
      %dma_start3A_403 = tpu.memref_squeeze %dma_start3A_402 : memref<1x2x128xi32, #tpu.memory_space<vmem>> -> memref<2x128xi32, #tpu.memory_space<vmem>>
      %dma_start3A_404 = arith.constant 0 : i32
      %dma_start3A_405 = arith.constant 0 : i32
      %dma_start3A_406 = tpu.memref_slice %arg3[%add3A, %add3A_398, %dma_start3A_404, %dma_start3A_405] : memref<32x80x2x128xi32, #tpu.memory_space<hbm>> -> memref<1x1x2x128xi32, #tpu.memory_space<hbm>>
      %dma_start3A_407 = tpu.memref_squeeze %dma_start3A_406 : memref<1x1x2x128xi32, #tpu.memory_space<hbm>> -> memref<2x128xi32, #tpu.memory_space<hbm>>
      %dma_start3A_408 = arith.constant 0 : i32
      %dma_start3A_409 = arith.constant 0 : i32
      %dma_start3A_410 = tpu.memref_slice %arg5[%dma_start3A_399, %dma_start3A_408, %dma_start3A_409] : memref<4x2x128xi32, #tpu.memory_space<vmem>> -> memref<1x2x128xi32, #tpu.memory_space<vmem>>
      %dma_start3A_411 = tpu.memref_squeeze %dma_start3A_410 : memref<1x2x128xi32, #tpu.memory_space<vmem>> -> memref<2x128xi32, #tpu.memory_space<vmem>>
      %dma_start3A_412 = arith.constant 0 : i32
      %dma_start3A_413 = arith.constant 0 : i32
      %dma_start3A_414 = tpu.memref_slice %arg3[%add3A, %add3A_398, %dma_start3A_412, %dma_start3A_413] : memref<32x80x2x128xi32, #tpu.memory_space<hbm>> -> memref<1x1x2x128xi32, #tpu.memory_space<hbm>>
      %dma_start3A_415 = tpu.memref_squeeze %dma_start3A_414 : memref<1x1x2x128xi32, #tpu.memory_space<hbm>> -> memref<2x128xi32, #tpu.memory_space<hbm>>
      tpu.enqueue_dma source(%dma_start3A_415 : memref<2x128xi32, #tpu.memory_space<hbm>>) target(%dma_start3A_411 : memref<2x128xi32, #tpu.memory_space<vmem>>) target_semaphore(%arg11 : memref<!tpu.dma_semaphore, #tpu.memory_space<semaphore_mem>>)
      %add3A_416 = arith.constant 3 : i32
      %add3A_417 = arith.addi %add3A_244, %add3A_416 : i32
      %dma_wait3A_418 = arith.constant 0 : i32
      %dma_wait3A_419 = arith.constant 0 : i32
      %dma_wait3A_420 = arith.constant 0 : i32
      %dma_wait3A_421 = arith.constant 0 : i32
      %dma_wait3A_422 = tpu.memref_slice %arg5[%dma_wait3A_419, %dma_wait3A_420, %dma_wait3A_421] : memref<4x2x128xi32, #tpu.memory_space<vmem>> -> memref<1x2x128xi32, #tpu.memory_space<vmem>>
      %dma_wait3A_423 = tpu.memref_squeeze %dma_wait3A_422 : memref<1x2x128xi32, #tpu.memory_space<vmem>> -> memref<2x128xi32, #tpu.memory_space<vmem>>
      %dma_wait3A_424 = arith.constant 0 : i32
      %dma_wait3A_425 = arith.constant 0 : i32
      %dma_wait3A_426 = tpu.memref_slice %arg3[%add3A, %dma_wait3A_418, %dma_wait3A_424, %dma_wait3A_425] : memref<32x80x2x128xi32, #tpu.memory_space<hbm>> -> memref<1x1x2x128xi32, #tpu.memory_space<hbm>>
      %dma_wait3A_427 = tpu.memref_squeeze %dma_wait3A_426 : memref<1x1x2x128xi32, #tpu.memory_space<hbm>> -> memref<2x128xi32, #tpu.memory_space<hbm>>
      %dma_wait3A_428 = arith.constant 0 : i32
      %dma_wait3A_429 = arith.constant 0 : i32
      %dma_wait3A_430 = tpu.memref_slice %arg5[%dma_wait3A_419, %dma_wait3A_428, %dma_wait3A_429] : memref<4x2x128xi32, #tpu.memory_space<vmem>> -> memref<1x2x128xi32, #tpu.memory_space<vmem>>
      %dma_wait3A_431 = tpu.memref_squeeze %dma_wait3A_430 : memref<1x2x128xi32, #tpu.memory_space<vmem>> -> memref<2x128xi32, #tpu.memory_space<vmem>>
      %dma_wait3A_432 = arith.constant 0 : i32
      %dma_wait3A_433 = arith.constant 0 : i32
      %dma_wait3A_434 = tpu.memref_slice %arg3[%add3A, %dma_wait3A_418, %dma_wait3A_432, %dma_wait3A_433] : memref<32x80x2x128xi32, #tpu.memory_space<hbm>> -> memref<1x1x2x128xi32, #tpu.memory_space<hbm>>
      %dma_wait3A_435 = tpu.memref_squeeze %dma_wait3A_434 : memref<1x1x2x128xi32, #tpu.memory_space<hbm>> -> memref<2x128xi32, #tpu.memory_space<hbm>>
      tpu.wait_dma2 semaphore(%arg9 : memref<!tpu.dma_semaphore, #tpu.memory_space<semaphore_mem>>) src(%dma_wait3A_435 : memref<2x128xi32, #tpu.memory_space<hbm>>) dst(%dma_wait3A_431 : memref<2x128xi32, #tpu.memory_space<vmem>>)
      %dma_start3A_436 = arith.constant 0 : i32
      %dma_start3A_437 = arith.constant 0 : i32
      %dma_start3A_438 = arith.constant 0 : i32
      %dma_start3A_439 = tpu.memref_slice %arg5[%dma_start3A_436, %dma_start3A_437, %dma_start3A_438] : memref<4x2x128xi32, #tpu.memory_space<vmem>> -> memref<1x1x128xi32, #tpu.memory_space<vmem>>
      %dma_start3A_440 = tpu.memref_squeeze %dma_start3A_439 : memref<1x1x128xi32, #tpu.memory_space<vmem>> -> memref<128xi32, #tpu.memory_space<vmem>>
      %dma_start3A_441 = arith.constant 0 : i32
      %dma_start3A_442 = arith.constant 0 : i32
      %dma_start3A_443 = tpu.memref_slice %arg2[%dma_start3A_441, %dma_start3A_442] : memref<10000x128xf32, #tpu.memory_space<hbm>> -> memref<10000x128xf32, #tpu.memory_space<hbm>>
      tpu.enqueue_indirect_dma source(%dma_start3A_443 : memref<10000x128xf32, #tpu.memory_space<hbm>>) target(%arg6 : memref<128x128xf32, #tpu.memory_space<vmem>>) offsets(%dma_start3A_440 : memref<128xi32, #tpu.memory_space<vmem>>) semaphore(%arg13 : memref<!tpu.dma_semaphore, #tpu.memory_space<semaphore_mem>>)
      %dma_wait3A_444 = arith.constant 0 : i32
      %dma_wait3A_445 = arith.constant 0 : i32
      %dma_wait3A_446 = arith.constant 0 : i32
      %dma_wait3A_447 = tpu.memref_slice %arg5[%dma_wait3A_444, %dma_wait3A_445, %dma_wait3A_446] : memref<4x2x128xi32, #tpu.memory_space<vmem>> -> memref<1x1x128xi32, #tpu.memory_space<vmem>>
      %dma_wait3A_448 = tpu.memref_squeeze %dma_wait3A_447 : memref<1x1x128xi32, #tpu.memory_space<vmem>> -> memref<128xi32, #tpu.memory_space<vmem>>
      %dma_wait3A_449 = arith.constant 0 : i32
      %dma_wait3A_450 = arith.constant 0 : i32
      %dma_wait3A_451 = tpu.memref_slice %arg2[%dma_wait3A_449, %dma_wait3A_450] : memref<10000x128xf32, #tpu.memory_space<hbm>> -> memref<10000x128xf32, #tpu.memory_space<hbm>>
      tpu.wait_indirect_dma semaphore(%arg14 : memref<!tpu.dma_semaphore, #tpu.memory_space<semaphore_mem>>) src(%dma_wait3A_451 : memref<10000x128xf32, #tpu.memory_space<hbm>>) dst(%arg7 : memref<128x128xf32, #tpu.memory_space<vmem>>)
      %run_scoped3A_452 = arith.constant 3 : i32
      %run_scoped3A_453 = arith.constant 1 : i32
      "tpu.region"() ({
        %run_scoped3A_473 = tpu.sem_alloc : memref<!tpu.dma_semaphore, #tpu.memory_space<semaphore_mem>>
        %dma_start3A_474 = arith.constant 0 : i32
        %dma_start3A_475 = tpu.memref_slice %arg5[%run_scoped3A_452, %run_scoped3A_453, %dma_start3A_474] : memref<4x2x128xi32, #tpu.memory_space<vmem>> -> memref<1x1x128xi32, #tpu.memory_space<vmem>>
        %dma_start3A_476 = tpu.memref_squeeze %dma_start3A_475 : memref<1x1x128xi32, #tpu.memory_space<vmem>> -> memref<128xi32, #tpu.memory_space<vmem>>
        %dma_start3A_477 = arith.constant 0 : i32
        %dma_start3A_478 = arith.constant 0 : i32
        %dma_start3A_479 = tpu.memref_slice %arg8[%dma_start3A_477, %dma_start3A_478] : memref<10112x128xf32, #tpu.memory_space<vmem_shared>> -> memref<10112x128xf32, #tpu.memory_space<vmem_shared>>
        tpu.enqueue_indirect_dma source(%arg7 : memref<128x128xf32, #tpu.memory_space<vmem>>) target(%dma_start3A_479 : memref<10112x128xf32, #tpu.memory_space<vmem_shared>>) offsets(%dma_start3A_476 : memref<128xi32, #tpu.memory_space<vmem>>) semaphore(%run_scoped3A_473 : memref<!tpu.dma_semaphore, #tpu.memory_space<semaphore_mem>>) {add = true}
        %dma_wait3A_480 = arith.constant 0 : i32
        %dma_wait3A_481 = tpu.memref_slice %arg5[%run_scoped3A_452, %run_scoped3A_453, %dma_wait3A_480] : memref<4x2x128xi32, #tpu.memory_space<vmem>> -> memref<1x1x128xi32, #tpu.memory_space<vmem>>
        %dma_wait3A_482 = tpu.memref_squeeze %dma_wait3A_481 : memref<1x1x128xi32, #tpu.memory_space<vmem>> -> memref<128xi32, #tpu.memory_space<vmem>>
        %dma_wait3A_483 = arith.constant 0 : i32
        %dma_wait3A_484 = arith.constant 0 : i32
        %dma_wait3A_485 = tpu.memref_slice %arg8[%dma_wait3A_483, %dma_wait3A_484] : memref<10112x128xf32, #tpu.memory_space<vmem_shared>> -> memref<10112x128xf32, #tpu.memory_space<vmem_shared>>
        tpu.wait_indirect_dma semaphore(%run_scoped3A_473 : memref<!tpu.dma_semaphore, #tpu.memory_space<semaphore_mem>>) src(%arg7 : memref<128x128xf32, #tpu.memory_space<vmem>>) dst(%dma_wait3A_485 : memref<10112x128xf32, #tpu.memory_space<vmem_shared>>)
        tpu.yield
      }) : () -> ()
      %add3A_454 = arith.constant 4 : i32
      %add3A_455 = arith.addi %add3A_417, %add3A_454 : i32
      %dma_start3A_456 = arith.constant 3 : i32
      %dma_start3A_457 = arith.constant 0 : i32
      %dma_start3A_458 = arith.constant 0 : i32
      %dma_start3A_459 = tpu.memref_slice %arg5[%dma_start3A_456, %dma_start3A_457, %dma_start3A_458] : memref<4x2x128xi32, #tpu.memory_space<vmem>> -> memref<1x2x128xi32, #tpu.memory_space<vmem>>
      %dma_start3A_460 = tpu.memref_squeeze %dma_start3A_459 : memref<1x2x128xi32, #tpu.memory_space<vmem>> -> memref<2x128xi32, #tpu.memory_space<vmem>>
      %dma_start3A_461 = arith.constant 0 : i32
      %dma_start3A_462 = arith.constant 0 : i32
      %dma_start3A_463 = tpu.memref_slice %arg3[%add3A, %add3A_455, %dma_start3A_461, %dma_start3A_462] : memref<32x80x2x128xi32, #tpu.memory_space<hbm>> -> memref<1x1x2x128xi32, #tpu.memory_space<hbm>>
      %dma_start3A_464 = tpu.memref_squeeze %dma_start3A_463 : memref<1x1x2x128xi32, #tpu.memory_space<hbm>> -> memref<2x128xi32, #tpu.memory_space<hbm>>
      %dma_start3A_465 = arith.constant 0 : i32
      %dma_start3A_466 = arith.constant 0 : i32
      %dma_start3A_467 = tpu.memref_slice %arg5[%dma_start3A_456, %dma_start3A_465, %dma_start3A_466] : memref<4x2x128xi32, #tpu.memory_space<vmem>> -> memref<1x2x128xi32, #tpu.memory_space<vmem>>
      %dma_start3A_468 = tpu.memref_squeeze %dma_start3A_467 : memref<1x2x128xi32, #tpu.memory_space<vmem>> -> memref<2x128xi32, #tpu.memory_space<vmem>>
      %dma_start3A_469 = arith.constant 0 : i32
      %dma_start3A_470 = arith.constant 0 : i32
      %dma_start3A_471 = tpu.memref_slice %arg3[%add3A, %add3A_455, %dma_start3A_469, %dma_start3A_470] : memref<32x80x2x128xi32, #tpu.memory_space<hbm>> -> memref<1x1x2x128xi32, #tpu.memory_space<hbm>>
      %dma_start3A_472 = tpu.memref_squeeze %dma_start3A_471 : memref<1x1x2x128xi32, #tpu.memory_space<hbm>> -> memref<2x128xi32, #tpu.memory_space<hbm>>
      tpu.enqueue_dma source(%dma_start3A_472 : memref<2x128xi32, #tpu.memory_space<hbm>>) target(%dma_start3A_468 : memref<2x128xi32, #tpu.memory_space<vmem>>) target_semaphore(%arg12 : memref<!tpu.dma_semaphore, #tpu.memory_space<semaphore_mem>>)
    }
    %scan3A_117 = arith.constant 19 : i32
    %dma_wait3A_118 = arith.constant 0 : i32
    %dma_wait3A_119 = arith.constant 1 : i32
    %dma_wait3A_120 = arith.constant 0 : i32
    %dma_wait3A_121 = arith.constant 0 : i32
    %dma_wait3A_122 = tpu.memref_slice %arg5[%dma_wait3A_119, %dma_wait3A_120, %dma_wait3A_121] : memref<4x2x128xi32, #tpu.memory_space<vmem>> -> memref<1x2x128xi32, #tpu.memory_space<vmem>>
    %dma_wait3A_123 = tpu.memref_squeeze %dma_wait3A_122 : memref<1x2x128xi32, #tpu.memory_space<vmem>> -> memref<2x128xi32, #tpu.memory_space<vmem>>
    %dma_wait3A_124 = arith.constant 0 : i32
    %dma_wait3A_125 = arith.constant 0 : i32
    %dma_wait3A_126 = tpu.memref_slice %arg3[%add3A, %dma_wait3A_118, %dma_wait3A_124, %dma_wait3A_125] : memref<32x80x2x128xi32, #tpu.memory_space<hbm>> -> memref<1x1x2x128xi32, #tpu.memory_space<hbm>>
    %dma_wait3A_127 = tpu.memref_squeeze %dma_wait3A_126 : memref<1x1x2x128xi32, #tpu.memory_space<hbm>> -> memref<2x128xi32, #tpu.memory_space<hbm>>
    %dma_wait3A_128 = arith.constant 0 : i32
    %dma_wait3A_129 = arith.constant 0 : i32
    %dma_wait3A_130 = tpu.memref_slice %arg5[%dma_wait3A_119, %dma_wait3A_128, %dma_wait3A_129] : memref<4x2x128xi32, #tpu.memory_space<vmem>> -> memref<1x2x128xi32, #tpu.memory_space<vmem>>
    %dma_wait3A_131 = tpu.memref_squeeze %dma_wait3A_130 : memref<1x2x128xi32, #tpu.memory_space<vmem>> -> memref<2x128xi32, #tpu.memory_space<vmem>>
    %dma_wait3A_132 = arith.constant 0 : i32
    %dma_wait3A_133 = arith.constant 0 : i32
    %dma_wait3A_134 = tpu.memref_slice %arg3[%add3A, %dma_wait3A_118, %dma_wait3A_132, %dma_wait3A_133] : memref<32x80x2x128xi32, #tpu.memory_space<hbm>> -> memref<1x1x2x128xi32, #tpu.memory_space<hbm>>
    %dma_wait3A_135 = tpu.memref_squeeze %dma_wait3A_134 : memref<1x1x2x128xi32, #tpu.memory_space<hbm>> -> memref<2x128xi32, #tpu.memory_space<hbm>>
    tpu.wait_dma2 semaphore(%arg10 : memref<!tpu.dma_semaphore, #tpu.memory_space<semaphore_mem>>) src(%dma_wait3A_135 : memref<2x128xi32, #tpu.memory_space<hbm>>) dst(%dma_wait3A_131 : memref<2x128xi32, #tpu.memory_space<vmem>>)
    %dma_start3A_136 = arith.constant 1 : i32
    %dma_start3A_137 = arith.constant 0 : i32
    %dma_start3A_138 = arith.constant 0 : i32
    %dma_start3A_139 = tpu.memref_slice %arg5[%dma_start3A_136, %dma_start3A_137, %dma_start3A_138] : memref<4x2x128xi32, #tpu.memory_space<vmem>> -> memref<1x1x128xi32, #tpu.memory_space<vmem>>
    %dma_start3A_140 = tpu.memref_squeeze %dma_start3A_139 : memref<1x1x128xi32, #tpu.memory_space<vmem>> -> memref<128xi32, #tpu.memory_space<vmem>>
    %dma_start3A_141 = arith.constant 0 : i32
    %dma_start3A_142 = arith.constant 0 : i32
    %dma_start3A_143 = tpu.memref_slice %arg2[%dma_start3A_141, %dma_start3A_142] : memref<10000x128xf32, #tpu.memory_space<hbm>> -> memref<10000x128xf32, #tpu.memory_space<hbm>>
    tpu.enqueue_indirect_dma source(%dma_start3A_143 : memref<10000x128xf32, #tpu.memory_space<hbm>>) target(%arg7 : memref<128x128xf32, #tpu.memory_space<vmem>>) offsets(%dma_start3A_140 : memref<128xi32, #tpu.memory_space<vmem>>) semaphore(%arg14 : memref<!tpu.dma_semaphore, #tpu.memory_space<semaphore_mem>>)
    %dma_wait3A_144 = arith.constant 0 : i32
    %dma_wait3A_145 = arith.constant 0 : i32
    %dma_wait3A_146 = arith.constant 0 : i32
    %dma_wait3A_147 = tpu.memref_slice %arg5[%dma_wait3A_144, %dma_wait3A_145, %dma_wait3A_146] : memref<4x2x128xi32, #tpu.memory_space<vmem>> -> memref<1x1x128xi32, #tpu.memory_space<vmem>>
    %dma_wait3A_148 = tpu.memref_squeeze %dma_wait3A_147 : memref<1x1x128xi32, #tpu.memory_space<vmem>> -> memref<128xi32, #tpu.memory_space<vmem>>
    %dma_wait3A_149 = arith.constant 0 : i32
    %dma_wait3A_150 = arith.constant 0 : i32
    %dma_wait3A_151 = tpu.memref_slice %arg2[%dma_wait3A_149, %dma_wait3A_150] : memref<10000x128xf32, #tpu.memory_space<hbm>> -> memref<10000x128xf32, #tpu.memory_space<hbm>>
    tpu.wait_indirect_dma semaphore(%arg13 : memref<!tpu.dma_semaphore, #tpu.memory_space<semaphore_mem>>) src(%dma_wait3A_151 : memref<10000x128xf32, #tpu.memory_space<hbm>>) dst(%arg6 : memref<128x128xf32, #tpu.memory_space<vmem>>)
    %run_scoped3A = arith.constant 0 : i32
    %run_scoped3A_152 = arith.constant 1 : i32
    "tpu.region"() ({
      %run_scoped3A_240 = tpu.sem_alloc : memref<!tpu.dma_semaphore, #tpu.memory_space<semaphore_mem>>
      %dma_start3A_241 = arith.constant 0 : i32
      %dma_start3A_242 = tpu.memref_slice %arg5[%run_scoped3A, %run_scoped3A_152, %dma_start3A_241] : memref<4x2x128xi32, #tpu.memory_space<vmem>> -> memref<1x1x128xi32, #tpu.memory_space<vmem>>
      %dma_start3A_243 = tpu.memref_squeeze %dma_start3A_242 : memref<1x1x128xi32, #tpu.memory_space<vmem>> -> memref<128xi32, #tpu.memory_space<vmem>>
      %dma_start3A_244 = arith.constant 0 : i32
      %dma_start3A_245 = arith.constant 0 : i32
      %dma_start3A_246 = tpu.memref_slice %arg8[%dma_start3A_244, %dma_start3A_245] : memref<10112x128xf32, #tpu.memory_space<vmem_shared>> -> memref<10112x128xf32, #tpu.memory_space<vmem_shared>>
      tpu.enqueue_indirect_dma source(%arg6 : memref<128x128xf32, #tpu.memory_space<vmem>>) target(%dma_start3A_246 : memref<10112x128xf32, #tpu.memory_space<vmem_shared>>) offsets(%dma_start3A_243 : memref<128xi32, #tpu.memory_space<vmem>>) semaphore(%run_scoped3A_240 : memref<!tpu.dma_semaphore, #tpu.memory_space<semaphore_mem>>) {add = true}
      %dma_wait3A_247 = arith.constant 0 : i32
      %dma_wait3A_248 = tpu.memref_slice %arg5[%run_scoped3A, %run_scoped3A_152, %dma_wait3A_247] : memref<4x2x128xi32, #tpu.memory_space<vmem>> -> memref<1x1x128xi32, #tpu.memory_space<vmem>>
      %dma_wait3A_249 = tpu.memref_squeeze %dma_wait3A_248 : memref<1x1x128xi32, #tpu.memory_space<vmem>> -> memref<128xi32, #tpu.memory_space<vmem>>
      %dma_wait3A_250 = arith.constant 0 : i32
      %dma_wait3A_251 = arith.constant 0 : i32
      %dma_wait3A_252 = tpu.memref_slice %arg8[%dma_wait3A_250, %dma_wait3A_251] : memref<10112x128xf32, #tpu.memory_space<vmem_shared>> -> memref<10112x128xf32, #tpu.memory_space<vmem_shared>>
      tpu.wait_indirect_dma semaphore(%run_scoped3A_240 : memref<!tpu.dma_semaphore, #tpu.memory_space<semaphore_mem>>) src(%arg6 : memref<128x128xf32, #tpu.memory_space<vmem>>) dst(%dma_wait3A_252 : memref<10112x128xf32, #tpu.memory_space<vmem_shared>>)
      tpu.yield
    }) : () -> ()
    %dma_wait3A_153 = arith.constant 0 : i32
    %dma_wait3A_154 = arith.constant 2 : i32
    %dma_wait3A_155 = arith.constant 0 : i32
    %dma_wait3A_156 = arith.constant 0 : i32
    %dma_wait3A_157 = tpu.memref_slice %arg5[%dma_wait3A_154, %dma_wait3A_155, %dma_wait3A_156] : memref<4x2x128xi32, #tpu.memory_space<vmem>> -> memref<1x2x128xi32, #tpu.memory_space<vmem>>
    %dma_wait3A_158 = tpu.memref_squeeze %dma_wait3A_157 : memref<1x2x128xi32, #tpu.memory_space<vmem>> -> memref<2x128xi32, #tpu.memory_space<vmem>>
    %dma_wait3A_159 = arith.constant 0 : i32
    %dma_wait3A_160 = arith.constant 0 : i32
    %dma_wait3A_161 = tpu.memref_slice %arg3[%add3A, %dma_wait3A_153, %dma_wait3A_159, %dma_wait3A_160] : memref<32x80x2x128xi32, #tpu.memory_space<hbm>> -> memref<1x1x2x128xi32, #tpu.memory_space<hbm>>
    %dma_wait3A_162 = tpu.memref_squeeze %dma_wait3A_161 : memref<1x1x2x128xi32, #tpu.memory_space<hbm>> -> memref<2x128xi32, #tpu.memory_space<hbm>>
    %dma_wait3A_163 = arith.constant 0 : i32
    %dma_wait3A_164 = arith.constant 0 : i32
    %dma_wait3A_165 = tpu.memref_slice %arg5[%dma_wait3A_154, %dma_wait3A_163, %dma_wait3A_164] : memref<4x2x128xi32, #tpu.memory_space<vmem>> -> memref<1x2x128xi32, #tpu.memory_space<vmem>>
    %dma_wait3A_166 = tpu.memref_squeeze %dma_wait3A_165 : memref<1x2x128xi32, #tpu.memory_space<vmem>> -> memref<2x128xi32, #tpu.memory_space<vmem>>
    %dma_wait3A_167 = arith.constant 0 : i32
    %dma_wait3A_168 = arith.constant 0 : i32
    %dma_wait3A_169 = tpu.memref_slice %arg3[%add3A, %dma_wait3A_153, %dma_wait3A_167, %dma_wait3A_168] : memref<32x80x2x128xi32, #tpu.memory_space<hbm>> -> memref<1x1x2x128xi32, #tpu.memory_space<hbm>>
    %dma_wait3A_170 = tpu.memref_squeeze %dma_wait3A_169 : memref<1x1x2x128xi32, #tpu.memory_space<hbm>> -> memref<2x128xi32, #tpu.memory_space<hbm>>
    tpu.wait_dma2 semaphore(%arg11 : memref<!tpu.dma_semaphore, #tpu.memory_space<semaphore_mem>>) src(%dma_wait3A_170 : memref<2x128xi32, #tpu.memory_space<hbm>>) dst(%dma_wait3A_166 : memref<2x128xi32, #tpu.memory_space<vmem>>)
    %dma_start3A_171 = arith.constant 2 : i32
    %dma_start3A_172 = arith.constant 0 : i32
    %dma_start3A_173 = arith.constant 0 : i32
    %dma_start3A_174 = tpu.memref_slice %arg5[%dma_start3A_171, %dma_start3A_172, %dma_start3A_173] : memref<4x2x128xi32, #tpu.memory_space<vmem>> -> memref<1x1x128xi32, #tpu.memory_space<vmem>>
    %dma_start3A_175 = tpu.memref_squeeze %dma_start3A_174 : memref<1x1x128xi32, #tpu.memory_space<vmem>> -> memref<128xi32, #tpu.memory_space<vmem>>
    %dma_start3A_176 = arith.constant 0 : i32
    %dma_start3A_177 = arith.constant 0 : i32
    %dma_start3A_178 = tpu.memref_slice %arg2[%dma_start3A_176, %dma_start3A_177] : memref<10000x128xf32, #tpu.memory_space<hbm>> -> memref<10000x128xf32, #tpu.memory_space<hbm>>
    tpu.enqueue_indirect_dma source(%dma_start3A_178 : memref<10000x128xf32, #tpu.memory_space<hbm>>) target(%arg6 : memref<128x128xf32, #tpu.memory_space<vmem>>) offsets(%dma_start3A_175 : memref<128xi32, #tpu.memory_space<vmem>>) semaphore(%arg13 : memref<!tpu.dma_semaphore, #tpu.memory_space<semaphore_mem>>)
    %dma_wait3A_179 = arith.constant 0 : i32
    %dma_wait3A_180 = arith.constant 0 : i32
    %dma_wait3A_181 = arith.constant 0 : i32
    %dma_wait3A_182 = tpu.memref_slice %arg5[%dma_wait3A_179, %dma_wait3A_180, %dma_wait3A_181] : memref<4x2x128xi32, #tpu.memory_space<vmem>> -> memref<1x1x128xi32, #tpu.memory_space<vmem>>
    %dma_wait3A_183 = tpu.memref_squeeze %dma_wait3A_182 : memref<1x1x128xi32, #tpu.memory_space<vmem>> -> memref<128xi32, #tpu.memory_space<vmem>>
    %dma_wait3A_184 = arith.constant 0 : i32
    %dma_wait3A_185 = arith.constant 0 : i32
    %dma_wait3A_186 = tpu.memref_slice %arg2[%dma_wait3A_184, %dma_wait3A_185] : memref<10000x128xf32, #tpu.memory_space<hbm>> -> memref<10000x128xf32, #tpu.memory_space<hbm>>
    tpu.wait_indirect_dma semaphore(%arg14 : memref<!tpu.dma_semaphore, #tpu.memory_space<semaphore_mem>>) src(%dma_wait3A_186 : memref<10000x128xf32, #tpu.memory_space<hbm>>) dst(%arg7 : memref<128x128xf32, #tpu.memory_space<vmem>>)
    %run_scoped3A_187 = arith.constant 1 : i32
    %run_scoped3A_188 = arith.constant 1 : i32
    "tpu.region"() ({
      %run_scoped3A_240 = tpu.sem_alloc : memref<!tpu.dma_semaphore, #tpu.memory_space<semaphore_mem>>
      %dma_start3A_241 = arith.constant 0 : i32
      %dma_start3A_242 = tpu.memref_slice %arg5[%run_scoped3A_187, %run_scoped3A_188, %dma_start3A_241] : memref<4x2x128xi32, #tpu.memory_space<vmem>> -> memref<1x1x128xi32, #tpu.memory_space<vmem>>
      %dma_start3A_243 = tpu.memref_squeeze %dma_start3A_242 : memref<1x1x128xi32, #tpu.memory_space<vmem>> -> memref<128xi32, #tpu.memory_space<vmem>>
      %dma_start3A_244 = arith.constant 0 : i32
      %dma_start3A_245 = arith.constant 0 : i32
      %dma_start3A_246 = tpu.memref_slice %arg8[%dma_start3A_244, %dma_start3A_245] : memref<10112x128xf32, #tpu.memory_space<vmem_shared>> -> memref<10112x128xf32, #tpu.memory_space<vmem_shared>>
      tpu.enqueue_indirect_dma source(%arg7 : memref<128x128xf32, #tpu.memory_space<vmem>>) target(%dma_start3A_246 : memref<10112x128xf32, #tpu.memory_space<vmem_shared>>) offsets(%dma_start3A_243 : memref<128xi32, #tpu.memory_space<vmem>>) semaphore(%run_scoped3A_240 : memref<!tpu.dma_semaphore, #tpu.memory_space<semaphore_mem>>) {add = true}
      %dma_wait3A_247 = arith.constant 0 : i32
      %dma_wait3A_248 = tpu.memref_slice %arg5[%run_scoped3A_187, %run_scoped3A_188, %dma_wait3A_247] : memref<4x2x128xi32, #tpu.memory_space<vmem>> -> memref<1x1x128xi32, #tpu.memory_space<vmem>>
      %dma_wait3A_249 = tpu.memref_squeeze %dma_wait3A_248 : memref<1x1x128xi32, #tpu.memory_space<vmem>> -> memref<128xi32, #tpu.memory_space<vmem>>
      %dma_wait3A_250 = arith.constant 0 : i32
      %dma_wait3A_251 = arith.constant 0 : i32
      %dma_wait3A_252 = tpu.memref_slice %arg8[%dma_wait3A_250, %dma_wait3A_251] : memref<10112x128xf32, #tpu.memory_space<vmem_shared>> -> memref<10112x128xf32, #tpu.memory_space<vmem_shared>>
      tpu.wait_indirect_dma semaphore(%run_scoped3A_240 : memref<!tpu.dma_semaphore, #tpu.memory_space<semaphore_mem>>) src(%arg7 : memref<128x128xf32, #tpu.memory_space<vmem>>) dst(%dma_wait3A_252 : memref<10112x128xf32, #tpu.memory_space<vmem_shared>>)
      tpu.yield
    }) : () -> ()
    %dma_wait3A_189 = arith.constant 0 : i32
    %dma_wait3A_190 = arith.constant 3 : i32
    %dma_wait3A_191 = arith.constant 0 : i32
    %dma_wait3A_192 = arith.constant 0 : i32
    %dma_wait3A_193 = tpu.memref_slice %arg5[%dma_wait3A_190, %dma_wait3A_191, %dma_wait3A_192] : memref<4x2x128xi32, #tpu.memory_space<vmem>> -> memref<1x2x128xi32, #tpu.memory_space<vmem>>
    %dma_wait3A_194 = tpu.memref_squeeze %dma_wait3A_193 : memref<1x2x128xi32, #tpu.memory_space<vmem>> -> memref<2x128xi32, #tpu.memory_space<vmem>>
    %dma_wait3A_195 = arith.constant 0 : i32
    %dma_wait3A_196 = arith.constant 0 : i32
    %dma_wait3A_197 = tpu.memref_slice %arg3[%add3A, %dma_wait3A_189, %dma_wait3A_195, %dma_wait3A_196] : memref<32x80x2x128xi32, #tpu.memory_space<hbm>> -> memref<1x1x2x128xi32, #tpu.memory_space<hbm>>
    %dma_wait3A_198 = tpu.memref_squeeze %dma_wait3A_197 : memref<1x1x2x128xi32, #tpu.memory_space<hbm>> -> memref<2x128xi32, #tpu.memory_space<hbm>>
    %dma_wait3A_199 = arith.constant 0 : i32
    %dma_wait3A_200 = arith.constant 0 : i32
    %dma_wait3A_201 = tpu.memref_slice %arg5[%dma_wait3A_190, %dma_wait3A_199, %dma_wait3A_200] : memref<4x2x128xi32, #tpu.memory_space<vmem>> -> memref<1x2x128xi32, #tpu.memory_space<vmem>>
    %dma_wait3A_202 = tpu.memref_squeeze %dma_wait3A_201 : memref<1x2x128xi32, #tpu.memory_space<vmem>> -> memref<2x128xi32, #tpu.memory_space<vmem>>
    %dma_wait3A_203 = arith.constant 0 : i32
    %dma_wait3A_204 = arith.constant 0 : i32
    %dma_wait3A_205 = tpu.memref_slice %arg3[%add3A, %dma_wait3A_189, %dma_wait3A_203, %dma_wait3A_204] : memref<32x80x2x128xi32, #tpu.memory_space<hbm>> -> memref<1x1x2x128xi32, #tpu.memory_space<hbm>>
    %dma_wait3A_206 = tpu.memref_squeeze %dma_wait3A_205 : memref<1x1x2x128xi32, #tpu.memory_space<hbm>> -> memref<2x128xi32, #tpu.memory_space<hbm>>
    tpu.wait_dma2 semaphore(%arg12 : memref<!tpu.dma_semaphore, #tpu.memory_space<semaphore_mem>>) src(%dma_wait3A_206 : memref<2x128xi32, #tpu.memory_space<hbm>>) dst(%dma_wait3A_202 : memref<2x128xi32, #tpu.memory_space<vmem>>)
    %dma_start3A_207 = arith.constant 3 : i32
    %dma_start3A_208 = arith.constant 0 : i32
    %dma_start3A_209 = arith.constant 0 : i32
    %dma_start3A_210 = tpu.memref_slice %arg5[%dma_start3A_207, %dma_start3A_208, %dma_start3A_209] : memref<4x2x128xi32, #tpu.memory_space<vmem>> -> memref<1x1x128xi32, #tpu.memory_space<vmem>>
    %dma_start3A_211 = tpu.memref_squeeze %dma_start3A_210 : memref<1x1x128xi32, #tpu.memory_space<vmem>> -> memref<128xi32, #tpu.memory_space<vmem>>
    %dma_start3A_212 = arith.constant 0 : i32
    %dma_start3A_213 = arith.constant 0 : i32
    %dma_start3A_214 = tpu.memref_slice %arg2[%dma_start3A_212, %dma_start3A_213] : memref<10000x128xf32, #tpu.memory_space<hbm>> -> memref<10000x128xf32, #tpu.memory_space<hbm>>
    tpu.enqueue_indirect_dma source(%dma_start3A_214 : memref<10000x128xf32, #tpu.memory_space<hbm>>) target(%arg7 : memref<128x128xf32, #tpu.memory_space<vmem>>) offsets(%dma_start3A_211 : memref<128xi32, #tpu.memory_space<vmem>>) semaphore(%arg14 : memref<!tpu.dma_semaphore, #tpu.memory_space<semaphore_mem>>)
    %dma_wait3A_215 = arith.constant 0 : i32
    %dma_wait3A_216 = arith.constant 0 : i32
    %dma_wait3A_217 = arith.constant 0 : i32
    %dma_wait3A_218 = tpu.memref_slice %arg5[%dma_wait3A_215, %dma_wait3A_216, %dma_wait3A_217] : memref<4x2x128xi32, #tpu.memory_space<vmem>> -> memref<1x1x128xi32, #tpu.memory_space<vmem>>
    %dma_wait3A_219 = tpu.memref_squeeze %dma_wait3A_218 : memref<1x1x128xi32, #tpu.memory_space<vmem>> -> memref<128xi32, #tpu.memory_space<vmem>>
    %dma_wait3A_220 = arith.constant 0 : i32
    %dma_wait3A_221 = arith.constant 0 : i32
    %dma_wait3A_222 = tpu.memref_slice %arg2[%dma_wait3A_220, %dma_wait3A_221] : memref<10000x128xf32, #tpu.memory_space<hbm>> -> memref<10000x128xf32, #tpu.memory_space<hbm>>
    tpu.wait_indirect_dma semaphore(%arg13 : memref<!tpu.dma_semaphore, #tpu.memory_space<semaphore_mem>>) src(%dma_wait3A_222 : memref<10000x128xf32, #tpu.memory_space<hbm>>) dst(%arg6 : memref<128x128xf32, #tpu.memory_space<vmem>>)
    %run_scoped3A_223 = arith.constant 2 : i32
    %run_scoped3A_224 = arith.constant 1 : i32
    "tpu.region"() ({
      %run_scoped3A_240 = tpu.sem_alloc : memref<!tpu.dma_semaphore, #tpu.memory_space<semaphore_mem>>
      %dma_start3A_241 = arith.constant 0 : i32
      %dma_start3A_242 = tpu.memref_slice %arg5[%run_scoped3A_223, %run_scoped3A_224, %dma_start3A_241] : memref<4x2x128xi32, #tpu.memory_space<vmem>> -> memref<1x1x128xi32, #tpu.memory_space<vmem>>
      %dma_start3A_243 = tpu.memref_squeeze %dma_start3A_242 : memref<1x1x128xi32, #tpu.memory_space<vmem>> -> memref<128xi32, #tpu.memory_space<vmem>>
      %dma_start3A_244 = arith.constant 0 : i32
      %dma_start3A_245 = arith.constant 0 : i32
      %dma_start3A_246 = tpu.memref_slice %arg8[%dma_start3A_244, %dma_start3A_245] : memref<10112x128xf32, #tpu.memory_space<vmem_shared>> -> memref<10112x128xf32, #tpu.memory_space<vmem_shared>>
      tpu.enqueue_indirect_dma source(%arg6 : memref<128x128xf32, #tpu.memory_space<vmem>>) target(%dma_start3A_246 : memref<10112x128xf32, #tpu.memory_space<vmem_shared>>) offsets(%dma_start3A_243 : memref<128xi32, #tpu.memory_space<vmem>>) semaphore(%run_scoped3A_240 : memref<!tpu.dma_semaphore, #tpu.memory_space<semaphore_mem>>) {add = true}
      %dma_wait3A_247 = arith.constant 0 : i32
      %dma_wait3A_248 = tpu.memref_slice %arg5[%run_scoped3A_223, %run_scoped3A_224, %dma_wait3A_247] : memref<4x2x128xi32, #tpu.memory_space<vmem>> -> memref<1x1x128xi32, #tpu.memory_space<vmem>>
      %dma_wait3A_249 = tpu.memref_squeeze %dma_wait3A_248 : memref<1x1x128xi32, #tpu.memory_space<vmem>> -> memref<128xi32, #tpu.memory_space<vmem>>
      %dma_wait3A_250 = arith.constant 0 : i32
      %dma_wait3A_251 = arith.constant 0 : i32
      %dma_wait3A_252 = tpu.memref_slice %arg8[%dma_wait3A_250, %dma_wait3A_251] : memref<10112x128xf32, #tpu.memory_space<vmem_shared>> -> memref<10112x128xf32, #tpu.memory_space<vmem_shared>>
      tpu.wait_indirect_dma semaphore(%run_scoped3A_240 : memref<!tpu.dma_semaphore, #tpu.memory_space<semaphore_mem>>) src(%arg6 : memref<128x128xf32, #tpu.memory_space<vmem>>) dst(%dma_wait3A_252 : memref<10112x128xf32, #tpu.memory_space<vmem_shared>>)
      tpu.yield
    }) : () -> ()
    %dma_wait3A_225 = arith.constant 0 : i32
    %dma_wait3A_226 = arith.constant 0 : i32
    %dma_wait3A_227 = arith.constant 0 : i32
    %dma_wait3A_228 = tpu.memref_slice %arg5[%dma_wait3A_225, %dma_wait3A_226, %dma_wait3A_227] : memref<4x2x128xi32, #tpu.memory_space<vmem>> -> memref<1x1x128xi32, #tpu.memory_space<vmem>>
    %dma_wait3A_229 = tpu.memref_squeeze %dma_wait3A_228 : memref<1x1x128xi32, #tpu.memory_space<vmem>> -> memref<128xi32, #tpu.memory_space<vmem>>
    %dma_wait3A_230 = arith.constant 0 : i32
    %dma_wait3A_231 = arith.constant 0 : i32
    %dma_wait3A_232 = tpu.memref_slice %arg2[%dma_wait3A_230, %dma_wait3A_231] : memref<10000x128xf32, #tpu.memory_space<hbm>> -> memref<10000x128xf32, #tpu.memory_space<hbm>>
    tpu.wait_indirect_dma semaphore(%arg14 : memref<!tpu.dma_semaphore, #tpu.memory_space<semaphore_mem>>) src(%dma_wait3A_232 : memref<10000x128xf32, #tpu.memory_space<hbm>>) dst(%arg7 : memref<128x128xf32, #tpu.memory_space<vmem>>)
    %run_scoped3A_233 = arith.constant 3 : i32
    %run_scoped3A_234 = arith.constant 1 : i32
    "tpu.region"() ({
      %run_scoped3A_240 = tpu.sem_alloc : memref<!tpu.dma_semaphore, #tpu.memory_space<semaphore_mem>>
      %dma_start3A_241 = arith.constant 0 : i32
      %dma_start3A_242 = tpu.memref_slice %arg5[%run_scoped3A_233, %run_scoped3A_234, %dma_start3A_241] : memref<4x2x128xi32, #tpu.memory_space<vmem>> -> memref<1x1x128xi32, #tpu.memory_space<vmem>>
      %dma_start3A_243 = tpu.memref_squeeze %dma_start3A_242 : memref<1x1x128xi32, #tpu.memory_space<vmem>> -> memref<128xi32, #tpu.memory_space<vmem>>
      %dma_start3A_244 = arith.constant 0 : i32
      %dma_start3A_245 = arith.constant 0 : i32
      %dma_start3A_246 = tpu.memref_slice %arg8[%dma_start3A_244, %dma_start3A_245] : memref<10112x128xf32, #tpu.memory_space<vmem_shared>> -> memref<10112x128xf32, #tpu.memory_space<vmem_shared>>
      tpu.enqueue_indirect_dma source(%arg7 : memref<128x128xf32, #tpu.memory_space<vmem>>) target(%dma_start3A_246 : memref<10112x128xf32, #tpu.memory_space<vmem_shared>>) offsets(%dma_start3A_243 : memref<128xi32, #tpu.memory_space<vmem>>) semaphore(%run_scoped3A_240 : memref<!tpu.dma_semaphore, #tpu.memory_space<semaphore_mem>>) {add = true}
      %dma_wait3A_247 = arith.constant 0 : i32
      %dma_wait3A_248 = tpu.memref_slice %arg5[%run_scoped3A_233, %run_scoped3A_234, %dma_wait3A_247] : memref<4x2x128xi32, #tpu.memory_space<vmem>> -> memref<1x1x128xi32, #tpu.memory_space<vmem>>
      %dma_wait3A_249 = tpu.memref_squeeze %dma_wait3A_248 : memref<1x1x128xi32, #tpu.memory_space<vmem>> -> memref<128xi32, #tpu.memory_space<vmem>>
      %dma_wait3A_250 = arith.constant 0 : i32
      %dma_wait3A_251 = arith.constant 0 : i32
      %dma_wait3A_252 = tpu.memref_slice %arg8[%dma_wait3A_250, %dma_wait3A_251] : memref<10112x128xf32, #tpu.memory_space<vmem_shared>> -> memref<10112x128xf32, #tpu.memory_space<vmem_shared>>
      tpu.wait_indirect_dma semaphore(%run_scoped3A_240 : memref<!tpu.dma_semaphore, #tpu.memory_space<semaphore_mem>>) src(%arg7 : memref<128x128xf32, #tpu.memory_space<vmem>>) dst(%dma_wait3A_252 : memref<10112x128xf32, #tpu.memory_space<vmem_shared>>)
      tpu.yield
    }) : () -> ()
    %barrier3A_235 = arith.constant 0 : index
    tpu.barrier barrier_id(%barrier3A_235)
    %mul3A_236 = arith.constant 632 : i32
    %mul3A_237 = arith.muli %arg1, %mul3A_236 : i32
    %mul3A_238 = arith.constant 632 : i32
    %mul3A_239 = arith.muli %arg1, %mul3A_238 : i32
    "tpu.region"() ({
      %run_scoped3A_240 = tpu.sem_alloc : memref<!tpu.dma_semaphore, #tpu.memory_space<semaphore_mem>>
      %dma_start3A_241 = arith.constant 0 : i32
      %dma_start3A_242 = tpu.memref_slice %arg4[%arg0, %mul3A_239, %dma_start3A_241] : memref<2x10112x128xf32, #tpu.memory_space<hbm>> -> memref<1x632x128xf32, #tpu.memory_space<hbm>>
      %dma_start3A_243 = tpu.memref_squeeze %dma_start3A_242 : memref<1x632x128xf32, #tpu.memory_space<hbm>> -> memref<632x128xf32, #tpu.memory_space<hbm>>
      %dma_start3A_244 = arith.constant 0 : i32
      %dma_start3A_245 = tpu.memref_slice %arg8[%mul3A_237, %dma_start3A_244] : memref<10112x128xf32, #tpu.memory_space<vmem_shared>> -> memref<632x128xf32, #tpu.memory_space<vmem_shared>>
      tpu.enqueue_dma source(%dma_start3A_245 : memref<632x128xf32, #tpu.memory_space<vmem_shared>>) target(%dma_start3A_243 : memref<632x128xf32, #tpu.memory_space<hbm>>) target_semaphore(%run_scoped3A_240 : memref<!tpu.dma_semaphore, #tpu.memory_space<semaphore_mem>>)
      %dma_wait3A_246 = arith.constant 0 : i32
      %dma_wait3A_247 = tpu.memref_slice %arg4[%arg0, %mul3A_239, %dma_wait3A_246] : memref<2x10112x128xf32, #tpu.memory_space<hbm>> -> memref<1x632x128xf32, #tpu.memory_space<hbm>>
      %dma_wait3A_248 = tpu.memref_squeeze %dma_wait3A_247 : memref<1x632x128xf32, #tpu.memory_space<hbm>> -> memref<632x128xf32, #tpu.memory_space<hbm>>
      %dma_wait3A_249 = arith.constant 0 : i32
      %dma_wait3A_250 = tpu.memref_slice %arg8[%mul3A_237, %dma_wait3A_249] : memref<10112x128xf32, #tpu.memory_space<vmem_shared>> -> memref<632x128xf32, #tpu.memory_space<vmem_shared>>
      tpu.wait_dma2 semaphore(%run_scoped3A_240 : memref<!tpu.dma_semaphore, #tpu.memory_space<semaphore_mem>>) src(%dma_wait3A_250 : memref<632x128xf32, #tpu.memory_space<vmem_shared>>) dst(%dma_wait3A_248 : memref<632x128xf32, #tpu.memory_space<hbm>>)
      tpu.yield
    }) : () -> ()
    return
  }
}

module attributes {stable_mosaic.version = 14 : i64} {
  func.func @body(%arg0: memref<10000x128xf32, #tpu.memory_space<vmem>>, %arg1: memref<10000x384xf32, #tpu.memory_space<vmem>>, %arg2: memref<512x128xf32, #tpu.memory_space<vmem>>, %arg3: memref<1x128xf32, #tpu.memory_space<vmem>>, %arg4: memref<2x10240xf32, #tpu.memory_space<vmem>>, %arg5: memref<128x128xf32, #tpu.memory_space<vmem>>, %arg6: memref<10000x128xf32, #tpu.memory_space<vmem>>, %arg7: memref<1x10000xf32, #tpu.memory_space<vmem>>) attributes {dimension_semantics = [], scalar_prefetch = 0 : i64, scratch_operands = 0 : i64, tpu.core_type = #tpu.core_type<tc>} {
    %get3A = arith.constant 0 : index
    %get3A_0 = arith.constant 0 : index
    %get3A_1 = vector.load %arg0[%get3A, %get3A_0] : memref<10000x128xf32, #tpu.memory_space<vmem>>, vector<10000x128xf32>
    %get3A_2 = arith.constant 0 : index
    %get3A_3 = arith.constant 0 : index
    %get3A_4 = vector.load %arg2[%get3A_2, %get3A_3] : memref<512x128xf32, #tpu.memory_space<vmem>>, vector<128x128xf32>
    %dot_general3A = arith.constant dense<0.000000e+00> : vector<10000x128xf32>
    %dot_general3A_5 = tpu.matmul %get3A_1, %get3A_4, %dot_general3A {dimension_numbers = #tpu.dot_dimension_numbers<[1], [0], [0], [1], [0, 0, 1, 1], [], []>, transpose_lhs_hint = false} : vector<10000x128xf32>, vector<128x128xf32>, vector<10000x128xf32> -> vector<10000x128xf32>
    %get3A_6 = arith.constant 0 : index
    %get3A_7 = arith.constant 0 : index
    %get3A_8 = vector.load %arg1[%get3A_6, %get3A_7] : memref<10000x384xf32, #tpu.memory_space<vmem>>, vector<10000x384xf32>
    %get3A_9 = arith.constant 128 : index
    %get3A_10 = arith.constant 0 : index
    %get3A_11 = vector.load %arg2[%get3A_9, %get3A_10] : memref<512x128xf32, #tpu.memory_space<vmem>>, vector<384x128xf32>
    %dot_general3A_12 = arith.constant dense<0.000000e+00> : vector<10000x128xf32>
    %dot_general3A_13 = tpu.matmul %get3A_8, %get3A_11, %dot_general3A_12 {dimension_numbers = #tpu.dot_dimension_numbers<[1], [0], [0], [1], [0, 0, 1, 1], [], []>, transpose_lhs_hint = false} : vector<10000x384xf32>, vector<384x128xf32>, vector<10000x128xf32> -> vector<10000x128xf32>
    %add3A = arith.addf %dot_general3A_5, %dot_general3A_13 : vector<10000x128xf32>
    %get3A_14 = arith.constant 0 : index
    %get3A_15 = arith.constant 0 : index
    %get3A_16 = vector.load %arg3[%get3A_14, %get3A_15] : memref<1x128xf32, #tpu.memory_space<vmem>>, vector<1x128xf32>
    %add3A_17 = vector.broadcast %get3A_16 : vector<1x128xf32> to vector<10000x128xf32>
    %add3A_18 = arith.addf %add3A, %add3A_17 : vector<10000x128xf32>
    %max3A = arith.constant 0.000000e+00 : f32
    %max3A_19 = vector.broadcast %max3A : f32 to vector<10000x128xf32>
    %max3A_20 = arith.maximumf %add3A_18, %max3A_19 : vector<10000x128xf32>
    %get3A_21 = arith.constant 0 : index
    %get3A_22 = arith.constant 0 : index
    %get3A_23 = vector.load %arg4[%get3A_21, %get3A_22] : memref<2x10240xf32, #tpu.memory_space<vmem>>, vector<1x10000xf32>
    %get3A_24 = arith.constant 1 : index
    %get3A_25 = arith.constant 0 : index
    %get3A_26 = vector.load %arg4[%get3A_24, %get3A_25] : memref<2x10240xf32, #tpu.memory_space<vmem>>, vector<1x10000xf32>
    %add3A_27 = arith.addf %get3A_23, %get3A_26 : vector<1x10000xf32>
    %add3A_28 = arith.constant 1.000000e+00 : f32
    %add3A_29 = vector.broadcast %add3A_28 : f32 to vector<1x10000xf32>
    %add3A_30 = arith.addf %add3A_27, %add3A_29 : vector<1x10000xf32>
    %rsqrt3A = math.rsqrt %add3A_30 : vector<1x10000xf32>
    %swap3A = arith.constant 0 : index
    %swap3A_31 = arith.constant 0 : index
    %swap3A_32 = vector.load %arg7[%swap3A, %swap3A_31] : memref<1x10000xf32, #tpu.memory_space<vmem>>, vector<1x10000xf32>
    tpu.vector_store %arg7[%swap3A, %swap3A_31], %rsqrt3A {strides = array<i32>} : memref<1x10000xf32, #tpu.memory_space<vmem>>, vector<1x10000xf32>,
    %broadcast_in_dim3A = arith.constant 1.000000e+00 : f32
    %broadcast_in_dim3A_33 = vector.broadcast %broadcast_in_dim3A : f32 to vector<1x128xf32>
    %dot_general3A_34 = arith.constant dense<0.000000e+00> : vector<10000x128xf32>
    %dot_general3A_35 = tpu.matmul %rsqrt3A, %broadcast_in_dim3A_33, %dot_general3A_34 {dimension_numbers = #tpu.dot_dimension_numbers<[0], [0], [1], [1], [0, 1, 1, 1], [], []>, transpose_lhs_hint = false} : vector<1x10000xf32>, vector<1x128xf32>, vector<10000x128xf32> -> vector<10000x128xf32>
    %get3A_36 = arith.constant 0 : index
    %get3A_37 = arith.constant 0 : index
    %get3A_38 = vector.load %arg5[%get3A_36, %get3A_37] : memref<128x128xf32, #tpu.memory_space<vmem>>, vector<128x128xf32>
    %dot_general3A_39 = arith.constant dense<0.000000e+00> : vector<10000x128xf32>
    %dot_general3A_40 = tpu.matmul %max3A_20, %get3A_38, %dot_general3A_39 {dimension_numbers = #tpu.dot_dimension_numbers<[1], [0], [0], [1], [0, 0, 1, 1], [], []>, transpose_lhs_hint = false} : vector<10000x128xf32>, vector<128x128xf32>, vector<10000x128xf32> -> vector<10000x128xf32>
    %mul3A = arith.mulf %dot_general3A_35, %dot_general3A_40 : vector<10000x128xf32>
    %swap3A_41 = arith.constant 0 : index
    %swap3A_42 = arith.constant 0 : index
    %swap3A_43 = vector.load %arg6[%swap3A_41, %swap3A_42] : memref<10000x128xf32, #tpu.memory_space<vmem>>, vector<10000x128xf32>
    tpu.vector_store %arg6[%swap3A_41, %swap3A_42], %mul3A {strides = array<i32>} : memref<10000x128xf32, #tpu.memory_space<vmem>>, vector<10000x128xf32>,
    return
  }
}

module attributes {stable_mosaic.version = 14 : i64} {
  func.func @body(%arg0: memref<2x10112x128xf32, #tpu.memory_space<vmem>>, %arg1: memref<10000x128xf32, #tpu.memory_space<vmem>>, %arg2: memref<1x10000xf32, #tpu.memory_space<vmem>>, %arg3: memref<1x128xf32, #tpu.memory_space<vmem>>, %arg4: memref<1x128xf32, #tpu.memory_space<vmem>>, %arg5: memref<1x128xf32, #tpu.memory_space<vmem>>, %arg6: memref<128x128xf32, #tpu.memory_space<vmem>>, %arg7: memref<10000x128xf32, #tpu.memory_space<vmem>>) attributes {dimension_semantics = [], scalar_prefetch = 0 : i64, scratch_operands = 0 : i64, tpu.core_type = #tpu.core_type<tc>} {
    %get3A = arith.constant 0 : index
    %get3A_0 = arith.constant 0 : index
    %get3A_1 = vector.load %arg2[%get3A, %get3A_0] : memref<1x10000xf32, #tpu.memory_space<vmem>>, vector<1x10000xf32>
    %broadcast_in_dim3A = arith.constant 1.000000e+00 : f32
    %broadcast_in_dim3A_2 = vector.broadcast %broadcast_in_dim3A : f32 to vector<1x128xf32>
    %dot_general3A = arith.constant dense<0.000000e+00> : vector<10000x128xf32>
    %dot_general3A_3 = tpu.matmul %get3A_1, %broadcast_in_dim3A_2, %dot_general3A {dimension_numbers = #tpu.dot_dimension_numbers<[0], [0], [1], [1], [0, 1, 1, 1], [], []>, transpose_lhs_hint = false} : vector<1x10000xf32>, vector<1x128xf32>, vector<10000x128xf32> -> vector<10000x128xf32>
    %get3A_4 = arith.constant 0 : index
    %get3A_5 = arith.constant 0 : index
    %get3A_6 = arith.constant 0 : index
    %get3A_7 = vector.load %arg0[%get3A_4, %get3A_5, %get3A_6] : memref<2x10112x128xf32, #tpu.memory_space<vmem>>, vector<1x10000x128xf32>
    %get3A_8 = vector.shape_cast %get3A_7 : vector<1x10000x128xf32> to vector<10000x128xf32>
    %get3A_9 = arith.constant 1 : index
    %get3A_10 = arith.constant 0 : index
    %get3A_11 = arith.constant 0 : index
    %get3A_12 = vector.load %arg0[%get3A_9, %get3A_10, %get3A_11] : memref<2x10112x128xf32, #tpu.memory_space<vmem>>, vector<1x10000x128xf32>
    %get3A_13 = vector.shape_cast %get3A_12 : vector<1x10000x128xf32> to vector<10000x128xf32>
    %add3A = arith.addf %get3A_8, %get3A_13 : vector<10000x128xf32>
    %get3A_14 = arith.constant 0 : index
    %get3A_15 = arith.constant 0 : index
    %get3A_16 = vector.load %arg1[%get3A_14, %get3A_15] : memref<10000x128xf32, #tpu.memory_space<vmem>>, vector<10000x128xf32>
    %add3A_17 = arith.addf %add3A, %get3A_16 : vector<10000x128xf32>
    %mul3A = arith.mulf %dot_general3A_3, %add3A_17 : vector<10000x128xf32>
    %get3A_18 = arith.constant 0 : index
    %get3A_19 = arith.constant 0 : index
    %get3A_20 = vector.load %arg3[%get3A_18, %get3A_19] : memref<1x128xf32, #tpu.memory_space<vmem>>, vector<1x128xf32>
    %add3A_21 = vector.broadcast %get3A_20 : vector<1x128xf32> to vector<10000x128xf32>
    %add3A_22 = arith.addf %mul3A, %add3A_21 : vector<10000x128xf32>
    %reduce_sum3A = arith.constant dense<0.000000e+00> : vector<128xf32>
    %reduce_sum3A_23 = vector.multi_reduction <add>, %add3A_22, %reduce_sum3A [0] : vector<10000x128xf32> to vector<128xf32>
    %broadcast_in_dim3A_24 = vector.shape_cast %reduce_sum3A_23 : vector<128xf32> to vector<1x128xf32>
    %div3A = arith.constant 1.000000e+04 : f32
    %div3A_25 = vector.broadcast %div3A : f32 to vector<1x128xf32>
    %div3A_26 = arith.divf %broadcast_in_dim3A_24, %div3A_25 : vector<1x128xf32>
    %sub3A = vector.broadcast %div3A_26 : vector<1x128xf32> to vector<10000x128xf32>
    %sub3A_27 = arith.subf %add3A_22, %sub3A : vector<10000x128xf32>
    %mul3A_28 = arith.mulf %sub3A_27, %sub3A_27 : vector<10000x128xf32>
    %reduce_sum3A_29 = arith.constant dense<0.000000e+00> : vector<128xf32>
    %reduce_sum3A_30 = vector.multi_reduction <add>, %mul3A_28, %reduce_sum3A_29 [0] : vector<10000x128xf32> to vector<128xf32>
    %broadcast_in_dim3A_31 = vector.shape_cast %reduce_sum3A_30 : vector<128xf32> to vector<1x128xf32>
    %div3A_32 = arith.constant 1.000000e+04 : f32
    %div3A_33 = vector.broadcast %div3A_32 : f32 to vector<1x128xf32>
    %div3A_34 = arith.divf %broadcast_in_dim3A_31, %div3A_33 : vector<1x128xf32>
    %add3A_35 = arith.constant 9.99999974E-6 : f32
    %add3A_36 = vector.broadcast %add3A_35 : f32 to vector<1x128xf32>
    %add3A_37 = arith.addf %div3A_34, %add3A_36 : vector<1x128xf32>
    %sqrt3A = math.sqrt %add3A_37 : vector<1x128xf32>
    %div3A_38 = vector.broadcast %sqrt3A : vector<1x128xf32> to vector<10000x128xf32>
    %div3A_39 = arith.divf %sub3A_27, %div3A_38 : vector<10000x128xf32>
    %get3A_40 = arith.constant 0 : index
    %get3A_41 = arith.constant 0 : index
    %get3A_42 = vector.load %arg4[%get3A_40, %get3A_41] : memref<1x128xf32, #tpu.memory_space<vmem>>, vector<1x128xf32>
    %mul3A_43 = vector.broadcast %get3A_42 : vector<1x128xf32> to vector<10000x128xf32>
    %mul3A_44 = arith.mulf %div3A_39, %mul3A_43 : vector<10000x128xf32>
    %get3A_45 = arith.constant 0 : index
    %get3A_46 = arith.constant 0 : index
    %get3A_47 = vector.load %arg5[%get3A_45, %get3A_46] : memref<1x128xf32, #tpu.memory_space<vmem>>, vector<1x128xf32>
    %add3A_48 = vector.broadcast %get3A_47 : vector<1x128xf32> to vector<10000x128xf32>
    %add3A_49 = arith.addf %mul3A_44, %add3A_48 : vector<10000x128xf32>
    %max3A = arith.constant 0.000000e+00 : f32
    %max3A_50 = vector.broadcast %max3A : f32 to vector<10000x128xf32>
    %max3A_51 = arith.maximumf %add3A_49, %max3A_50 : vector<10000x128xf32>
    %get3A_52 = arith.constant 0 : index
    %get3A_53 = arith.constant 0 : index
    %get3A_54 = vector.load %arg6[%get3A_52, %get3A_53] : memref<128x128xf32, #tpu.memory_space<vmem>>, vector<128x128xf32>
    %dot_general3A_55 = arith.constant dense<0.000000e+00> : vector<10000x128xf32>
    %dot_general3A_56 = tpu.matmul %max3A_51, %get3A_54, %dot_general3A_55 {dimension_numbers = #tpu.dot_dimension_numbers<[1], [0], [0], [1], [0, 0, 1, 1], [], []>, transpose_lhs_hint = false} : vector<10000x128xf32>, vector<128x128xf32>, vector<10000x128xf32> -> vector<10000x128xf32>
    %mul3A_57 = arith.mulf %dot_general3A_3, %dot_general3A_56 : vector<10000x128xf32>
    %swap3A = arith.constant 0 : index
    %swap3A_58 = arith.constant 0 : index
    %swap3A_59 = vector.load %arg7[%swap3A, %swap3A_58] : memref<10000x128xf32, #tpu.memory_space<vmem>>, vector<10000x128xf32>
    tpu.vector_store %arg7[%swap3A, %swap3A_58], %mul3A_57 {strides = array<i32>} : memref<10000x128xf32, #tpu.memory_space<vmem>>, vector<10000x128xf32>,
    return
  }
}

module attributes {stable_mosaic.version = 14 : i64} {
  func.func @body(%arg0: memref<2x10112x128xf32, #tpu.memory_space<vmem>>, %arg1: memref<10000x128xf32, #tpu.memory_space<vmem>>, %arg2: memref<1x10000xf32, #tpu.memory_space<vmem>>, %arg3: memref<1x128xf32, #tpu.memory_space<vmem>>, %arg4: memref<1x128xf32, #tpu.memory_space<vmem>>, %arg5: memref<1x128xf32, #tpu.memory_space<vmem>>, %arg6: memref<1x10000xi32, #tpu.memory_space<vmem>>, %arg7: memref<128x2xf32, #tpu.memory_space<vmem>>, %arg8: memref<1x2xf32, #tpu.memory_space<vmem>>, %arg9: memref<64x2xf32, #tpu.memory_space<vmem>>) attributes {dimension_semantics = [], scalar_prefetch = 0 : i64, scratch_operands = 0 : i64, tpu.core_type = #tpu.core_type<tc>} {
    %get3A = arith.constant 0 : index
    %get3A_0 = arith.constant 0 : index
    %get3A_1 = vector.load %arg2[%get3A, %get3A_0] : memref<1x10000xf32, #tpu.memory_space<vmem>>, vector<1x10000xf32>
    %broadcast_in_dim3A = arith.constant 1.000000e+00 : f32
    %broadcast_in_dim3A_2 = vector.broadcast %broadcast_in_dim3A : f32 to vector<1x128xf32>
    %dot_general3A = arith.constant dense<0.000000e+00> : vector<10000x128xf32>
    %dot_general3A_3 = tpu.matmul %get3A_1, %broadcast_in_dim3A_2, %dot_general3A {dimension_numbers = #tpu.dot_dimension_numbers<[0], [0], [1], [1], [0, 1, 1, 1], [], []>, transpose_lhs_hint = false} : vector<1x10000xf32>, vector<1x128xf32>, vector<10000x128xf32> -> vector<10000x128xf32>
    %get3A_4 = arith.constant 0 : index
    %get3A_5 = arith.constant 0 : index
    %get3A_6 = arith.constant 0 : index
    %get3A_7 = vector.load %arg0[%get3A_4, %get3A_5, %get3A_6] : memref<2x10112x128xf32, #tpu.memory_space<vmem>>, vector<1x10000x128xf32>
    %get3A_8 = vector.shape_cast %get3A_7 : vector<1x10000x128xf32> to vector<10000x128xf32>
    %get3A_9 = arith.constant 1 : index
    %get3A_10 = arith.constant 0 : index
    %get3A_11 = arith.constant 0 : index
    %get3A_12 = vector.load %arg0[%get3A_9, %get3A_10, %get3A_11] : memref<2x10112x128xf32, #tpu.memory_space<vmem>>, vector<1x10000x128xf32>
    %get3A_13 = vector.shape_cast %get3A_12 : vector<1x10000x128xf32> to vector<10000x128xf32>
    %add3A = arith.addf %get3A_8, %get3A_13 : vector<10000x128xf32>
    %get3A_14 = arith.constant 0 : index
    %get3A_15 = arith.constant 0 : index
    %get3A_16 = vector.load %arg1[%get3A_14, %get3A_15] : memref<10000x128xf32, #tpu.memory_space<vmem>>, vector<10000x128xf32>
    %add3A_17 = arith.addf %add3A, %get3A_16 : vector<10000x128xf32>
    %mul3A = arith.mulf %dot_general3A_3, %add3A_17 : vector<10000x128xf32>
    %get3A_18 = arith.constant 0 : index
    %get3A_19 = arith.constant 0 : index
    %get3A_20 = vector.load %arg3[%get3A_18, %get3A_19] : memref<1x128xf32, #tpu.memory_space<vmem>>, vector<1x128xf32>
    %add3A_21 = vector.broadcast %get3A_20 : vector<1x128xf32> to vector<10000x128xf32>
    %add3A_22 = arith.addf %mul3A, %add3A_21 : vector<10000x128xf32>
    %reduce_sum3A = arith.constant dense<0.000000e+00> : vector<128xf32>
    %reduce_sum3A_23 = vector.multi_reduction <add>, %add3A_22, %reduce_sum3A [0] : vector<10000x128xf32> to vector<128xf32>
    %broadcast_in_dim3A_24 = vector.shape_cast %reduce_sum3A_23 : vector<128xf32> to vector<1x128xf32>
    %div3A = arith.constant 1.000000e+04 : f32
    %div3A_25 = vector.broadcast %div3A : f32 to vector<1x128xf32>
    %div3A_26 = arith.divf %broadcast_in_dim3A_24, %div3A_25 : vector<1x128xf32>
    %sub3A = vector.broadcast %div3A_26 : vector<1x128xf32> to vector<10000x128xf32>
    %sub3A_27 = arith.subf %add3A_22, %sub3A : vector<10000x128xf32>
    %mul3A_28 = arith.mulf %sub3A_27, %sub3A_27 : vector<10000x128xf32>
    %reduce_sum3A_29 = arith.constant dense<0.000000e+00> : vector<128xf32>
    %reduce_sum3A_30 = vector.multi_reduction <add>, %mul3A_28, %reduce_sum3A_29 [0] : vector<10000x128xf32> to vector<128xf32>
    %broadcast_in_dim3A_31 = vector.shape_cast %reduce_sum3A_30 : vector<128xf32> to vector<1x128xf32>
    %div3A_32 = arith.constant 1.000000e+04 : f32
    %div3A_33 = vector.broadcast %div3A_32 : f32 to vector<1x128xf32>
    %div3A_34 = arith.divf %broadcast_in_dim3A_31, %div3A_33 : vector<1x128xf32>
    %add3A_35 = arith.constant 9.99999974E-6 : f32
    %add3A_36 = vector.broadcast %add3A_35 : f32 to vector<1x128xf32>
    %add3A_37 = arith.addf %div3A_34, %add3A_36 : vector<1x128xf32>
    %sqrt3A = math.sqrt %add3A_37 : vector<1x128xf32>
    %div3A_38 = vector.broadcast %sqrt3A : vector<1x128xf32> to vector<10000x128xf32>
    %div3A_39 = arith.divf %sub3A_27, %div3A_38 : vector<10000x128xf32>
    %get3A_40 = arith.constant 0 : index
    %get3A_41 = arith.constant 0 : index
    %get3A_42 = vector.load %arg4[%get3A_40, %get3A_41] : memref<1x128xf32, #tpu.memory_space<vmem>>, vector<1x128xf32>
    %mul3A_43 = vector.broadcast %get3A_42 : vector<1x128xf32> to vector<10000x128xf32>
    %mul3A_44 = arith.mulf %div3A_39, %mul3A_43 : vector<10000x128xf32>
    %get3A_45 = arith.constant 0 : index
    %get3A_46 = arith.constant 0 : index
    %get3A_47 = vector.load %arg5[%get3A_45, %get3A_46] : memref<1x128xf32, #tpu.memory_space<vmem>>, vector<1x128xf32>
    %add3A_48 = vector.broadcast %get3A_47 : vector<1x128xf32> to vector<10000x128xf32>
    %add3A_49 = arith.addf %mul3A_44, %add3A_48 : vector<10000x128xf32>
    %max3A = arith.constant 0.000000e+00 : f32
    %max3A_50 = vector.broadcast %max3A : f32 to vector<10000x128xf32>
    %max3A_51 = arith.maximumf %add3A_49, %max3A_50 : vector<10000x128xf32>
    %iota3A = tpu.iota {dimensions = array<i32: 0>} : vector<64x1xi32>
    %get3A_52 = arith.constant 0 : index
    %get3A_53 = arith.constant 0 : index
    %get3A_54 = vector.load %arg6[%get3A_52, %get3A_53] : memref<1x10000xi32, #tpu.memory_space<vmem>>, vector<1x10000xi32>
    %eq3A = vector.broadcast %get3A_54 : vector<1x10000xi32> to vector<64x10000xi32>
    %eq3A_55 = vector.broadcast %iota3A : vector<64x1xi32> to vector<64x10000xi32>
    %eq3A_56 = arith.cmpi eq, %eq3A, %eq3A_55 : vector<64x10000xi32>
    %convert_element_type3A = arith.extui %eq3A_56 : vector<64x10000xi1> to vector<64x10000xi32>
    %convert_element_type3A_57 = arith.sitofp %convert_element_type3A : vector<64x10000xi32> to vector<64x10000xf32>
    %dot_general3A_58 = arith.constant dense<0.000000e+00> : vector<64x128xf32>
    %dot_general3A_59 = tpu.matmul %convert_element_type3A_57, %max3A_51, %dot_general3A_58 {dimension_numbers = #tpu.dot_dimension_numbers<[1], [0], [0], [1], [0, 0, 1, 1], [], []>, transpose_lhs_hint = false} : vector<64x10000xf32>, vector<10000x128xf32>, vector<64x128xf32> -> vector<64x128xf32>
    %reduce_sum3A_60 = arith.constant dense<0.000000e+00> : vector<64xf32>
    %reduce_sum3A_61 = vector.multi_reduction <add>, %convert_element_type3A_57, %reduce_sum3A_60 [1] : vector<64x10000xf32> to vector<64xf32>
    %broadcast_in_dim3A_62 = vector.shape_cast %reduce_sum3A_61 : vector<64xf32> to vector<64x1xf32>
    %max3A_63 = arith.constant 1.000000e+00 : f32
    %max3A_64 = vector.broadcast %max3A_63 : f32 to vector<64x1xf32>
    %max3A_65 = arith.maximumf %broadcast_in_dim3A_62, %max3A_64 : vector<64x1xf32>
    %div3A_66 = vector.broadcast %max3A_65 : vector<64x1xf32> to vector<64x128xf32>
    %div3A_67 = arith.divf %dot_general3A_59, %div3A_66 : vector<64x128xf32>
    %get3A_68 = arith.constant 0 : index
    %get3A_69 = arith.constant 0 : index
    %get3A_70 = vector.load %arg7[%get3A_68, %get3A_69] : memref<128x2xf32, #tpu.memory_space<vmem>>, vector<128x2xf32>
    %dot_general3A_71 = arith.constant dense<0.000000e+00> : vector<64x2xf32>
    %dot_general3A_72 = tpu.matmul %div3A_67, %get3A_70, %dot_general3A_71 {dimension_numbers = #tpu.dot_dimension_numbers<[1], [0], [0], [1], [0, 0, 1, 1], [], []>, transpose_lhs_hint = false} : vector<64x128xf32>, vector<128x2xf32>, vector<64x2xf32> -> vector<64x2xf32>
    %get3A_73 = arith.constant 0 : index
    %get3A_74 = arith.constant 0 : index
    %get3A_75 = vector.load %arg8[%get3A_73, %get3A_74] : memref<1x2xf32, #tpu.memory_space<vmem>>, vector<1x2xf32>
    %add3A_76 = vector.broadcast %get3A_75 : vector<1x2xf32> to vector<64x2xf32>
    %add3A_77 = arith.addf %dot_general3A_72, %add3A_76 : vector<64x2xf32>
    %reduce_max3A = arith.constant dense<0xFF800000> : vector<64xf32>
    %reduce_max3A_78 = vector.multi_reduction <maximumf>, %add3A_77, %reduce_max3A [1] : vector<64x2xf32> to vector<64xf32>
    %broadcast_in_dim3A_79 = vector.shape_cast %reduce_max3A_78 : vector<64xf32> to vector<64x1xf32>
    %sub3A_80 = vector.broadcast %broadcast_in_dim3A_79 : vector<64x1xf32> to vector<64x2xf32>
    %sub3A_81 = arith.subf %add3A_77, %sub3A_80 : vector<64x2xf32>
    %exp3A = math.exp %sub3A_81 : vector<64x2xf32>
    %reduce_sum3A_82 = arith.constant dense<0.000000e+00> : vector<64xf32>
    %reduce_sum3A_83 = vector.multi_reduction <add>, %exp3A, %reduce_sum3A_82 [1] : vector<64x2xf32> to vector<64xf32>
    %broadcast_in_dim3A_84 = vector.shape_cast %reduce_sum3A_83 : vector<64xf32> to vector<64x1xf32>
    %log3A = math.log %broadcast_in_dim3A_84 : vector<64x1xf32>
    %add3A_85 = arith.addf %broadcast_in_dim3A_79, %log3A : vector<64x1xf32>
    %sub3A_86 = vector.broadcast %add3A_85 : vector<64x1xf32> to vector<64x2xf32>
    %sub3A_87 = arith.subf %add3A_77, %sub3A_86 : vector<64x2xf32>
    %swap3A = arith.constant 0 : index
    %swap3A_88 = arith.constant 0 : index
    %swap3A_89 = vector.load %arg9[%swap3A, %swap3A_88] : memref<64x2xf32, #tpu.memory_space<vmem>>, vector<64x2xf32>
    tpu.vector_store %arg9[%swap3A, %swap3A_88], %sub3A_87 {strides = array<i32>} : memref<64x2xf32, #tpu.memory_space<vmem>>, vector<64x2xf32>,
    return
  }
}

</mosaic_0001>

<sc_bundles>
// kernel: kernel.11.cloned.1.call-start
scs
__scs_entry_jumppad:
0x0: {  	(pc) =	sbr.rel $0x88, $3  }
0x1: {  	(tag) =	ssettag $0x0;
	lr =	simm.s32 $0x1  }
0x2: {  	[smem:$0x3F91] =	sst lr;
	_ =	strace $0xD0000000  }
0x3: {  	_ = 	snop  }
0x4: {  	_ = 	snop  }
0x5: {  	_ = 	snop  }
0x6: {  	_ = 	snop  }
0x7: {  	_ = 	snop  }
__scs_overlays_trampoline_lowered:
0x8: {  	[smem:$0x3FA0] =	sst s0  }
0x9: {  	[smem:$0x3FA1] =	sst s1  }
0xa: {  	[smem:$0x3FA2] =	sst s2  }
0xb: {  	[smem:$0x3FA3] =	sst s3  }
0xc: {  	[smem:$0x3FA4] =	sst s4  }
0xd: {  	[smem:$0x3FA5] =	sst s5  }
0xe: {  	[smem:$0x3FA6] =	sst s6  }
0xf: {  	[smem:$0x3FA7] =	sst s7  }
0x10: {  	[smem:$0x3FA8] =	sst s8  }
0x11: {  	[smem:$0x3FA9] =	sst s9;
	s0 =	simm.s32 @!p0 $0x0  }
0x12: {  	s1 =	sld [smem:$0x3F8F];
	s0 =	simm.s32 @p0 $0x1  }
0x13: {  	[smem:$0x3FAA] =	sst s0;
	s0 =	simm.s32 @!p1 $0x0  }
0x14: {  	s2 =	sld [smem:$0x3F8E];
	s0 =	simm.s32 @p1 $0x1  }
0x15: {  	[smem:$0x3FAB] =	sst s0;
	s0 =	simm.s32 @!p2 $0x0  }
0x16: {  	s3 =	sld [smem:$0x3FDB];
	s0 =	simm.s32 @p2 $0x1  }
0x17: {  	s4 =	simm.s32 $0x1BF5;
	[smem:$0x3FAD] =	sst s0  }
0x18: {  	s0 =	sld [smem:$0x3F90];
	_ =	swait.ge [sflag:s4], $0x0  }
0x19: {  	s7 =	sld [smem:$0x3F91]  }
0x1a: {  	s8 =	sadd.s32 $0xFFFFE003, lr  }
0x1b: {  	s9 =	sadd.s32 $0xFFFFFEF7, lr;
	s5 =	simm.s32 $0xFFFFFFFF;
	p2 =	slt.u32 s8, $0xFFFFF086  }
0x1c: {  	p1 =	slt.u32 s9, $0xF7A;
	s5 =	simm.s32 @!p2 $0x0  }
0x1d: {  	s5 =	simm.s32 @p1 $0x1;
	p0 =	seq.s32 s7, s2  }
0x1e: {  	s7 =	smul.u32 @!p0 $0xF7A, s2;
	p2 =	seq.s32 @!p0 s5, $0x0  }
0x1f: {  	s9 =	smul.u32 $0xF7A, s1;
	s8 =	simm.s32 @!p0 $0x1BF5;
	p2 =	por !p2, p0  }
0x20: {  	[sflag:s8] =	ssyncset.s32 @!p0 $0xFFFFF086;
	s6 =	sadd.s32 @!p0 s3, s7;
	s7 =	simm.s32 @!p0 $0x108  }
0x21: {  	s3 =	sadd.s32 s3, s9;
	s6 =	sadd.s32 @!p0 $0x88, s6;
	s7 =	simm.s32 @p2 $0x1082  }
0x22: {  	[simem:s7], [sflag:s8] =	dma.local @!p0 [hbm:s6], $0xF7A  }
0x23: {  	s9 =	sor.u32 $0xD0000000, s2;
	s6 =	simm.s32 $0x108;
	_ =	swait.ge @!p0 [sflag:s8], $0x0  }
0x24: {  	s3 =	sadd.s32 $0x88, s3;
	s6 =	simm.s32 @!p1 $0x1082;
	[sflag:s4] =	ssyncset.s32 $0xFFFFF086  }
0x25: {  	[simem:s6], [sflag:s4] =	dma.local [hbm:s3], $0xF7A  }
0x26: {  	[smem:$0x3F91] =	sst s1;
	(tag) =	ssettag s2;
	_ =	strace s9  }
0x27: {  	s1 =	sld [smem:$0x3FA1]  }
0x28: {  	s2 =	sld [smem:$0x3FA2]  }
0x29: {  	s4 =	sld [smem:$0x3FA4]  }
0x2a: {  	p0 =	seq.s32 s5, $0x0;
	s5 =	sld [smem:$0x3FA5]  }
0x2b: {  	s6 =	sld [smem:$0x3FA6]  }
0x2c: {  	s7 =	sld [smem:$0x3FA7]  }
0x2d: {  	s3 =	simm.s32 $0x108;
	s8 =	sld [smem:$0x3FA8]  }
0x2e: {  	s3 =	simm.s32 @!p0 $0x1082;
	s9 =	sld [smem:$0x3FA9]  }
0x2f: {  	lr =	sadd.s32 s0, s3;
	s0 =	sld [smem:$0x3FA0]  }
0x30: {  	s3 =	sld [smem:$0x3FA3]  }
0x31: {  	[smem:$0x3FAC] =	sst s10  }
0x32: {  	s10 =	sld [smem:$0x3FAA];
	_ =	sdelay $0x3  }
0x33: {  	p0 =	seq.s32 s10, $0x1;
	s10 =	sld [smem:$0x3FAC];
	_ =	sdelay $0x3  }
0x34: {  	[smem:$0x3FAC] =	sst s10  }
0x35: {  	s10 =	sld [smem:$0x3FAB];
	_ =	sdelay $0x3  }
0x36: {  	p1 =	seq.s32 s10, $0x1;
	s10 =	sld [smem:$0x3FAC];
	_ =	sdelay $0x3  }
0x37: {  	[smem:$0x3FAC] =	sst s10  }
0x38: {  	s10 =	sld [smem:$0x3FAD]  }
0x39: {  	_ = 	snop;
	(pc) =	sbr.ind lr, $3  }
0x3a: {  	_ = 	snop  }
0x3b: {  	_ = 	snop  }
0x3c: {  	p2 =	seq.s32 s10, $0x1;
	s10 =	sld [smem:$0x3FAC]  }
0x3d: {  	_ =	shalt  }
0x3e: {  	_ =	shalt  }
0x3f: {  	_ =	shalt  }
0x40: {  	_ =	shalt  }
0x41: {  	_ =	shalt  }
0x42: {  	_ =	shalt  }
0x43: {  	_ =	shalt  }
0x44: {  	_ =	shalt  }
0x45: {  	_ =	shalt  }
0x46: {  	_ =	shalt  }
0x47: {  	_ =	shalt  }
0x48: {  	_ =	shalt  }
0x49: {  	_ =	shalt  }
0x4a: {  	_ =	shalt  }
0x4b: {  	_ =	shalt  }
0x4c: {  	_ =	shalt  }
0x4d: {  	_ =	shalt  }
0x4e: {  	_ =	shalt  }
0x4f: {  	_ =	shalt  }
0x50: {  	_ =	shalt  }
0x51: {  	_ =	shalt  }
0x52: {  	_ =	shalt  }
0x53: {  	_ =	shalt  }
0x54: {  	_ =	shalt  }
0x55: {  	_ =	shalt  }
0x56: {  	_ =	shalt  }
0x57: {  	_ =	shalt  }
0x58: {  	_ =	shalt  }
0x59: {  	_ =	shalt  }
0x5a: {  	_ =	shalt  }
0x5b: {  	_ =	shalt  }
0x5c: {  	_ =	shalt  }
0x5d: {  	_ =	shalt  }
0x5e: {  	_ =	shalt  }
0x5f: {  	_ =	shalt  }
0x60: {  	_ =	shalt  }
0x61: {  	_ =	shalt  }
0x62: {  	_ =	shalt  }
0x63: {  	_ =	shalt  }
0x64: {  	_ =	shalt  }
0x65: {  	_ =	shalt  }
0x66: {  	_ =	shalt  }
0x67: {  	_ =	shalt  }
0x68: {  	_ =	shalt  }
0x69: {  	_ =	shalt  }
0x6a: {  	_ =	shalt  }
0x6b: {  	_ =	shalt  }
0x6c: {  	_ =	shalt  }
0x6d: {  	_ =	shalt  }
0x6e: {  	_ =	shalt  }
0x6f: {  	_ =	shalt  }
0x70: {  	_ =	shalt  }
0x71: {  	_ =	shalt  }
0x72: {  	_ =	shalt  }
0x73: {  	_ =	shalt  }
0x74: {  	_ =	shalt  }
0x75: {  	_ =	shalt  }
0x76: {  	_ =	shalt  }
0x77: {  	_ =	shalt  }
0x78: {  	_ =	shalt  }
0x79: {  	_ =	shalt  }
0x7a: {  	_ =	shalt  }
0x7b: {  	_ =	shalt  }
0x7c: {  	_ =	shalt  }
0x7d: {  	_ =	shalt  }
0x7e: {  	_ =	shalt  }
0x7f: {  	_ =	shalt  }
0x80: {  	_ =	shalt  }
0x81: {  	_ =	shalt  }
0x82: {  	_ =	shalt  }
0x83: {  	_ =	shalt  }
0x84: {  	_ =	shalt  }
0x85: {  	_ =	shalt  }
0x86: {  	_ =	shalt  }
0x87: {  	_ =	shalt  }
.Lfunc_end0:
.L_simem_size_0:
called_computation.1_lowered:
.L_overlay_start_0:
0x88: {  	s2 =	sld [smem:$0x3FD9]  }
0x89: {  	s3 =	sld [smem:$0x3FFE];
	_ =	sdelay $0x1  }
0x8a: {  	s1 =	srdreg.scid  }
0x8b: {  	s0 =	sand.u32 $0x1, s1  }
0x8c: {  	s16 =	sshll.u32 s0, $0xA;
	s2 =	sadd.s32 s3, s2  }
0x8d: {  	s2 =	sadd.s32 s2, s16  }
0x8e: {  	[smem:$0x3FB8] =	sst s2  }
0x8f: {  	_ = 	snop  }
0x90: {  	(tm) =	ssettm $0x1  }
0x91: {  	s17 =	sld [smem:$0x3FFB];
	_ =	sdelay $0x3  }
0x92: {  	_ =	strace s17  }
0x93: {  	s2 =	sld [smem:$0x3FFC];
	_ =	sdelay $0x3  }
0x94: {  	_ =	strace s2  }
0x95: {  	s2 =	sld [smem:$0x3FFD];
	_ =	sdelay $0x3  }
0x96: {  	_ =	strace s2  }
0x97: {  	_ =	strace $0x8FFFFFFF  }
0x98: {  	s18 =	sld [smem:$0x3FDB];
	_ =	sdelay $0x1  }
0x99: {  	s19 =	simm.s32 $_scs_section_size  }
0x9a: {  	s4 =	simm.s32 $_size__tile_overlayer_lowered;
	s5 =	simm.s32 $_tile_overlayer_lowered  }
0x9b: {  	s22 =	simm.s32 $0x1BFF;
	s21 =	sshll.u32 s5, $0x1;
	s2 =	sadd.s32 s19, s18  }
0x9c: {  	s6 =	simm.s32 $0x0;
	s20 =	sshll.u32 s4, $0x1;
	s4 =	sadd.s32 s21, s2  }
0x9d: {  	[timem:s6], [sflag:s22] =	dma.local [hbm:s4], s20  }
0x9e: {  	_ =	swait.ge [sflag:s22], s20  }
0x9f: {  	s3 =	ssub.s32 $0x0, s20;
	[sflag:s22] =	ssyncset.done $0x0  }
0xa0: {  	[sflag:s22] =	ssyncadd.s32 s3;
	_ =	sdelay $0x1  }
0xa1: {  	s23 =	simm.s32 $0x1B8B  }
0xa2: {  	_ =	swait.ge [sflag:s23], $0x1  }
0xa3: {  	[sflag:s23] =	ssyncset.done $0x0  }
0xa4: {  	s25 =	simm.s32 $0x1B8E;
	s24 =	sld [smem:$0x3FFE];
	[sflag:s23] =	ssyncadd.s32 $0xFFFFFFFF  }
0xa5: {  	s26 =	simm.s32 $execute0_lowered;
	[smem:$0x3FD2] =	sst s25  }
0xa6: {  	s4 =	sshll.u32 s26, $0x1;
	_ =	strace $0x80000049;
	[dreg:$0x1] =	wrdreg $0xFFFFFFFF  }
0xa7: {  	s28 =	simm.s32 $_size_execute0_lowered;
	s2 =	sadd.s32 s2, s4;
	[dreg:$0x0] =	wrdreg $0x0  }
0xa8: {  	s4 =	sshll.u32 s28, $0x1;
	[dreg:$0x2] =	wrdreg s2  }
0xa9: {  	[dreg:$0x3] =	wrdreg s4  }
0xaa: {  	[dreg:$0x4] =	wrdreg $0xC0  }
0xab: {  	_ =	task [dreg:s6], $0x5FFFF  }
0xac: {  	[dreg:$0x1] =	wrdreg $0xFFFFFFFF  }
0xad: {  	[dreg:$0x0] =	wrdreg $0x60  }
0xae: {  	[dreg:$0x2] =	wrdreg s24  }
0xaf: {  	[dreg:$0x3] =	wrdreg $0x84000  }
0xb0: {  	[dreg:$0x4] =	wrdreg $0x9  }
0xb1: {  	_ =	task.clear_ibuf [dreg:s6], $0x5FFFF;
	_ =	strace $0x90000049  }
0xb2: {  	s29 =	simm.s32 $0x9;
	_ =	strace $0x8000004B  }
0xb3: {  	_ =	swait.ge [sflag:s29], $0x1  }
0xb4: {  	[sflag:s29] =	ssyncadd.s32 $0xFFFFFFFF  }
0xb5: {  	_ =	strace $0x9000004B  }
0xb6: {  	_ =	sfence  }
0xb7: {  	s30 =	sld [smem:$0x0];
	_ =	sdelay $0x2  }
0xb8: {  	s31 =	sshll.u32 s1, $0xD;
	s1 =	sshrl.u32 s1, $0x2  }
0xb9: {  	s3 =	sand.u32 $0x4000, s31;
	s1 =	sadd.s32 s1, s30  }
0xba: {  	s0 =	sor.u32 s3, s0;
	s1 =	sshll.u32 s1, $0x11  }
0xbb: {  	s0 =	sor.u32 s1, s0  }
0xbc: {  	s0 =	sadd.s32 $0x8F2B, s0  }
0xbd: {  	[sflag:s0] =	ssyncadd.remote.s32 $0x1  }
0xbe: {  	_ =	sfence.sel $0xFFFF  }
0xbf: {  	[dreg:$0x0] =	wrdreg $0xFFFFFFFF;
	(pc) =	sbr.abs _section_cstart, $3  }
0xc0: {  	[dreg:$0x1] =	wrdreg $0xFFFFFFFF  }
0xc1: {  	_ =	task.clear_ibuf [dreg:s6], $0x2FFFF;
	_ =	strace $0x9FFFFFFF  }
0xc2: {  	(tm) =	ssettm $0x7FFFFFFF  }
0xc3: {  	_ =	shalt  }
tec
execute0_lowered:
.L_overlay_start_1:
0x0: {  	(tag) =	ssettag $0x1  }
0x1: {  	s0 =	rddreg [dreg:$0x0];
	s1 =	srdreg.scid  }
0x2: {  	s2 =	rddreg [dreg:$0x1];
	s10 =	stileid.u32;
	s3 =	simm.s32 $0x0  }
0x3: {  	s28 =	simm.s32 $0x7;
	s29 =	simm.s32 $0x2;
	s30 =	simm.s32 $0x5  }
0x4: {  	s31 =	simm.s32 $0x3;
	s1 =	sand.u32 $0x1, s1;
	s5 =	smul.u32 $0x13C00, s10  }
0x5: {  	[smem:$0x7FF] =	sst s3;
	s7 =	sadd.s32 $0xE600, s0;
	s9 =	smul.u32 $0x4F000, s10  }
0x6: {  	s4 =	smul.u32 $0x13C000, s1;
	s6 =	sshll.u32 s1, $0x4;
	_ =	strace $0x8000004A  }
0x7: {  	s15 =	ssub.s32 $0x2, s1;
	s1 =	smul.u32 $0x50000, s1;
	s6 =	sor.u32 s10, s6  }
0x8: {  	s8 =	sshrl.u32 s15, $0x1;
	s16 =	sshrl.u32 s9, $0x2;
	s10 =	smul.u32 $0x5000, s10  }
0x9: {  	s5 =	sadd.s32 s5, s4;
	s4 =	sadd.s32 $0x22600, s0;
	s6 =	smul.u32 $0x5000, s6  }
0xa: {  	s8 =	ssub.s32 s15, s8;
	s9 =	sadd.s32 s16, s2;
	s5 =	sshrl.u32 s5, $0x3  }
0xb: {  	s19 =	sadd.s32 $0x8000, s9;
	s1 =	sadd.s32 s10, s1;
	s20 =	sadd.s32 $0xC000, s9  }
0xc: {  	s21 =	sadd.s32 $0x10000, s9;
	s15 =	smax.u32 s8, $0x1;
	[dreg:$0x7] =	wrdreg s19  }
0xd: {  	s8 =	simm.s32 $0x380;
	s10 =	simm.s32 $0x0;
	[dreg:$0x8] =	wrdreg s20  }
0xe: {  	s0 =	sadd.s32 s5, s0;
	s6 =	sshrl.u32 s6, $0x3;
	[dreg:$0x9] =	wrdreg s21  }
0xf: {  	s22 =	sor.u32 $0x700, s1;
	s24 =	sor.u32 $0x600, s1;
	s25 =	sor.u32 $0x500, s1  }
0x10: {  	s1 =	sor.u32 $0x400, s1;
	s20 =	simm.s32 $0x100;
	s21 =	simm.s32 $0x200  }
0x11: {  	s5 =	sadd.s32 s7, s6;
	s14 =	sadd.s32 $0x49800, s0;
	s23 =	sshrl.u32 s22, $0x3  }
0x12: {  	s0 =	sshrl.u32 s24, $0x3;
	s26 =	sshrl.u32 s1, $0x3;
	s22 =	simm.s32 $0x300  }
0x13: {  	s24 =	simm.s32 $0x80;
	s1 =	simm.s32 $0x180;
	s6 =	sadd.s32 $0x20, s5  }
0x14: {  	s17 =	sadd.s32 $0x40, s5;
	s18 =	sadd.s32 $0x60, s5;
	[dreg:$0x3] =	wrdreg s6  }
0x15: {  	s16 =	sadd.s32 s23, s7;
	s19 =	sadd.s32 s26, s7;
	[dreg:$0x4] =	wrdreg s17  }
0x16: {  	s23 =	simm.s32 $0x1;
	s26 =	simm.s32 $0x4400;
	[dreg:$0x5] =	wrdreg s18  }
0x17: {  	s6 =	sadd.s32 $0x4000, s9;
	s17 =	sadd.s32 s0, s7;
	s0 =	simm.s32 $0x6  }
0x18: {  	[dreg:$0x6] =	wrdreg s6;
	s6 =	sshrl.u32 s25, $0x3;
	s25 =	simm.s32 $0x400  }
0x19: {  	v0 =	vimm.f32 $0.0e+00;
	s18 =	sadd.s32 s6, s7;
	s6 =	simm.s32 $0x4;
	s7 =	simm.s32 $0x280  }
.LBB2_1:
0x1a: {  	[tilespmem:s3], [sflag:$0x1] =	stream.linear.gather [hbm4b:s5+s3], $0x100, $0x38;
	[tilespmem:$0x1C000] =	vst v63  }
0x1b: {  	s11 =	rddreg [dreg:$0x3]  }
0x1c: {  	[tilespmem:s20], [sflag:$0x2] =	stream.linear.gather [hbm4b:s11+s3], $0x100, $0x38;
	[tilespmem:$0x1C000] =	vst v63  }
0x1d: {  	s12 =	rddreg [dreg:$0x4]  }
0x1e: {  	[tilespmem:s21], [sflag:$0x3] =	stream.linear.gather [hbm4b:s12+s3], $0x100, $0x38;
	[tilespmem:$0x1C000] =	vst v63  }
0x1f: {  	s13 =	rddreg [dreg:$0x5];
	s11 =	simm.s32 $0x0;
	s12 =	simm.s32 $0x200  }
0x20: {  	[tilespmem:s22], [sflag:$0x4] =	stream.linear.gather [hbm4b:s13+s3], $0x100, $0x38;
	[tilespmem:$0x1C000] =	vst v63  }
.LBB2_2:
0x21: {  	p0 =	sne.s32 s12, $0xFE00;
	[tilespmem:s11+$0x4470] =	vst v0  }
0x22: {  	[tilespmem:s11+$0x4400] =	vst v0  }
0x23: {  	[tilespmem:s11+$0x4410] =	vst v0  }
.Ltmp0:
0x24: {  	[tilespmem:s11+$0x4420] =	vst v0;
	(pc) =	sbr.rel @p0 .LBB2_2-.Ltmp0, $4  }
0x25: {  	[tilespmem:s11+$0x4430] =	vst v0  }
0x26: {  	[tilespmem:s11+$0x4440] =	vst v0  }
0x27: {  	[tilespmem:s11+$0x4450] =	vst v0  }
0x28: {  	[tilespmem:s11+$0x4460] =	vst v0;
	s11 =	sshra.s32 s12, $0x2;
	s12 =	sadd.s32 $0x200, s12  }
0x29: {  	[tilespmem:s11+$0x4470] =	vst v0  }
0x2a: {  	[tilespmem:s11+$0x4400] =	vst v0  }
0x2b: {  	[tilespmem:s11+$0x4410] =	vst v0  }
0x2c: {  	[tilespmem:s11+$0x4420] =	vst v0  }
0x2d: {  	[tilespmem:s11+$0x4430] =	vst v0  }
0x2e: {  	[tilespmem:s11+$0x4440] =	vst v0  }
0x2f: {  	[tilespmem:s11+$0x4450] =	vst v0  }
0x30: {  	[tilespmem:s11+$0x4460] =	vst v0  }
0x31: {  	_ =	swait.ge [sflag:s23], $0x100  }
0x32: {  	[sflag:s23] =	ssyncset.done $0x0  }
0x33: {  	s12 =	simm.s32 $0x0;
	[sflag:s23] =	ssyncadd.s32 $0xFFFFFF00  }
0x34: {  	[tilespmem:s25], [sflag:$0x5] =	stream.indirect.gather [hbm4b:s4+s24], $0x80, s12, s24, $0xb8;
	[tilespmem:$0x1C000] =	vst v63  }
0x35: {  	_ = 	snop  }
0x36: {  	[spmem:s9] =	stream.linear.scatter [tilespmem:s26], [sflag:$0x7], $0x4000, $0x38;
	[tilespmem:$0x1C000] =	vst v63  }
0x37: {  	_ =	swait.ge [sflag:s28], $0x4000  }
0x38: {  	[sflag:s28] =	ssyncset.done $0x0  }
0x39: {  	s13 =	rddreg [dreg:$0x6];
	[sflag:s28] =	ssyncadd.s32 $0xFFFFC000  }
0x3a: {  	[spmem:s13] =	stream.linear.scatter [tilespmem:s26], [sflag:$0x7], $0x4000, $0x38;
	[tilespmem:$0x1C000] =	vst v63  }
0x3b: {  	_ =	swait.ge [sflag:s28], $0x4000  }
0x3c: {  	[sflag:s28] =	ssyncset.done $0x0  }
0x3d: {  	s12 =	rddreg [dreg:$0x7];
	[sflag:s28] =	ssyncadd.s32 $0xFFFFC000  }
0x3e: {  	[spmem:s12] =	stream.linear.scatter [tilespmem:s26], [sflag:$0x7], $0x4000, $0x38;
	[tilespmem:$0x1C000] =	vst v63  }
0x3f: {  	_ =	swait.ge [sflag:s28], $0x4000  }
0x40: {  	[sflag:s28] =	ssyncset.done $0x0  }
0x41: {  	s13 =	rddreg [dreg:$0x8];
	[sflag:s28] =	ssyncadd.s32 $0xFFFFC000  }
0x42: {  	[spmem:s13] =	stream.linear.scatter [tilespmem:s26], [sflag:$0x7], $0x4000, $0x38;
	[tilespmem:$0x1C000] =	vst v63  }
0x43: {  	_ =	swait.ge [sflag:s28], $0x4000  }
0x44: {  	[sflag:s28] =	ssyncset.done $0x0  }
0x45: {  	s12 =	rddreg [dreg:$0x9];
	[sflag:s28] =	ssyncadd.s32 $0xFFFFC000  }
0x46: {  	[spmem:s12] =	stream.linear.scatter [tilespmem:s26], [sflag:$0x7], $0x3C00, $0x38;
	[tilespmem:$0x1C000] =	vst v63  }
0x47: {  	_ =	swait.ge [sflag:s28], $0x3C00  }
0x48: {  	[sflag:s28] =	ssyncset.done $0x0  }
0x49: {  	[sflag:s28] =	ssyncadd.s32 $0xFFFFC400  }
0x4a: {  	[bflag:$0x0] =	sbarrier.arrive $0xFFFF  }
0x4b: {  	_ =	swait.ge [sflag:s29], $0x100  }
0x4c: {  	[sflag:s29] =	ssyncset.done $0x0  }
0x4d: {  	[sflag:s29] =	ssyncadd.s32 $0xFFFFFF00  }
0x4e: {  	[tilespmem:s26], [sflag:$0x6] =	stream.indirect.gather [hbm4b:s4+s24], $0x80, s20, s24, $0xb8;
	[tilespmem:$0x1C000] =	vst v63  }
0x4f: {  	_ =	swait.ge [sflag:s30], $0x4000  }
0x50: {  	[sflag:s30] =	ssyncset.done $0x0  }
0x51: {  	[sflag:s30] =	ssyncadd.s32 $0xFFFFC000  }
0x52: {  	[spmem:s2] =	stream.indirect.scatter.add.f32 [tilespmem:s25], [sflag:$0x7], $0x80, s24, s24, $0xb8;
	[tilespmem:$0x1C000] =	vst v63  }
0x53: {  	_ =	swait.ge [sflag:s28], $0x4000  }
0x54: {  	[sflag:s28] =	ssyncset.done $0x0  }
0x55: {  	s13 =	sadd.s32 $0x0, s19;
	[sflag:s28] =	ssyncadd.s32 $0xFFFFC000  }
0x56: {  	[tilespmem:s3], [sflag:$0x1] =	stream.linear.gather [hbm4b:s13+s3], $0x100, $0x38;
	[tilespmem:$0x1C000] =	vst v63  }
0x57: {  	_ =	swait.ge [sflag:s31], $0x100  }
0x58: {  	[sflag:s31] =	ssyncset.done $0x0  }
0x59: {  	[sflag:s31] =	ssyncadd.s32 $0xFFFFFF00  }
0x5a: {  	[tilespmem:s25], [sflag:$0x5] =	stream.indirect.gather [hbm4b:s4+s24], $0x80, s21, s24, $0xb8;
	[tilespmem:$0x1C000] =	vst v63  }
0x5b: {  	_ =	swait.ge [sflag:s0], $0x4000  }
0x5c: {  	[sflag:s0] =	ssyncset.done $0x0  }
0x5d: {  	[sflag:s0] =	ssyncadd.s32 $0xFFFFC000  }
0x5e: {  	[spmem:s2] =	stream.indirect.scatter.add.f32 [tilespmem:s26], [sflag:$0x7], $0x80, s1, s24, $0xb8;
	[tilespmem:$0x1C000] =	vst v63  }
0x5f: {  	_ =	swait.ge [sflag:s28], $0x4000  }
0x60: {  	[sflag:s28] =	ssyncset.done $0x0  }
0x61: {  	s12 =	sadd.s32 $0x0, s18;
	[sflag:s28] =	ssyncadd.s32 $0xFFFFC000  }
0x62: {  	[tilespmem:s20], [sflag:$0x2] =	stream.linear.gather [hbm4b:s12+s3], $0x100, $0x38;
	[tilespmem:$0x1C000] =	vst v63  }
0x63: {  	_ =	swait.ge [sflag:s6], $0x100  }
0x64: {  	[sflag:s6] =	ssyncset.done $0x0  }
0x65: {  	[sflag:s6] =	ssyncadd.s32 $0xFFFFFF00  }
0x66: {  	[tilespmem:s26], [sflag:$0x6] =	stream.indirect.gather [hbm4b:s4+s24], $0x80, s22, s24, $0xb8;
	[tilespmem:$0x1C000] =	vst v63  }
0x67: {  	_ =	swait.ge [sflag:s30], $0x4000  }
0x68: {  	[sflag:s30] =	ssyncset.done $0x0  }
0x69: {  	[sflag:s30] =	ssyncadd.s32 $0xFFFFC000  }
0x6a: {  	[spmem:s2] =	stream.indirect.scatter.add.f32 [tilespmem:s25], [sflag:$0x7], $0x80, s7, s24, $0xb8;
	[tilespmem:$0x1C000] =	vst v63  }
0x6b: {  	_ =	swait.ge [sflag:s28], $0x4000  }
0x6c: {  	[sflag:s28] =	ssyncset.done $0x0  }
0x6d: {  	s13 =	sadd.s32 $0x0, s17;
	[sflag:s28] =	ssyncadd.s32 $0xFFFFC000  }
0x6e: {  	[tilespmem:s21], [sflag:$0x3] =	stream.linear.gather [hbm4b:s13+s3], $0x100, $0x38;
	[tilespmem:$0x1C000] =	vst v63  }
0x6f: {  	_ =	swait.ge [sflag:s23], $0x100  }
0x70: {  	[sflag:s23] =	ssyncset.done $0x0  }
0x71: {  	[sflag:s23] =	ssyncadd.s32 $0xFFFFFF00  }
0x72: {  	[tilespmem:s25], [sflag:$0x5] =	stream.indirect.gather [hbm4b:s4+s24], $0x80, s3, s24, $0xb8;
	[tilespmem:$0x1C000] =	vst v63  }
0x73: {  	_ =	swait.ge [sflag:s0], $0x4000  }
0x74: {  	[sflag:s0] =	ssyncset.done $0x0  }
0x75: {  	[sflag:s0] =	ssyncadd.s32 $0xFFFFC000  }
0x76: {  	[spmem:s2] =	stream.indirect.scatter.add.f32 [tilespmem:s26], [sflag:$0x7], $0x80, s8, s24, $0xb8;
	[tilespmem:$0x1C000] =	vst v63  }
0x77: {  	_ =	swait.ge [sflag:s28], $0x4000  }
0x78: {  	[sflag:s28] =	ssyncset.done $0x0  }
0x79: {  	s11 =	simm.s32 $0x80;
	s12 =	sadd.s32 $0x0, s16;
	[sflag:s28] =	ssyncadd.s32 $0xFFFFC000  }
.LBB2_4:
0x7a: {  	[tilespmem:s22], [sflag:$0x4] =	stream.linear.gather [hbm4b:s12+s3], $0x100, $0x38;
	[tilespmem:$0x1C000] =	vst v63  }
0x7b: {  	s12 =	smov.u32 s11  }
0x7c: {  	p0 =	sne.s32 s11, $0x900;
	s11 =	sadd.s32 $0x80, s11;
	_ =	swait.ge [sflag:s29], $0x100  }
0x7d: {  	[sflag:s29] =	ssyncset.done $0x0  }
0x7e: {  	[sflag:s29] =	ssyncadd.s32 $0xFFFFFF00  }
0x7f: {  	[tilespmem:s26], [sflag:$0x6] =	stream.indirect.gather [hbm4b:s4+s24], $0x80, s20, s24, $0xb8;
	[tilespmem:$0x1C000] =	vst v63  }
0x80: {  	_ =	swait.ge [sflag:s30], $0x4000  }
0x81: {  	[sflag:s30] =	ssyncset.done $0x0  }
0x82: {  	[sflag:s30] =	ssyncadd.s32 $0xFFFFC000  }
0x83: {  	[spmem:s2] =	stream.indirect.scatter.add.f32 [tilespmem:s25], [sflag:$0x7], $0x80, s24, s24, $0xb8;
	[tilespmem:$0x1C000] =	vst v63  }
0x84: {  	_ =	swait.ge [sflag:s28], $0x4000  }
0x85: {  	[sflag:s28] =	ssyncset.done $0x0  }
0x86: {  	s13 =	sadd.s32 s12, s19;
	[sflag:s28] =	ssyncadd.s32 $0xFFFFC000  }
0x87: {  	[tilespmem:s3], [sflag:$0x1] =	stream.linear.gather [hbm4b:s13+s3], $0x100, $0x38;
	[tilespmem:$0x1C000] =	vst v63  }
0x88: {  	_ =	swait.ge [sflag:s31], $0x100  }
0x89: {  	[sflag:s31] =	ssyncset.done $0x0  }
0x8a: {  	[sflag:s31] =	ssyncadd.s32 $0xFFFFFF00  }
0x8b: {  	[tilespmem:s25], [sflag:$0x5] =	stream.indirect.gather [hbm4b:s4+s24], $0x80, s21, s24, $0xb8;
	[tilespmem:$0x1C000] =	vst v63  }
0x8c: {  	_ =	swait.ge [sflag:s0], $0x4000  }
0x8d: {  	[sflag:s0] =	ssyncset.done $0x0  }
0x8e: {  	[sflag:s0] =	ssyncadd.s32 $0xFFFFC000  }
0x8f: {  	[spmem:s2] =	stream.indirect.scatter.add.f32 [tilespmem:s26], [sflag:$0x7], $0x80, s1, s24, $0xb8;
	[tilespmem:$0x1C000] =	vst v63  }
0x90: {  	_ =	swait.ge [sflag:s28], $0x4000  }
0x91: {  	[sflag:s28] =	ssyncset.done $0x0  }
0x92: {  	s13 =	sadd.s32 s12, s18;
	[sflag:s28] =	ssyncadd.s32 $0xFFFFC000  }
0x93: {  	[tilespmem:s20], [sflag:$0x2] =	stream.linear.gather [hbm4b:s13+s3], $0x100, $0x38;
	[tilespmem:$0x1C000] =	vst v63  }
0x94: {  	_ =	swait.ge [sflag:s6], $0x100  }
0x95: {  	[sflag:s6] =	ssyncset.done $0x0  }
0x96: {  	[sflag:s6] =	ssyncadd.s32 $0xFFFFFF00  }
0x97: {  	[tilespmem:s26], [sflag:$0x6] =	stream.indirect.gather [hbm4b:s4+s24], $0x80, s22, s24, $0xb8;
	[tilespmem:$0x1C000] =	vst v63  }
0x98: {  	_ =	swait.ge [sflag:s30], $0x4000  }
0x99: {  	[sflag:s30] =	ssyncset.done $0x0  }
0x9a: {  	[sflag:s30] =	ssyncadd.s32 $0xFFFFC000  }
0x9b: {  	[spmem:s2] =	stream.indirect.scatter.add.f32 [tilespmem:s25], [sflag:$0x7], $0x80, s7, s24, $0xb8;
	[tilespmem:$0x1C000] =	vst v63  }
0x9c: {  	_ =	swait.ge [sflag:s28], $0x4000  }
0x9d: {  	[sflag:s28] =	ssyncset.done $0x0  }
0x9e: {  	s13 =	sadd.s32 s12, s17;
	[sflag:s28] =	ssyncadd.s32 $0xFFFFC000  }
0x9f: {  	[tilespmem:s21], [sflag:$0x3] =	stream.linear.gather [hbm4b:s13+s3], $0x100, $0x38;
	[tilespmem:$0x1C000] =	vst v63  }
0xa0: {  	_ =	swait.ge [sflag:s23], $0x100  }
0xa1: {  	[sflag:s23] =	ssyncset.done $0x0  }
0xa2: {  	[sflag:s23] =	ssyncadd.s32 $0xFFFFFF00  }
0xa3: {  	[tilespmem:s25], [sflag:$0x5] =	stream.indirect.gather [hbm4b:s4+s24], $0x80, s3, s24, $0xb8;
	[tilespmem:$0x1C000] =	vst v63  }
0xa4: {  	_ =	swait.ge [sflag:s0], $0x4000  }
0xa5: {  	[sflag:s0] =	ssyncset.done $0x0  }
.Ltmp1:
0xa6: {  	[sflag:s0] =	ssyncadd.s32 $0xFFFFC000;
	(pc) =	sbr.rel @p0 .LBB2_4-.Ltmp1, $4  }
0xa7: {  	[spmem:s2] =	stream.indirect.scatter.add.f32 [tilespmem:s26], [sflag:$0x7], $0x80, s8, s24, $0xb8;
	[tilespmem:$0x1C000] =	vst v63  }
0xa8: {  	_ =	swait.ge [sflag:s28], $0x4000  }
0xa9: {  	[sflag:s28] =	ssyncset.done $0x0  }
0xaa: {  	s12 =	sadd.s32 s12, s16;
	[sflag:s28] =	ssyncadd.s32 $0xFFFFC000  }
0xab: {  	[tilespmem:s22], [sflag:$0x4] =	stream.linear.gather [hbm4b:s12+s3], $0x100, $0x38;
	[tilespmem:$0x1C000] =	vst v63  }
0xac: {  	_ =	swait.ge [sflag:s29], $0x100  }
0xad: {  	[sflag:s29] =	ssyncset.done $0x0  }
0xae: {  	[sflag:s29] =	ssyncadd.s32 $0xFFFFFF00  }
0xaf: {  	[tilespmem:s26], [sflag:$0x6] =	stream.indirect.gather [hbm4b:s4+s24], $0x80, s20, s24, $0xb8;
	[tilespmem:$0x1C000] =	vst v63  }
0xb0: {  	_ =	swait.ge [sflag:s30], $0x4000  }
0xb1: {  	[sflag:s30] =	ssyncset.done $0x0  }
0xb2: {  	[sflag:s30] =	ssyncadd.s32 $0xFFFFC000  }
0xb3: {  	[spmem:s2] =	stream.indirect.scatter.add.f32 [tilespmem:s25], [sflag:$0x7], $0x80, s24, s24, $0xb8;
	[tilespmem:$0x1C000] =	vst v63  }
0xb4: {  	_ =	swait.ge [sflag:s28], $0x4000  }
0xb5: {  	[sflag:s28] =	ssyncset.done $0x0  }
0xb6: {  	[sflag:s28] =	ssyncadd.s32 $0xFFFFC000  }
0xb7: {  	_ =	swait.ge [sflag:s31], $0x100  }
0xb8: {  	[sflag:s31] =	ssyncset.done $0x0  }
0xb9: {  	[sflag:s31] =	ssyncadd.s32 $0xFFFFFF00  }
0xba: {  	[tilespmem:s25], [sflag:$0x5] =	stream.indirect.gather [hbm4b:s4+s24], $0x80, s21, s24, $0xb8;
	[tilespmem:$0x1C000] =	vst v63  }
0xbb: {  	_ =	swait.ge [sflag:s0], $0x4000  }
0xbc: {  	[sflag:s0] =	ssyncset.done $0x0  }
0xbd: {  	[sflag:s0] =	ssyncadd.s32 $0xFFFFC000  }
0xbe: {  	[spmem:s2] =	stream.indirect.scatter.add.f32 [tilespmem:s26], [sflag:$0x7], $0x80, s1, s24, $0xb8;
	[tilespmem:$0x1C000] =	vst v63  }
0xbf: {  	_ =	swait.ge [sflag:s28], $0x4000  }
0xc0: {  	[sflag:s28] =	ssyncset.done $0x0  }
0xc1: {  	[sflag:s28] =	ssyncadd.s32 $0xFFFFC000  }
0xc2: {  	_ =	swait.ge [sflag:s6], $0x100  }
0xc3: {  	[sflag:s6] =	ssyncset.done $0x0  }
0xc4: {  	[sflag:s6] =	ssyncadd.s32 $0xFFFFFF00  }
0xc5: {  	[tilespmem:s26], [sflag:$0x6] =	stream.indirect.gather [hbm4b:s4+s24], $0x80, s22, s24, $0xb8;
	[tilespmem:$0x1C000] =	vst v63  }
0xc6: {  	_ =	swait.ge [sflag:s30], $0x4000  }
0xc7: {  	[sflag:s30] =	ssyncset.done $0x0  }
0xc8: {  	[sflag:s30] =	ssyncadd.s32 $0xFFFFC000  }
0xc9: {  	[spmem:s2] =	stream.indirect.scatter.add.f32 [tilespmem:s25], [sflag:$0x7], $0x80, s7, s24, $0xb8;
	[tilespmem:$0x1C000] =	vst v63  }
0xca: {  	_ =	swait.ge [sflag:s28], $0x4000  }
0xcb: {  	[sflag:s28] =	ssyncset.done $0x0  }
0xcc: {  	[sflag:s28] =	ssyncadd.s32 $0xFFFFC000  }
0xcd: {  	_ =	swait.ge [sflag:s0], $0x4000  }
0xce: {  	[sflag:s0] =	ssyncset.done $0x0  }
0xcf: {  	[sflag:s0] =	ssyncadd.s32 $0xFFFFC000  }
0xd0: {  	[spmem:s2] =	stream.indirect.scatter.add.f32 [tilespmem:s26], [sflag:$0x7], $0x80, s8, s24, $0xb8;
	[tilespmem:$0x1C000] =	vst v63  }
0xd1: {  	s11 =	stileid.u32;
	_ =	swait.ge [sflag:s28], $0x4000  }
0xd2: {  	s13 =	sshrl.u32 s9, $0x3;
	s10 =	sadd.s32 $0x1, s10;
	[sflag:s28] =	ssyncset.done $0x0  }
0xd3: {  	s11 =	sshll.u32 s11, $0x6;
	p0 =	sne.s32 s10, s15;
	[sflag:s28] =	ssyncadd.s32 $0xFFFFC000  }
.Ltmp2:
0xd4: {  	s11 =	sor.u32 $0x1C07, s11;
	[bflag:$0x0] =	sbarrier.arrive $0xFFFF;
	(pc) =	sbr.rel @p0 .LBB2_1-.Ltmp2, $4  }
0xd5: {  	[hbm:s14], [sflag:s11] =	dma.local [spmem:s13], $0x2780  }
0xd6: {  	_ =	swait.ge [sflag:s28], $0x2780  }
0xd7: {  	[sflag:s28] =	ssyncset.done $0x0  }
0xd8: {  	[sflag:s28] =	ssyncadd.s32 $0xFFFFD880  }
0xd9: {  	_ =	sfence.sel $0x180000  }
0xda: {  	[bflag:$0x0] =	sbarrier.arrive $0xFFFF  }
0xdb: {  	_ =	strace $0x9000004A  }
0xdc: {  	s0 =	stileid.u32;
	[bflag:$0x2] =	sbarrier.arrive $0xFFFF  }
0xdd: {  	p0 =	sne.s32 s0, $0x0;
	s0 =	rddreg [dreg:$0x2]  }
0xde: {  	s0 =	sadd.s32 @!p0 $0x100000, s0  }
0xdf: {  	[sflag:s0] =	ssyncadd.tile.s32 @!p0 $0x1;
	_ =	shalt  }
.Lfunc_end2:
_tile_overlayer_lowered:
.L_overlay_start_2:
0xe0: {  	(tag) =	ssettag $0x2  }
0xe1: {  	s0 =	rddreg [dreg:$0x0];
	s2 =	stileid.u32  }
0xe2: {  	s1 =	rddreg [dreg:$0x1];
	p0 =	sne.s32 s2, $0x0  }
0xe3: {  	s3 =	rddreg [dreg:$0x2];
	[bflag:$0x3] =	sbarrier.arrive $0xFFFF;
	s2 =	simm.s32 @!p0 $0x1C07  }
0xe4: {  	[timem:s3], [sflag:s2] =	dma.local @!p0 [hbm:s0], s1  }
0xe5: {  	s0 =	simm.s32 @!p0 $0x7  }
0xe6: {  	_ =	swait.ge @!p0 [sflag:s0], s1  }
0xe7: {  	s1 =	ssub.s32 @!p0 $0x0, s1;
	[sflag:s0] =	ssyncset.done @!p0 $0x0  }
0xe8: {  	[sflag:s0] =	ssyncadd.s32 @!p0 s1  }
0xe9: {  	[bflag:$0x3] =	sbarrier.arrive $0xFFFF  }
0xea: {  	_ =	shalt  }

// kernel: kernel.14.cloned.1.call-start
scs
__scs_entry_jumppad:
0x0: {  	(pc) =	sbr.rel $0x88, $3  }
0x1: {  	(tag) =	ssettag $0x0;
	lr =	simm.s32 $0x1  }
0x2: {  	[smem:$0x3F91] =	sst lr;
	_ =	strace $0xD0000000  }
0x3: {  	_ = 	snop  }
0x4: {  	_ = 	snop  }
0x5: {  	_ = 	snop  }
0x6: {  	_ = 	snop  }
0x7: {  	_ = 	snop  }
__scs_overlays_trampoline_lowered:
0x8: {  	[smem:$0x3FA0] =	sst s0  }
0x9: {  	[smem:$0x3FA1] =	sst s1  }
0xa: {  	[smem:$0x3FA2] =	sst s2  }
0xb: {  	[smem:$0x3FA3] =	sst s3  }
0xc: {  	[smem:$0x3FA4] =	sst s4  }
0xd: {  	[smem:$0x3FA5] =	sst s5  }
0xe: {  	[smem:$0x3FA6] =	sst s6  }
0xf: {  	[smem:$0x3FA7] =	sst s7  }
0x10: {  	[smem:$0x3FA8] =	sst s8  }
0x11: {  	[smem:$0x3FA9] =	sst s9;
	s0 =	simm.s32 @!p0 $0x0  }
0x12: {  	s1 =	sld [smem:$0x3F8F];
	s0 =	simm.s32 @p0 $0x1  }
0x13: {  	[smem:$0x3FAA] =	sst s0;
	s0 =	simm.s32 @!p1 $0x0  }
0x14: {  	s2 =	sld [smem:$0x3F8E];
	s0 =	simm.s32 @p1 $0x1  }
0x15: {  	[smem:$0x3FAB] =	sst s0;
	s0 =	simm.s32 @!p2 $0x0  }
0x16: {  	s3 =	sld [smem:$0x3FDB];
	s0 =	simm.s32 @p2 $0x1  }
0x17: {  	s4 =	simm.s32 $0x1BF5;
	[smem:$0x3FAD] =	sst s0  }
0x18: {  	s0 =	sld [smem:$0x3F90];
	_ =	swait.ge [sflag:s4], $0x0  }
0x19: {  	s7 =	sld [smem:$0x3F91]  }
0x1a: {  	s8 =	sadd.s32 $0xFFFFE003, lr  }
0x1b: {  	s9 =	sadd.s32 $0xFFFFFEF7, lr;
	s5 =	simm.s32 $0xFFFFFFFF;
	p2 =	slt.u32 s8, $0xFFFFF086  }
0x1c: {  	p1 =	slt.u32 s9, $0xF7A;
	s5 =	simm.s32 @!p2 $0x0  }
0x1d: {  	s5 =	simm.s32 @p1 $0x1;
	p0 =	seq.s32 s7, s2  }
0x1e: {  	s7 =	smul.u32 @!p0 $0xF7A, s2;
	p2 =	seq.s32 @!p0 s5, $0x0  }
0x1f: {  	s9 =	smul.u32 $0xF7A, s1;
	s8 =	simm.s32 @!p0 $0x1BF5;
	p2 =	por !p2, p0  }
0x20: {  	[sflag:s8] =	ssyncset.s32 @!p0 $0xFFFFF086;
	s6 =	sadd.s32 @!p0 s3, s7;
	s7 =	simm.s32 @!p0 $0x108  }
0x21: {  	s3 =	sadd.s32 s3, s9;
	s6 =	sadd.s32 @!p0 $0x88, s6;
	s7 =	simm.s32 @p2 $0x1082  }
0x22: {  	[simem:s7], [sflag:s8] =	dma.local @!p0 [hbm:s6], $0xF7A  }
0x23: {  	s9 =	sor.u32 $0xD0000000, s2;
	s6 =	simm.s32 $0x108;
	_ =	swait.ge @!p0 [sflag:s8], $0x0  }
0x24: {  	s3 =	sadd.s32 $0x88, s3;
	s6 =	simm.s32 @!p1 $0x1082;
	[sflag:s4] =	ssyncset.s32 $0xFFFFF086  }
0x25: {  	[simem:s6], [sflag:s4] =	dma.local [hbm:s3], $0xF7A  }
0x26: {  	[smem:$0x3F91] =	sst s1;
	(tag) =	ssettag s2;
	_ =	strace s9  }
0x27: {  	s1 =	sld [smem:$0x3FA1]  }
0x28: {  	s2 =	sld [smem:$0x3FA2]  }
0x29: {  	s4 =	sld [smem:$0x3FA4]  }
0x2a: {  	p0 =	seq.s32 s5, $0x0;
	s5 =	sld [smem:$0x3FA5]  }
0x2b: {  	s6 =	sld [smem:$0x3FA6]  }
0x2c: {  	s7 =	sld [smem:$0x3FA7]  }
0x2d: {  	s3 =	simm.s32 $0x108;
	s8 =	sld [smem:$0x3FA8]  }
0x2e: {  	s3 =	simm.s32 @!p0 $0x1082;
	s9 =	sld [smem:$0x3FA9]  }
0x2f: {  	lr =	sadd.s32 s0, s3;
	s0 =	sld [smem:$0x3FA0]  }
0x30: {  	s3 =	sld [smem:$0x3FA3]  }
0x31: {  	[smem:$0x3FAC] =	sst s10  }
0x32: {  	s10 =	sld [smem:$0x3FAA];
	_ =	sdelay $0x3  }
0x33: {  	p0 =	seq.s32 s10, $0x1;
	s10 =	sld [smem:$0x3FAC];
	_ =	sdelay $0x3  }
0x34: {  	[smem:$0x3FAC] =	sst s10  }
0x35: {  	s10 =	sld [smem:$0x3FAB];
	_ =	sdelay $0x3  }
0x36: {  	p1 =	seq.s32 s10, $0x1;
	s10 =	sld [smem:$0x3FAC];
	_ =	sdelay $0x3  }
0x37: {  	[smem:$0x3FAC] =	sst s10  }
0x38: {  	s10 =	sld [smem:$0x3FAD]  }
0x39: {  	_ = 	snop;
	(pc) =	sbr.ind lr, $3  }
0x3a: {  	_ = 	snop  }
0x3b: {  	_ = 	snop  }
0x3c: {  	p2 =	seq.s32 s10, $0x1;
	s10 =	sld [smem:$0x3FAC]  }
0x3d: {  	_ =	shalt  }
0x3e: {  	_ =	shalt  }
0x3f: {  	_ =	shalt  }
0x40: {  	_ =	shalt  }
0x41: {  	_ =	shalt  }
0x42: {  	_ =	shalt  }
0x43: {  	_ =	shalt  }
0x44: {  	_ =	shalt  }
0x45: {  	_ =	shalt  }
0x46: {  	_ =	shalt  }
0x47: {  	_ =	shalt  }
0x48: {  	_ =	shalt  }
0x49: {  	_ =	shalt  }
0x4a: {  	_ =	shalt  }
0x4b: {  	_ =	shalt  }
0x4c: {  	_ =	shalt  }
0x4d: {  	_ =	shalt  }
0x4e: {  	_ =	shalt  }
0x4f: {  	_ =	shalt  }
0x50: {  	_ =	shalt  }
0x51: {  	_ =	shalt  }
0x52: {  	_ =	shalt  }
0x53: {  	_ =	shalt  }
0x54: {  	_ =	shalt  }
0x55: {  	_ =	shalt  }
0x56: {  	_ =	shalt  }
0x57: {  	_ =	shalt  }
0x58: {  	_ =	shalt  }
0x59: {  	_ =	shalt  }
0x5a: {  	_ =	shalt  }
0x5b: {  	_ =	shalt  }
0x5c: {  	_ =	shalt  }
0x5d: {  	_ =	shalt  }
0x5e: {  	_ =	shalt  }
0x5f: {  	_ =	shalt  }
0x60: {  	_ =	shalt  }
0x61: {  	_ =	shalt  }
0x62: {  	_ =	shalt  }
0x63: {  	_ =	shalt  }
0x64: {  	_ =	shalt  }
0x65: {  	_ =	shalt  }
0x66: {  	_ =	shalt  }
0x67: {  	_ =	shalt  }
0x68: {  	_ =	shalt  }
0x69: {  	_ =	shalt  }
0x6a: {  	_ =	shalt  }
0x6b: {  	_ =	shalt  }
0x6c: {  	_ =	shalt  }
0x6d: {  	_ =	shalt  }
0x6e: {  	_ =	shalt  }
0x6f: {  	_ =	shalt  }
0x70: {  	_ =	shalt  }
0x71: {  	_ =	shalt  }
0x72: {  	_ =	shalt  }
0x73: {  	_ =	shalt  }
0x74: {  	_ =	shalt  }
0x75: {  	_ =	shalt  }
0x76: {  	_ =	shalt  }
0x77: {  	_ =	shalt  }
0x78: {  	_ =	shalt  }
0x79: {  	_ =	shalt  }
0x7a: {  	_ =	shalt  }
0x7b: {  	_ =	shalt  }
0x7c: {  	_ =	shalt  }
0x7d: {  	_ =	shalt  }
0x7e: {  	_ =	shalt  }
0x7f: {  	_ =	shalt  }
0x80: {  	_ =	shalt  }
0x81: {  	_ =	shalt  }
0x82: {  	_ =	shalt  }
0x83: {  	_ =	shalt  }
0x84: {  	_ =	shalt  }
0x85: {  	_ =	shalt  }
0x86: {  	_ =	shalt  }
0x87: {  	_ =	shalt  }
.Lfunc_end0:
.L_simem_size_0:
called_computation.2_lowered:
.L_overlay_start_0:
0x88: {  	s2 =	sld [smem:$0x3FD9]  }
0x89: {  	s3 =	sld [smem:$0x3FFE];
	_ =	sdelay $0x1  }
0x8a: {  	s1 =	srdreg.scid  }
0x8b: {  	s0 =	sand.u32 $0x1, s1  }
0x8c: {  	s16 =	sshll.u32 s0, $0xA;
	s2 =	sadd.s32 s3, s2  }
0x8d: {  	s2 =	sadd.s32 s2, s16  }
0x8e: {  	[smem:$0x3FB8] =	sst s2  }
0x8f: {  	_ = 	snop  }
0x90: {  	(tm) =	ssettm $0x1  }
0x91: {  	s17 =	sld [smem:$0x3FFB];
	_ =	sdelay $0x3  }
0x92: {  	_ =	strace s17  }
0x93: {  	s2 =	sld [smem:$0x3FFC];
	_ =	sdelay $0x3  }
0x94: {  	_ =	strace s2  }
0x95: {  	s2 =	sld [smem:$0x3FFD];
	_ =	sdelay $0x3  }
0x96: {  	_ =	strace s2  }
0x97: {  	_ =	strace $0x8FFFFFFF  }
0x98: {  	s18 =	sld [smem:$0x3FDB];
	_ =	sdelay $0x1  }
0x99: {  	s19 =	simm.s32 $_scs_section_size  }
0x9a: {  	s4 =	simm.s32 $_size__tile_overlayer_lowered;
	s5 =	simm.s32 $_tile_overlayer_lowered  }
0x9b: {  	s22 =	simm.s32 $0x1BFF;
	s21 =	sshll.u32 s5, $0x1;
	s2 =	sadd.s32 s19, s18  }
0x9c: {  	s6 =	simm.s32 $0x0;
	s20 =	sshll.u32 s4, $0x1;
	s4 =	sadd.s32 s21, s2  }
0x9d: {  	[timem:s6], [sflag:s22] =	dma.local [hbm:s4], s20  }
0x9e: {  	_ =	swait.ge [sflag:s22], s20  }
0x9f: {  	s3 =	ssub.s32 $0x0, s20;
	[sflag:s22] =	ssyncset.done $0x0  }
0xa0: {  	[sflag:s22] =	ssyncadd.s32 s3;
	_ =	sdelay $0x1  }
0xa1: {  	s23 =	simm.s32 $0x1B8B  }
0xa2: {  	_ =	swait.ge [sflag:s23], $0x1  }
0xa3: {  	[sflag:s23] =	ssyncset.done $0x0  }
0xa4: {  	s25 =	simm.s32 $0x1B8E;
	s24 =	sld [smem:$0x3FFE];
	[sflag:s23] =	ssyncadd.s32 $0xFFFFFFFF  }
0xa5: {  	s26 =	simm.s32 $execute0_lowered;
	[smem:$0x3FD2] =	sst s25  }
0xa6: {  	s4 =	sshll.u32 s26, $0x1;
	_ =	strace $0x8000004C;
	[dreg:$0x1] =	wrdreg $0xFFFFFFFF  }
0xa7: {  	s28 =	simm.s32 $_size_execute0_lowered;
	s2 =	sadd.s32 s2, s4;
	[dreg:$0x0] =	wrdreg $0x0  }
0xa8: {  	s4 =	sshll.u32 s28, $0x1;
	[dreg:$0x2] =	wrdreg s2  }
0xa9: {  	[dreg:$0x3] =	wrdreg s4  }
0xaa: {  	[dreg:$0x4] =	wrdreg $0xC0  }
0xab: {  	_ =	task [dreg:s6], $0x5FFFF  }
0xac: {  	[dreg:$0x1] =	wrdreg $0xFFFFFFFF  }
0xad: {  	[dreg:$0x0] =	wrdreg $0x60  }
0xae: {  	[dreg:$0x2] =	wrdreg s24  }
0xaf: {  	[dreg:$0x3] =	wrdreg $0x84000  }
0xb0: {  	[dreg:$0x4] =	wrdreg $0x9  }
0xb1: {  	_ =	task.clear_ibuf [dreg:s6], $0x5FFFF;
	_ =	strace $0x9000004C  }
0xb2: {  	s29 =	simm.s32 $0x9;
	_ =	strace $0x8000004E  }
0xb3: {  	_ =	swait.ge [sflag:s29], $0x1  }
0xb4: {  	[sflag:s29] =	ssyncadd.s32 $0xFFFFFFFF  }
0xb5: {  	_ =	strace $0x9000004E  }
0xb6: {  	_ =	sfence  }
0xb7: {  	s30 =	sld [smem:$0x0];
	_ =	sdelay $0x2  }
0xb8: {  	s31 =	sshll.u32 s1, $0xD;
	s1 =	sshrl.u32 s1, $0x2  }
0xb9: {  	s3 =	sand.u32 $0x4000, s31;
	s1 =	sadd.s32 s1, s30  }
0xba: {  	s0 =	sor.u32 s3, s0;
	s1 =	sshll.u32 s1, $0x11  }
0xbb: {  	s0 =	sor.u32 s1, s0  }
0xbc: {  	s0 =	sadd.s32 $0x8F2B, s0  }
0xbd: {  	[sflag:s0] =	ssyncadd.remote.s32 $0x1  }
0xbe: {  	_ =	sfence.sel $0xFFFF  }
0xbf: {  	[dreg:$0x0] =	wrdreg $0xFFFFFFFF;
	(pc) =	sbr.abs _section_cstart, $3  }
0xc0: {  	[dreg:$0x1] =	wrdreg $0xFFFFFFFF  }
0xc1: {  	_ =	task.clear_ibuf [dreg:s6], $0x2FFFF;
	_ =	strace $0x9FFFFFFF  }
0xc2: {  	(tm) =	ssettm $0x7FFFFFFF  }
0xc3: {  	_ =	shalt  }
tec
execute0_lowered:
.L_overlay_start_1:
0x0: {  	(tag) =	ssettag $0x1  }
0x1: {  	s0 =	rddreg [dreg:$0x0];
	s1 =	srdreg.scid  }
0x2: {  	s2 =	rddreg [dreg:$0x1];
	s10 =	stileid.u32;
	s3 =	simm.s32 $0x0  }
0x3: {  	s28 =	simm.s32 $0x7;
	s29 =	simm.s32 $0x2;
	s30 =	simm.s32 $0x5  }
0x4: {  	s31 =	simm.s32 $0x3;
	s1 =	sand.u32 $0x1, s1;
	s5 =	smul.u32 $0x13C00, s10  }
0x5: {  	[smem:$0x7FF] =	sst s3;
	s7 =	sadd.s32 $0xE600, s0;
	s9 =	smul.u32 $0x4F000, s10  }
0x6: {  	s4 =	smul.u32 $0x13C000, s1;
	s6 =	sshll.u32 s1, $0x4;
	_ =	strace $0x8000004D  }
0x7: {  	s15 =	ssub.s32 $0x2, s1;
	s1 =	smul.u32 $0x50000, s1;
	s6 =	sor.u32 s10, s6  }
0x8: {  	s8 =	sshrl.u32 s15, $0x1;
	s16 =	sshrl.u32 s9, $0x2;
	s10 =	smul.u32 $0x5000, s10  }
0x9: {  	s5 =	sadd.s32 s5, s4;
	s4 =	sadd.s32 $0x22600, s0;
	s6 =	smul.u32 $0x5000, s6  }
0xa: {  	s8 =	ssub.s32 s15, s8;
	s9 =	sadd.s32 s16, s2;
	s5 =	sshrl.u32 s5, $0x3  }
0xb: {  	s19 =	sadd.s32 $0x8000, s9;
	s1 =	sadd.s32 s10, s1;
	s20 =	sadd.s32 $0xC000, s9  }
0xc: {  	s21 =	sadd.s32 $0x10000, s9;
	s15 =	smax.u32 s8, $0x1;
	[dreg:$0x7] =	wrdreg s19  }
0xd: {  	s8 =	simm.s32 $0x380;
	s10 =	simm.s32 $0x0;
	[dreg:$0x8] =	wrdreg s20  }
0xe: {  	s0 =	sadd.s32 s5, s0;
	s6 =	sshrl.u32 s6, $0x3;
	[dreg:$0x9] =	wrdreg s21  }
0xf: {  	s22 =	sor.u32 $0x700, s1;
	s24 =	sor.u32 $0x600, s1;
	s25 =	sor.u32 $0x500, s1  }
0x10: {  	s1 =	sor.u32 $0x400, s1;
	s20 =	simm.s32 $0x100;
	s21 =	simm.s32 $0x200  }
0x11: {  	s5 =	sadd.s32 s7, s6;
	s14 =	sadd.s32 $0x49800, s0;
	s23 =	sshrl.u32 s22, $0x3  }
0x12: {  	s0 =	sshrl.u32 s24, $0x3;
	s26 =	sshrl.u32 s1, $0x3;
	s22 =	simm.s32 $0x300  }
0x13: {  	s24 =	simm.s32 $0x80;
	s1 =	simm.s32 $0x180;
	s6 =	sadd.s32 $0x20, s5  }
0x14: {  	s17 =	sadd.s32 $0x40, s5;
	s18 =	sadd.s32 $0x60, s5;
	[dreg:$0x3] =	wrdreg s6  }
0x15: {  	s16 =	sadd.s32 s23, s7;
	s19 =	sadd.s32 s26, s7;
	[dreg:$0x4] =	wrdreg s17  }
0x16: {  	s23 =	simm.s32 $0x1;
	s26 =	simm.s32 $0x4400;
	[dreg:$0x5] =	wrdreg s18  }
0x17: {  	s6 =	sadd.s32 $0x4000, s9;
	s17 =	sadd.s32 s0, s7;
	s0 =	simm.s32 $0x6  }
0x18: {  	[dreg:$0x6] =	wrdreg s6;
	s6 =	sshrl.u32 s25, $0x3;
	s25 =	simm.s32 $0x400  }
0x19: {  	v0 =	vimm.f32 $0.0e+00;
	s18 =	sadd.s32 s6, s7;
	s6 =	simm.s32 $0x4;
	s7 =	simm.s32 $0x280  }
.LBB2_1:
0x1a: {  	[tilespmem:s3], [sflag:$0x1] =	stream.linear.gather [hbm4b:s5+s3], $0x100, $0x38;
	[tilespmem:$0x1C000] =	vst v63  }
0x1b: {  	s11 =	rddreg [dreg:$0x3]  }
0x1c: {  	[tilespmem:s20], [sflag:$0x2] =	stream.linear.gather [hbm4b:s11+s3], $0x100, $0x38;
	[tilespmem:$0x1C000] =	vst v63  }
0x1d: {  	s12 =	rddreg [dreg:$0x4]  }
0x1e: {  	[tilespmem:s21], [sflag:$0x3] =	stream.linear.gather [hbm4b:s12+s3], $0x100, $0x38;
	[tilespmem:$0x1C000] =	vst v63  }
0x1f: {  	s13 =	rddreg [dreg:$0x5];
	s11 =	simm.s32 $0x0;
	s12 =	simm.s32 $0x200  }
0x20: {  	[tilespmem:s22], [sflag:$0x4] =	stream.linear.gather [hbm4b:s13+s3], $0x100, $0x38;
	[tilespmem:$0x1C000] =	vst v63  }
.LBB2_2:
0x21: {  	p0 =	sne.s32 s12, $0xFE00;
	[tilespmem:s11+$0x4470] =	vst v0  }
0x22: {  	[tilespmem:s11+$0x4400] =	vst v0  }
0x23: {  	[tilespmem:s11+$0x4410] =	vst v0  }
.Ltmp0:
0x24: {  	[tilespmem:s11+$0x4420] =	vst v0;
	(pc) =	sbr.rel @p0 .LBB2_2-.Ltmp0, $4  }
0x25: {  	[tilespmem:s11+$0x4430] =	vst v0  }
0x26: {  	[tilespmem:s11+$0x4440] =	vst v0  }
0x27: {  	[tilespmem:s11+$0x4450] =	vst v0  }
0x28: {  	[tilespmem:s11+$0x4460] =	vst v0;
	s11 =	sshra.s32 s12, $0x2;
	s12 =	sadd.s32 $0x200, s12  }
0x29: {  	[tilespmem:s11+$0x4470] =	vst v0  }
0x2a: {  	[tilespmem:s11+$0x4400] =	vst v0  }
0x2b: {  	[tilespmem:s11+$0x4410] =	vst v0  }
0x2c: {  	[tilespmem:s11+$0x4420] =	vst v0  }
0x2d: {  	[tilespmem:s11+$0x4430] =	vst v0  }
0x2e: {  	[tilespmem:s11+$0x4440] =	vst v0  }
0x2f: {  	[tilespmem:s11+$0x4450] =	vst v0  }
0x30: {  	[tilespmem:s11+$0x4460] =	vst v0  }
0x31: {  	_ =	swait.ge [sflag:s23], $0x100  }
0x32: {  	[sflag:s23] =	ssyncset.done $0x0  }
0x33: {  	s12 =	simm.s32 $0x0;
	[sflag:s23] =	ssyncadd.s32 $0xFFFFFF00  }
0x34: {  	[tilespmem:s25], [sflag:$0x5] =	stream.indirect.gather [hbm4b:s4+s24], $0x80, s12, s24, $0xb8;
	[tilespmem:$0x1C000] =	vst v63  }
0x35: {  	_ = 	snop  }
0x36: {  	[spmem:s9] =	stream.linear.scatter [tilespmem:s26], [sflag:$0x7], $0x4000, $0x38;
	[tilespmem:$0x1C000] =	vst v63  }
0x37: {  	_ =	swait.ge [sflag:s28], $0x4000  }
0x38: {  	[sflag:s28] =	ssyncset.done $0x0  }
0x39: {  	s13 =	rddreg [dreg:$0x6];
	[sflag:s28] =	ssyncadd.s32 $0xFFFFC000  }
0x3a: {  	[spmem:s13] =	stream.linear.scatter [tilespmem:s26], [sflag:$0x7], $0x4000, $0x38;
	[tilespmem:$0x1C000] =	vst v63  }
0x3b: {  	_ =	swait.ge [sflag:s28], $0x4000  }
0x3c: {  	[sflag:s28] =	ssyncset.done $0x0  }
0x3d: {  	s12 =	rddreg [dreg:$0x7];
	[sflag:s28] =	ssyncadd.s32 $0xFFFFC000  }
0x3e: {  	[spmem:s12] =	stream.linear.scatter [tilespmem:s26], [sflag:$0x7], $0x4000, $0x38;
	[tilespmem:$0x1C000] =	vst v63  }
0x3f: {  	_ =	swait.ge [sflag:s28], $0x4000  }
0x40: {  	[sflag:s28] =	ssyncset.done $0x0  }
0x41: {  	s13 =	rddreg [dreg:$0x8];
	[sflag:s28] =	ssyncadd.s32 $0xFFFFC000  }
0x42: {  	[spmem:s13] =	stream.linear.scatter [tilespmem:s26], [sflag:$0x7], $0x4000, $0x38;
	[tilespmem:$0x1C000] =	vst v63  }
0x43: {  	_ =	swait.ge [sflag:s28], $0x4000  }
0x44: {  	[sflag:s28] =	ssyncset.done $0x0  }
0x45: {  	s12 =	rddreg [dreg:$0x9];
	[sflag:s28] =	ssyncadd.s32 $0xFFFFC000  }
0x46: {  	[spmem:s12] =	stream.linear.scatter [tilespmem:s26], [sflag:$0x7], $0x3C00, $0x38;
	[tilespmem:$0x1C000] =	vst v63  }
0x47: {  	_ =	swait.ge [sflag:s28], $0x3C00  }
0x48: {  	[sflag:s28] =	ssyncset.done $0x0  }
0x49: {  	[sflag:s28] =	ssyncadd.s32 $0xFFFFC400  }
0x4a: {  	[bflag:$0x0] =	sbarrier.arrive $0xFFFF  }
0x4b: {  	_ =	swait.ge [sflag:s29], $0x100  }
0x4c: {  	[sflag:s29] =	ssyncset.done $0x0  }
0x4d: {  	[sflag:s29] =	ssyncadd.s32 $0xFFFFFF00  }
0x4e: {  	[tilespmem:s26], [sflag:$0x6] =	stream.indirect.gather [hbm4b:s4+s24], $0x80, s20, s24, $0xb8;
	[tilespmem:$0x1C000] =	vst v63  }
0x4f: {  	_ =	swait.ge [sflag:s30], $0x4000  }
0x50: {  	[sflag:s30] =	ssyncset.done $0x0  }
0x51: {  	[sflag:s30] =	ssyncadd.s32 $0xFFFFC000  }
0x52: {  	[spmem:s2] =	stream.indirect.scatter.add.f32 [tilespmem:s25], [sflag:$0x7], $0x80, s24, s24, $0xb8;
	[tilespmem:$0x1C000] =	vst v63  }
0x53: {  	_ =	swait.ge [sflag:s28], $0x4000  }
0x54: {  	[sflag:s28] =	ssyncset.done $0x0  }
0x55: {  	s13 =	sadd.s32 $0x0, s19;
	[sflag:s28] =	ssyncadd.s32 $0xFFFFC000  }
0x56: {  	[tilespmem:s3], [sflag:$0x1] =	stream.linear.gather [hbm4b:s13+s3], $0x100, $0x38;
	[tilespmem:$0x1C000] =	vst v63  }
0x57: {  	_ =	swait.ge [sflag:s31], $0x100  }
0x58: {  	[sflag:s31] =	ssyncset.done $0x0  }
0x59: {  	[sflag:s31] =	ssyncadd.s32 $0xFFFFFF00  }
0x5a: {  	[tilespmem:s25], [sflag:$0x5] =	stream.indirect.gather [hbm4b:s4+s24], $0x80, s21, s24, $0xb8;
	[tilespmem:$0x1C000] =	vst v63  }
0x5b: {  	_ =	swait.ge [sflag:s0], $0x4000  }
0x5c: {  	[sflag:s0] =	ssyncset.done $0x0  }
0x5d: {  	[sflag:s0] =	ssyncadd.s32 $0xFFFFC000  }
0x5e: {  	[spmem:s2] =	stream.indirect.scatter.add.f32 [tilespmem:s26], [sflag:$0x7], $0x80, s1, s24, $0xb8;
	[tilespmem:$0x1C000] =	vst v63  }
0x5f: {  	_ =	swait.ge [sflag:s28], $0x4000  }
0x60: {  	[sflag:s28] =	ssyncset.done $0x0  }
0x61: {  	s12 =	sadd.s32 $0x0, s18;
	[sflag:s28] =	ssyncadd.s32 $0xFFFFC000  }
0x62: {  	[tilespmem:s20], [sflag:$0x2] =	stream.linear.gather [hbm4b:s12+s3], $0x100, $0x38;
	[tilespmem:$0x1C000] =	vst v63  }
0x63: {  	_ =	swait.ge [sflag:s6], $0x100  }
0x64: {  	[sflag:s6] =	ssyncset.done $0x0  }
0x65: {  	[sflag:s6] =	ssyncadd.s32 $0xFFFFFF00  }
0x66: {  	[tilespmem:s26], [sflag:$0x6] =	stream.indirect.gather [hbm4b:s4+s24], $0x80, s22, s24, $0xb8;
	[tilespmem:$0x1C000] =	vst v63  }
0x67: {  	_ =	swait.ge [sflag:s30], $0x4000  }
0x68: {  	[sflag:s30] =	ssyncset.done $0x0  }
0x69: {  	[sflag:s30] =	ssyncadd.s32 $0xFFFFC000  }
0x6a: {  	[spmem:s2] =	stream.indirect.scatter.add.f32 [tilespmem:s25], [sflag:$0x7], $0x80, s7, s24, $0xb8;
	[tilespmem:$0x1C000] =	vst v63  }
0x6b: {  	_ =	swait.ge [sflag:s28], $0x4000  }
0x6c: {  	[sflag:s28] =	ssyncset.done $0x0  }
0x6d: {  	s13 =	sadd.s32 $0x0, s17;
	[sflag:s28] =	ssyncadd.s32 $0xFFFFC000  }
0x6e: {  	[tilespmem:s21], [sflag:$0x3] =	stream.linear.gather [hbm4b:s13+s3], $0x100, $0x38;
	[tilespmem:$0x1C000] =	vst v63  }
0x6f: {  	_ =	swait.ge [sflag:s23], $0x100  }
0x70: {  	[sflag:s23] =	ssyncset.done $0x0  }
0x71: {  	[sflag:s23] =	ssyncadd.s32 $0xFFFFFF00  }
0x72: {  	[tilespmem:s25], [sflag:$0x5] =	stream.indirect.gather [hbm4b:s4+s24], $0x80, s3, s24, $0xb8;
	[tilespmem:$0x1C000] =	vst v63  }
0x73: {  	_ =	swait.ge [sflag:s0], $0x4000  }
0x74: {  	[sflag:s0] =	ssyncset.done $0x0  }
0x75: {  	[sflag:s0] =	ssyncadd.s32 $0xFFFFC000  }
0x76: {  	[spmem:s2] =	stream.indirect.scatter.add.f32 [tilespmem:s26], [sflag:$0x7], $0x80, s8, s24, $0xb8;
	[tilespmem:$0x1C000] =	vst v63  }
0x77: {  	_ =	swait.ge [sflag:s28], $0x4000  }
0x78: {  	[sflag:s28] =	ssyncset.done $0x0  }
0x79: {  	s11 =	simm.s32 $0x80;
	s12 =	sadd.s32 $0x0, s16;
	[sflag:s28] =	ssyncadd.s32 $0xFFFFC000  }
.LBB2_4:
0x7a: {  	[tilespmem:s22], [sflag:$0x4] =	stream.linear.gather [hbm4b:s12+s3], $0x100, $0x38;
	[tilespmem:$0x1C000] =	vst v63  }
0x7b: {  	s12 =	smov.u32 s11  }
0x7c: {  	p0 =	sne.s32 s11, $0x900;
	s11 =	sadd.s32 $0x80, s11;
	_ =	swait.ge [sflag:s29], $0x100  }
0x7d: {  	[sflag:s29] =	ssyncset.done $0x0  }
0x7e: {  	[sflag:s29] =	ssyncadd.s32 $0xFFFFFF00  }
0x7f: {  	[tilespmem:s26], [sflag:$0x6] =	stream.indirect.gather [hbm4b:s4+s24], $0x80, s20, s24, $0xb8;
	[tilespmem:$0x1C000] =	vst v63  }
0x80: {  	_ =	swait.ge [sflag:s30], $0x4000  }
0x81: {  	[sflag:s30] =	ssyncset.done $0x0  }
0x82: {  	[sflag:s30] =	ssyncadd.s32 $0xFFFFC000  }
0x83: {  	[spmem:s2] =	stream.indirect.scatter.add.f32 [tilespmem:s25], [sflag:$0x7], $0x80, s24, s24, $0xb8;
	[tilespmem:$0x1C000] =	vst v63  }
0x84: {  	_ =	swait.ge [sflag:s28], $0x4000  }
0x85: {  	[sflag:s28] =	ssyncset.done $0x0  }
0x86: {  	s13 =	sadd.s32 s12, s19;
	[sflag:s28] =	ssyncadd.s32 $0xFFFFC000  }
0x87: {  	[tilespmem:s3], [sflag:$0x1] =	stream.linear.gather [hbm4b:s13+s3], $0x100, $0x38;
	[tilespmem:$0x1C000] =	vst v63  }
0x88: {  	_ =	swait.ge [sflag:s31], $0x100  }
0x89: {  	[sflag:s31] =	ssyncset.done $0x0  }
0x8a: {  	[sflag:s31] =	ssyncadd.s32 $0xFFFFFF00  }
0x8b: {  	[tilespmem:s25], [sflag:$0x5] =	stream.indirect.gather [hbm4b:s4+s24], $0x80, s21, s24, $0xb8;
	[tilespmem:$0x1C000] =	vst v63  }
0x8c: {  	_ =	swait.ge [sflag:s0], $0x4000  }
0x8d: {  	[sflag:s0] =	ssyncset.done $0x0  }
0x8e: {  	[sflag:s0] =	ssyncadd.s32 $0xFFFFC000  }
0x8f: {  	[spmem:s2] =	stream.indirect.scatter.add.f32 [tilespmem:s26], [sflag:$0x7], $0x80, s1, s24, $0xb8;
	[tilespmem:$0x1C000] =	vst v63  }
0x90: {  	_ =	swait.ge [sflag:s28], $0x4000  }
0x91: {  	[sflag:s28] =	ssyncset.done $0x0  }
0x92: {  	s13 =	sadd.s32 s12, s18;
	[sflag:s28] =	ssyncadd.s32 $0xFFFFC000  }
0x93: {  	[tilespmem:s20], [sflag:$0x2] =	stream.linear.gather [hbm4b:s13+s3], $0x100, $0x38;
	[tilespmem:$0x1C000] =	vst v63  }
0x94: {  	_ =	swait.ge [sflag:s6], $0x100  }
0x95: {  	[sflag:s6] =	ssyncset.done $0x0  }
0x96: {  	[sflag:s6] =	ssyncadd.s32 $0xFFFFFF00  }
0x97: {  	[tilespmem:s26], [sflag:$0x6] =	stream.indirect.gather [hbm4b:s4+s24], $0x80, s22, s24, $0xb8;
	[tilespmem:$0x1C000] =	vst v63  }
0x98: {  	_ =	swait.ge [sflag:s30], $0x4000  }
0x99: {  	[sflag:s30] =	ssyncset.done $0x0  }
0x9a: {  	[sflag:s30] =	ssyncadd.s32 $0xFFFFC000  }
0x9b: {  	[spmem:s2] =	stream.indirect.scatter.add.f32 [tilespmem:s25], [sflag:$0x7], $0x80, s7, s24, $0xb8;
	[tilespmem:$0x1C000] =	vst v63  }
0x9c: {  	_ =	swait.ge [sflag:s28], $0x4000  }
0x9d: {  	[sflag:s28] =	ssyncset.done $0x0  }
0x9e: {  	s13 =	sadd.s32 s12, s17;
	[sflag:s28] =	ssyncadd.s32 $0xFFFFC000  }
0x9f: {  	[tilespmem:s21], [sflag:$0x3] =	stream.linear.gather [hbm4b:s13+s3], $0x100, $0x38;
	[tilespmem:$0x1C000] =	vst v63  }
0xa0: {  	_ =	swait.ge [sflag:s23], $0x100  }
0xa1: {  	[sflag:s23] =	ssyncset.done $0x0  }
0xa2: {  	[sflag:s23] =	ssyncadd.s32 $0xFFFFFF00  }
0xa3: {  	[tilespmem:s25], [sflag:$0x5] =	stream.indirect.gather [hbm4b:s4+s24], $0x80, s3, s24, $0xb8;
	[tilespmem:$0x1C000] =	vst v63  }
0xa4: {  	_ =	swait.ge [sflag:s0], $0x4000  }
0xa5: {  	[sflag:s0] =	ssyncset.done $0x0  }
.Ltmp1:
0xa6: {  	[sflag:s0] =	ssyncadd.s32 $0xFFFFC000;
	(pc) =	sbr.rel @p0 .LBB2_4-.Ltmp1, $4  }
0xa7: {  	[spmem:s2] =	stream.indirect.scatter.add.f32 [tilespmem:s26], [sflag:$0x7], $0x80, s8, s24, $0xb8;
	[tilespmem:$0x1C000] =	vst v63  }
0xa8: {  	_ =	swait.ge [sflag:s28], $0x4000  }
0xa9: {  	[sflag:s28] =	ssyncset.done $0x0  }
0xaa: {  	s12 =	sadd.s32 s12, s16;
	[sflag:s28] =	ssyncadd.s32 $0xFFFFC000  }
0xab: {  	[tilespmem:s22], [sflag:$0x4] =	stream.linear.gather [hbm4b:s12+s3], $0x100, $0x38;
	[tilespmem:$0x1C000] =	vst v63  }
0xac: {  	_ =	swait.ge [sflag:s29], $0x100  }
0xad: {  	[sflag:s29] =	ssyncset.done $0x0  }
0xae: {  	[sflag:s29] =	ssyncadd.s32 $0xFFFFFF00  }
0xaf: {  	[tilespmem:s26], [sflag:$0x6] =	stream.indirect.gather [hbm4b:s4+s24], $0x80, s20, s24, $0xb8;
	[tilespmem:$0x1C000] =	vst v63  }
0xb0: {  	_ =	swait.ge [sflag:s30], $0x4000  }
0xb1: {  	[sflag:s30] =	ssyncset.done $0x0  }
0xb2: {  	[sflag:s30] =	ssyncadd.s32 $0xFFFFC000  }
0xb3: {  	[spmem:s2] =	stream.indirect.scatter.add.f32 [tilespmem:s25], [sflag:$0x7], $0x80, s24, s24, $0xb8;
	[tilespmem:$0x1C000] =	vst v63  }
0xb4: {  	_ =	swait.ge [sflag:s28], $0x4000  }
0xb5: {  	[sflag:s28] =	ssyncset.done $0x0  }
0xb6: {  	[sflag:s28] =	ssyncadd.s32 $0xFFFFC000  }
0xb7: {  	_ =	swait.ge [sflag:s31], $0x100  }
0xb8: {  	[sflag:s31] =	ssyncset.done $0x0  }
0xb9: {  	[sflag:s31] =	ssyncadd.s32 $0xFFFFFF00  }
0xba: {  	[tilespmem:s25], [sflag:$0x5] =	stream.indirect.gather [hbm4b:s4+s24], $0x80, s21, s24, $0xb8;
	[tilespmem:$0x1C000] =	vst v63  }
0xbb: {  	_ =	swait.ge [sflag:s0], $0x4000  }
0xbc: {  	[sflag:s0] =	ssyncset.done $0x0  }
0xbd: {  	[sflag:s0] =	ssyncadd.s32 $0xFFFFC000  }
0xbe: {  	[spmem:s2] =	stream.indirect.scatter.add.f32 [tilespmem:s26], [sflag:$0x7], $0x80, s1, s24, $0xb8;
	[tilespmem:$0x1C000] =	vst v63  }
0xbf: {  	_ =	swait.ge [sflag:s28], $0x4000  }
0xc0: {  	[sflag:s28] =	ssyncset.done $0x0  }
0xc1: {  	[sflag:s28] =	ssyncadd.s32 $0xFFFFC000  }
0xc2: {  	_ =	swait.ge [sflag:s6], $0x100  }
0xc3: {  	[sflag:s6] =	ssyncset.done $0x0  }
0xc4: {  	[sflag:s6] =	ssyncadd.s32 $0xFFFFFF00  }
0xc5: {  	[tilespmem:s26], [sflag:$0x6] =	stream.indirect.gather [hbm4b:s4+s24], $0x80, s22, s24, $0xb8;
	[tilespmem:$0x1C000] =	vst v63  }
0xc6: {  	_ =	swait.ge [sflag:s30], $0x4000  }
0xc7: {  	[sflag:s30] =	ssyncset.done $0x0  }
0xc8: {  	[sflag:s30] =	ssyncadd.s32 $0xFFFFC000  }
0xc9: {  	[spmem:s2] =	stream.indirect.scatter.add.f32 [tilespmem:s25], [sflag:$0x7], $0x80, s7, s24, $0xb8;
	[tilespmem:$0x1C000] =	vst v63  }
0xca: {  	_ =	swait.ge [sflag:s28], $0x4000  }
0xcb: {  	[sflag:s28] =	ssyncset.done $0x0  }
0xcc: {  	[sflag:s28] =	ssyncadd.s32 $0xFFFFC000  }
0xcd: {  	_ =	swait.ge [sflag:s0], $0x4000  }
0xce: {  	[sflag:s0] =	ssyncset.done $0x0  }
0xcf: {  	[sflag:s0] =	ssyncadd.s32 $0xFFFFC000  }
0xd0: {  	[spmem:s2] =	stream.indirect.scatter.add.f32 [tilespmem:s26], [sflag:$0x7], $0x80, s8, s24, $0xb8;
	[tilespmem:$0x1C000] =	vst v63  }
0xd1: {  	s11 =	stileid.u32;
	_ =	swait.ge [sflag:s28], $0x4000  }
0xd2: {  	s13 =	sshrl.u32 s9, $0x3;
	s10 =	sadd.s32 $0x1, s10;
	[sflag:s28] =	ssyncset.done $0x0  }
0xd3: {  	s11 =	sshll.u32 s11, $0x6;
	p0 =	sne.s32 s10, s15;
	[sflag:s28] =	ssyncadd.s32 $0xFFFFC000  }
.Ltmp2:
0xd4: {  	s11 =	sor.u32 $0x1C07, s11;
	[bflag:$0x0] =	sbarrier.arrive $0xFFFF;
	(pc) =	sbr.rel @p0 .LBB2_1-.Ltmp2, $4  }
0xd5: {  	[hbm:s14], [sflag:s11] =	dma.local [spmem:s13], $0x2780  }
0xd6: {  	_ =	swait.ge [sflag:s28], $0x2780  }
0xd7: {  	[sflag:s28] =	ssyncset.done $0x0  }
0xd8: {  	[sflag:s28] =	ssyncadd.s32 $0xFFFFD880  }
0xd9: {  	_ =	sfence.sel $0x180000  }
0xda: {  	[bflag:$0x0] =	sbarrier.arrive $0xFFFF  }
0xdb: {  	_ =	strace $0x9000004D  }
0xdc: {  	s0 =	stileid.u32;
	[bflag:$0x2] =	sbarrier.arrive $0xFFFF  }
0xdd: {  	p0 =	sne.s32 s0, $0x0;
	s0 =	rddreg [dreg:$0x2]  }
0xde: {  	s0 =	sadd.s32 @!p0 $0x100000, s0  }
0xdf: {  	[sflag:s0] =	ssyncadd.tile.s32 @!p0 $0x1;
	_ =	shalt  }
.Lfunc_end2:
_tile_overlayer_lowered:
.L_overlay_start_2:
0xe0: {  	(tag) =	ssettag $0x2  }
0xe1: {  	s0 =	rddreg [dreg:$0x0];
	s2 =	stileid.u32  }
0xe2: {  	s1 =	rddreg [dreg:$0x1];
	p0 =	sne.s32 s2, $0x0  }
0xe3: {  	s3 =	rddreg [dreg:$0x2];
	[bflag:$0x3] =	sbarrier.arrive $0xFFFF;
	s2 =	simm.s32 @!p0 $0x1C07  }
0xe4: {  	[timem:s3], [sflag:s2] =	dma.local @!p0 [hbm:s0], s1  }
0xe5: {  	s0 =	simm.s32 @!p0 $0x7  }
0xe6: {  	_ =	swait.ge @!p0 [sflag:s0], s1  }
0xe7: {  	s1 =	ssub.s32 @!p0 $0x0, s1;
	[sflag:s0] =	ssyncset.done @!p0 $0x0  }
0xe8: {  	[sflag:s0] =	ssyncadd.s32 @!p0 s1  }
0xe9: {  	[bflag:$0x3] =	sbarrier.arrive $0xFFFF  }
0xea: {  	_ =	shalt  }

// kernel: kernel.8.cloned.1.call-start
scs
__scs_entry_jumppad:
0x0: {  	(pc) =	sbr.rel $0x88, $3  }
0x1: {  	(tag) =	ssettag $0x0;
	lr =	simm.s32 $0x1  }
0x2: {  	[smem:$0x3F91] =	sst lr;
	_ =	strace $0xD0000000  }
0x3: {  	_ = 	snop  }
0x4: {  	_ = 	snop  }
0x5: {  	_ = 	snop  }
0x6: {  	_ = 	snop  }
0x7: {  	_ = 	snop  }
__scs_overlays_trampoline_lowered:
0x8: {  	[smem:$0x3FA0] =	sst s0  }
0x9: {  	[smem:$0x3FA1] =	sst s1  }
0xa: {  	[smem:$0x3FA2] =	sst s2  }
0xb: {  	[smem:$0x3FA3] =	sst s3  }
0xc: {  	[smem:$0x3FA4] =	sst s4  }
0xd: {  	[smem:$0x3FA5] =	sst s5  }
0xe: {  	[smem:$0x3FA6] =	sst s6  }
0xf: {  	[smem:$0x3FA7] =	sst s7  }
0x10: {  	[smem:$0x3FA8] =	sst s8  }
0x11: {  	[smem:$0x3FA9] =	sst s9;
	s0 =	simm.s32 @!p0 $0x0  }
0x12: {  	s1 =	sld [smem:$0x3F8F];
	s0 =	simm.s32 @p0 $0x1  }
0x13: {  	[smem:$0x3FAA] =	sst s0;
	s0 =	simm.s32 @!p1 $0x0  }
0x14: {  	s2 =	sld [smem:$0x3F8E];
	s0 =	simm.s32 @p1 $0x1  }
0x15: {  	[smem:$0x3FAB] =	sst s0;
	s0 =	simm.s32 @!p2 $0x0  }
0x16: {  	s3 =	sld [smem:$0x3FDB];
	s0 =	simm.s32 @p2 $0x1  }
0x17: {  	s4 =	simm.s32 $0x1BF5;
	[smem:$0x3FAD] =	sst s0  }
0x18: {  	s0 =	sld [smem:$0x3F90];
	_ =	swait.ge [sflag:s4], $0x0  }
0x19: {  	s7 =	sld [smem:$0x3F91]  }
0x1a: {  	s8 =	sadd.s32 $0xFFFFE003, lr  }
0x1b: {  	s9 =	sadd.s32 $0xFFFFFEF7, lr;
	s5 =	simm.s32 $0xFFFFFFFF;
	p2 =	slt.u32 s8, $0xFFFFF086  }
0x1c: {  	p1 =	slt.u32 s9, $0xF7A;
	s5 =	simm.s32 @!p2 $0x0  }
0x1d: {  	s5 =	simm.s32 @p1 $0x1;
	p0 =	seq.s32 s7, s2  }
0x1e: {  	s7 =	smul.u32 @!p0 $0xF7A, s2;
	p2 =	seq.s32 @!p0 s5, $0x0  }
0x1f: {  	s9 =	smul.u32 $0xF7A, s1;
	s8 =	simm.s32 @!p0 $0x1BF5;
	p2 =	por !p2, p0  }
0x20: {  	[sflag:s8] =	ssyncset.s32 @!p0 $0xFFFFF086;
	s6 =	sadd.s32 @!p0 s3, s7;
	s7 =	simm.s32 @!p0 $0x108  }
0x21: {  	s3 =	sadd.s32 s3, s9;
	s6 =	sadd.s32 @!p0 $0x88, s6;
	s7 =	simm.s32 @p2 $0x1082  }
0x22: {  	[simem:s7], [sflag:s8] =	dma.local @!p0 [hbm:s6], $0xF7A  }
0x23: {  	s9 =	sor.u32 $0xD0000000, s2;
	s6 =	simm.s32 $0x108;
	_ =	swait.ge @!p0 [sflag:s8], $0x0  }
0x24: {  	s3 =	sadd.s32 $0x88, s3;
	s6 =	simm.s32 @!p1 $0x1082;
	[sflag:s4] =	ssyncset.s32 $0xFFFFF086  }
0x25: {  	[simem:s6], [sflag:s4] =	dma.local [hbm:s3], $0xF7A  }
0x26: {  	[smem:$0x3F91] =	sst s1;
	(tag) =	ssettag s2;
	_ =	strace s9  }
0x27: {  	s1 =	sld [smem:$0x3FA1]  }
0x28: {  	s2 =	sld [smem:$0x3FA2]  }
0x29: {  	s4 =	sld [smem:$0x3FA4]  }
0x2a: {  	p0 =	seq.s32 s5, $0x0;
	s5 =	sld [smem:$0x3FA5]  }
0x2b: {  	s6 =	sld [smem:$0x3FA6]  }
0x2c: {  	s7 =	sld [smem:$0x3FA7]  }
0x2d: {  	s3 =	simm.s32 $0x108;
	s8 =	sld [smem:$0x3FA8]  }
0x2e: {  	s3 =	simm.s32 @!p0 $0x1082;
	s9 =	sld [smem:$0x3FA9]  }
0x2f: {  	lr =	sadd.s32 s0, s3;
	s0 =	sld [smem:$0x3FA0]  }
0x30: {  	s3 =	sld [smem:$0x3FA3]  }
0x31: {  	[smem:$0x3FAC] =	sst s10  }
0x32: {  	s10 =	sld [smem:$0x3FAA];
	_ =	sdelay $0x3  }
0x33: {  	p0 =	seq.s32 s10, $0x1;
	s10 =	sld [smem:$0x3FAC];
	_ =	sdelay $0x3  }
0x34: {  	[smem:$0x3FAC] =	sst s10  }
0x35: {  	s10 =	sld [smem:$0x3FAB];
	_ =	sdelay $0x3  }
0x36: {  	p1 =	seq.s32 s10, $0x1;
	s10 =	sld [smem:$0x3FAC];
	_ =	sdelay $0x3  }
0x37: {  	[smem:$0x3FAC] =	sst s10  }
0x38: {  	s10 =	sld [smem:$0x3FAD]  }
0x39: {  	_ = 	snop;
	(pc) =	sbr.ind lr, $3  }
0x3a: {  	_ = 	snop  }
0x3b: {  	_ = 	snop  }
0x3c: {  	p2 =	seq.s32 s10, $0x1;
	s10 =	sld [smem:$0x3FAC]  }
0x3d: {  	_ =	shalt  }
0x3e: {  	_ =	shalt  }
0x3f: {  	_ =	shalt  }
0x40: {  	_ =	shalt  }
0x41: {  	_ =	shalt  }
0x42: {  	_ =	shalt  }
0x43: {  	_ =	shalt  }
0x44: {  	_ =	shalt  }
0x45: {  	_ =	shalt  }
0x46: {  	_ =	shalt  }
0x47: {  	_ =	shalt  }
0x48: {  	_ =	shalt  }
0x49: {  	_ =	shalt  }
0x4a: {  	_ =	shalt  }
0x4b: {  	_ =	shalt  }
0x4c: {  	_ =	shalt  }
0x4d: {  	_ =	shalt  }
0x4e: {  	_ =	shalt  }
0x4f: {  	_ =	shalt  }
0x50: {  	_ =	shalt  }
0x51: {  	_ =	shalt  }
0x52: {  	_ =	shalt  }
0x53: {  	_ =	shalt  }
0x54: {  	_ =	shalt  }
0x55: {  	_ =	shalt  }
0x56: {  	_ =	shalt  }
0x57: {  	_ =	shalt  }
0x58: {  	_ =	shalt  }
0x59: {  	_ =	shalt  }
0x5a: {  	_ =	shalt  }
0x5b: {  	_ =	shalt  }
0x5c: {  	_ =	shalt  }
0x5d: {  	_ =	shalt  }
0x5e: {  	_ =	shalt  }
0x5f: {  	_ =	shalt  }
0x60: {  	_ =	shalt  }
0x61: {  	_ =	shalt  }
0x62: {  	_ =	shalt  }
0x63: {  	_ =	shalt  }
0x64: {  	_ =	shalt  }
0x65: {  	_ =	shalt  }
0x66: {  	_ =	shalt  }
0x67: {  	_ =	shalt  }
0x68: {  	_ =	shalt  }
0x69: {  	_ =	shalt  }
0x6a: {  	_ =	shalt  }
0x6b: {  	_ =	shalt  }
0x6c: {  	_ =	shalt  }
0x6d: {  	_ =	shalt  }
0x6e: {  	_ =	shalt  }
0x6f: {  	_ =	shalt  }
0x70: {  	_ =	shalt  }
0x71: {  	_ =	shalt  }
0x72: {  	_ =	shalt  }
0x73: {  	_ =	shalt  }
0x74: {  	_ =	shalt  }
0x75: {  	_ =	shalt  }
0x76: {  	_ =	shalt  }
0x77: {  	_ =	shalt  }
0x78: {  	_ =	shalt  }
0x79: {  	_ =	shalt  }
0x7a: {  	_ =	shalt  }
0x7b: {  	_ =	shalt  }
0x7c: {  	_ =	shalt  }
0x7d: {  	_ =	shalt  }
0x7e: {  	_ =	shalt  }
0x7f: {  	_ =	shalt  }
0x80: {  	_ =	shalt  }
0x81: {  	_ =	shalt  }
0x82: {  	_ =	shalt  }
0x83: {  	_ =	shalt  }
0x84: {  	_ =	shalt  }
0x85: {  	_ =	shalt  }
0x86: {  	_ =	shalt  }
0x87: {  	_ =	shalt  }
.Lfunc_end0:
.L_simem_size_0:
called_computation_lowered:
.L_overlay_start_0:
0x88: {  	s2 =	sld [smem:$0x3FD9]  }
0x89: {  	s3 =	sld [smem:$0x3FFE];
	_ =	sdelay $0x1  }
0x8a: {  	s1 =	srdreg.scid  }
0x8b: {  	s0 =	sand.u32 $0x1, s1  }
0x8c: {  	s16 =	sshll.u32 s0, $0xA;
	s2 =	sadd.s32 s3, s2  }
0x8d: {  	s2 =	sadd.s32 s2, s16  }
0x8e: {  	[smem:$0x3FB8] =	sst s2  }
0x8f: {  	_ = 	snop  }
0x90: {  	(tm) =	ssettm $0x1  }
0x91: {  	s17 =	sld [smem:$0x3FFB];
	_ =	sdelay $0x3  }
0x92: {  	_ =	strace s17  }
0x93: {  	s2 =	sld [smem:$0x3FFC];
	_ =	sdelay $0x3  }
0x94: {  	_ =	strace s2  }
0x95: {  	s2 =	sld [smem:$0x3FFD];
	_ =	sdelay $0x3  }
0x96: {  	_ =	strace s2  }
0x97: {  	_ =	strace $0x8FFFFFFF  }
0x98: {  	s18 =	sld [smem:$0x3FDB];
	_ =	sdelay $0x1  }
0x99: {  	s19 =	simm.s32 $_scs_section_size  }
0x9a: {  	s4 =	simm.s32 $_size__tile_overlayer_lowered;
	s5 =	simm.s32 $_tile_overlayer_lowered  }
0x9b: {  	s22 =	simm.s32 $0x1BFF;
	s21 =	sshll.u32 s5, $0x1;
	s2 =	sadd.s32 s19, s18  }
0x9c: {  	s6 =	simm.s32 $0x0;
	s20 =	sshll.u32 s4, $0x1;
	s4 =	sadd.s32 s21, s2  }
0x9d: {  	[timem:s6], [sflag:s22] =	dma.local [hbm:s4], s20  }
0x9e: {  	_ =	swait.ge [sflag:s22], s20  }
0x9f: {  	s3 =	ssub.s32 $0x0, s20;
	[sflag:s22] =	ssyncset.done $0x0  }
0xa0: {  	[sflag:s22] =	ssyncadd.s32 s3;
	_ =	sdelay $0x1  }
0xa1: {  	s23 =	simm.s32 $0x1B8B  }
0xa2: {  	_ =	swait.ge [sflag:s23], $0x1  }
0xa3: {  	[sflag:s23] =	ssyncset.done $0x0  }
0xa4: {  	s25 =	simm.s32 $0x1B8E;
	s24 =	sld [smem:$0x3FFE];
	[sflag:s23] =	ssyncadd.s32 $0xFFFFFFFF  }
0xa5: {  	s26 =	simm.s32 $execute0_lowered;
	[smem:$0x3FD2] =	sst s25  }
0xa6: {  	s4 =	sshll.u32 s26, $0x1;
	_ =	strace $0x80000046;
	[dreg:$0x1] =	wrdreg $0xFFFFFFFF  }
0xa7: {  	s28 =	simm.s32 $_size_execute0_lowered;
	s2 =	sadd.s32 s2, s4;
	[dreg:$0x0] =	wrdreg $0x0  }
0xa8: {  	s4 =	sshll.u32 s28, $0x1;
	[dreg:$0x2] =	wrdreg s2  }
0xa9: {  	[dreg:$0x3] =	wrdreg s4  }
0xaa: {  	[dreg:$0x4] =	wrdreg $0xC0  }
0xab: {  	_ =	task [dreg:s6], $0x5FFFF  }
0xac: {  	[dreg:$0x1] =	wrdreg $0xFFFFFFFF  }
0xad: {  	[dreg:$0x0] =	wrdreg $0x60  }
0xae: {  	[dreg:$0x2] =	wrdreg s24  }
0xaf: {  	[dreg:$0x3] =	wrdreg $0x29000  }
0xb0: {  	[dreg:$0x4] =	wrdreg $0x9  }
0xb1: {  	_ =	task.clear_ibuf [dreg:s6], $0x5FFFF;
	_ =	strace $0x90000046  }
0xb2: {  	s29 =	simm.s32 $0x9;
	_ =	strace $0x80000048  }
0xb3: {  	_ =	swait.ge [sflag:s29], $0x1  }
0xb4: {  	[sflag:s29] =	ssyncadd.s32 $0xFFFFFFFF  }
0xb5: {  	_ =	strace $0x90000048  }
0xb6: {  	_ =	sfence  }
0xb7: {  	s30 =	sld [smem:$0x0];
	_ =	sdelay $0x2  }
0xb8: {  	s31 =	sshll.u32 s1, $0xD;
	s1 =	sshrl.u32 s1, $0x2  }
0xb9: {  	s3 =	sand.u32 $0x4000, s31;
	s1 =	sadd.s32 s1, s30  }
0xba: {  	s0 =	sor.u32 s3, s0;
	s1 =	sshll.u32 s1, $0x11  }
0xbb: {  	s0 =	sor.u32 s1, s0  }
0xbc: {  	s0 =	sadd.s32 $0x8F2B, s0  }
0xbd: {  	[sflag:s0] =	ssyncadd.remote.s32 $0x1  }
0xbe: {  	_ =	sfence.sel $0xFFFF  }
0xbf: {  	[dreg:$0x0] =	wrdreg $0xFFFFFFFF;
	(pc) =	sbr.abs _section_cstart, $3  }
0xc0: {  	[dreg:$0x1] =	wrdreg $0xFFFFFFFF  }
0xc1: {  	_ =	task.clear_ibuf [dreg:s6], $0x2FFFF;
	_ =	strace $0x9FFFFFFF  }
0xc2: {  	(tm) =	ssettm $0x7FFFFFFF  }
0xc3: {  	_ =	shalt  }
tec
execute0_lowered:
.L_overlay_start_1:
0x0: {  	(tag) =	ssettag $0x1  }
0x1: {  	s5 =	rddreg [dreg:$0x0]  }
0x2: {  	s0 =	srdreg.scid;
	s2 =	rddreg [dreg:$0x1]  }
0x3: {  	s3 =	simm.s32 $0x0;
	s12 =	simm.s32 $0x2;
	s13 =	simm.s32 $0x2880  }
0x4: {  	s14 =	simm.s32 $0x80;
	s15 =	simm.s32 $0x2800;
	s16 =	simm.s32 $0x1  }
0x5: {  	s19 =	simm.s32 $0x20;
	s20 =	simm.s32 $0x10;
	s21 =	simm.s32 $0x0  }
0x6: {  	s4 =	sand.u32 $0x1, s0;
	s0 =	stileid.u32;
	[smem:$0x7FF] =	sst s3  }
0x7: {  	s1 =	sshll.u32 s4, $0x4;
	s7 =	smul.u32 $0x500, s0;
	s8 =	sshll.u32 s4, $0x7  }
0x8: {  	s9 =	smul.u32 $0xA00, s0;
	s4 =	ssub.s32 $0x2, s4;
	s17 =	sshll.u32 s0, $0x6  }
0x9: {  	s6 =	sor.u32 s0, s1;
	s1 =	rddreg [dreg:$0x2];
	_ =	strace $0x80000047  }
0xa: {  	s31 =	sshrl.u32 s4, $0x1;
	s17 =	sor.u32 $0x1C02, s17;
	s6 =	smul.u32 $0x500, s6  }
0xb: {  	s7 =	sor.u32 s8, s7;
	s9 =	sshrl.u32 s9, $0x2;
	s11 =	ssub.s32 s4, s31  }
0xc: {  	s7 =	sshrl.u32 s7, $0x3;
	s4 =	sadd.s32 s9, s2;
	s11 =	smax.u32 s11, $0x1  }
0xd: {  	s6 =	sadd.s32 s6, s5;
	s10 =	sadd.s32 s7, s5;
	s7 =	sadd.s32 $0x100, s4  }
0xe: {  	s8 =	sadd.s32 $0x180, s4;
	s9 =	sadd.s32 $0x200, s4;
	s18 =	sshrl.u32 s4, $0x3  }
0xf: {  	v0 =	vimm.f32 $1.000000000e+00;
	v1 =	vimm.f32 $0.0e+00;
	s5 =	sadd.s32 $0x3C00, s6;
	s6 =	sadd.s32 $0x80, s4;
	s10 =	sadd.s32 $0xDC00, s10  }
.LBB2_1:
0x10: {  	[tilespmem:s3], [sflag:$0x2] =	stream.linear.gather [hbm4b:s5+s3], $0x2800, $0x38;
	[tilespmem:$0x2B80] =	vst v63  }
0x11: {  	_ =	swait.ge [sflag:s12], $0x2800  }
0x12: {  	[sflag:s12] =	ssyncset.done $0x0  }
0x13: {  	[sflag:s12] =	ssyncadd.s32 $0xFFFFD800  }
0x14: {  	[tilespmem:$0x2800] =	vst v0  }
0x15: {  	[tilespmem:$0x2810] =	vst v0  }
0x16: {  	[tilespmem:$0x2820] =	vst v0  }
0x17: {  	[tilespmem:$0x2830] =	vst v0  }
0x18: {  	[tilespmem:$0x2840] =	vst v0  }
0x19: {  	[tilespmem:$0x2850] =	vst v0  }
0x1a: {  	[tilespmem:$0x2860] =	vst v0  }
0x1b: {  	[tilespmem:$0x2870] =	vst v0  }
0x1c: {  	[tilespmem:$0x2880] =	vst v1  }
0x1d: {  	[tilespmem:$0x2890] =	vst v1  }
0x1e: {  	[tilespmem:$0x28A0] =	vst v1  }
0x1f: {  	[tilespmem:$0x28B0] =	vst v1  }
0x20: {  	[tilespmem:$0x28C0] =	vst v1  }
0x21: {  	[tilespmem:$0x28D0] =	vst v1  }
0x22: {  	[tilespmem:$0x28E0] =	vst v1  }
0x23: {  	[tilespmem:$0x28F0] =	vst v1  }
0x24: {  	[spmem:s4] =	stream.linear.scatter [tilespmem:s13], [sflag:$0x2], $0x80, $0x38;
	[tilespmem:$0x2B80] =	vst v63  }
0x25: {  	_ =	swait.ge [sflag:s12], $0x80  }
0x26: {  	[sflag:s12] =	ssyncset.done $0x0  }
0x27: {  	[sflag:s12] =	ssyncadd.s32 $0xFFFFFF80  }
0x28: {  	[spmem:s6] =	stream.linear.scatter [tilespmem:s13], [sflag:$0x2], $0x80, $0x38;
	[tilespmem:$0x2B80] =	vst v63  }
0x29: {  	_ =	swait.ge [sflag:s12], $0x80  }
0x2a: {  	[sflag:s12] =	ssyncset.done $0x0  }
0x2b: {  	[sflag:s12] =	ssyncadd.s32 $0xFFFFFF80  }
0x2c: {  	[spmem:s7] =	stream.linear.scatter [tilespmem:s13], [sflag:$0x2], $0x80, $0x38;
	[tilespmem:$0x2B80] =	vst v63  }
0x2d: {  	_ =	swait.ge [sflag:s12], $0x80  }
0x2e: {  	[sflag:s12] =	ssyncset.done $0x0  }
0x2f: {  	[sflag:s12] =	ssyncadd.s32 $0xFFFFFF80  }
0x30: {  	[spmem:s8] =	stream.linear.scatter [tilespmem:s13], [sflag:$0x2], $0x80, $0x38;
	[tilespmem:$0x2B80] =	vst v63  }
0x31: {  	_ =	swait.ge [sflag:s12], $0x80  }
0x32: {  	[sflag:s12] =	ssyncset.done $0x0  }
0x33: {  	[sflag:s12] =	ssyncadd.s32 $0xFFFFFF80  }
0x34: {  	[spmem:s9] =	stream.linear.scatter [tilespmem:s13], [sflag:$0x2], $0x80, $0x38;
	[tilespmem:$0x2B80] =	vst v63  }
0x35: {  	_ =	swait.ge [sflag:s12], $0x80  }
0x36: {  	[sflag:s12] =	ssyncset.done $0x0  }
0x37: {  	[sflag:s12] =	ssyncadd.s32 $0xFFFFFF80  }
0x38: {  	s22 =	simm.s32 $0x0;
	[bflag:$0x0] =	sbarrier.arrive $0xFFFF  }
.LBB2_2:
0x39: {  	p0 =	sne.s32 s22, $0x9E00  }
.Ltmp0:
0x3a: {  	_ = 	snop;
	(pc) =	sbr.rel @p0 .LBB2_2-.Ltmp0, $3  }
0x3b: {  	_ =	sdelay $0x1  }
0x3c: {  	s23 =	sshra.s32 s22, $0x2;
	s22 =	sadd.s32 $0x200, s22  }
0x3d: {  	[spmem:s2] =	stream.indirect.scatter.add.f32 [tilespmem:s15], [sflag:$0x1], $0x1, s23, s14, $0xb8;
	[tilespmem:$0x2B80] =	vst v63  }
0x3e: {  	_ =	swait.ge [sflag:s16], $0x80  }
0x3f: {  	s22 =	simm.s32 $0x4F;
	[sflag:s16] =	ssyncset.done $0x0  }
.LBB2_4:
0x40: {  	p0 =	sne.s32 s22, $0x1;
	s22 =	sadd.s32 $0xFFFFFFFF, s22;
	[sflag:s16] =	ssyncadd.s32 $0xFFFFFF80  }
.Ltmp1:
0x41: {  	(pc) =	sbr.rel @p0 .LBB2_4-.Ltmp1, $3  }
0x42: {  	_ =	sdelay $0x1  }
0x43: {  	_ =	swait.ge [sflag:s16], $0x80  }
0x44: {  	[sflag:s16] =	ssyncset.done $0x0  }
0x45: {  	s21 =	sadd.s32 $0x1, s21  }
0x46: {  	[sflag:s16] =	ssyncadd.s32 $0xFFFFFF80;
	p0 =	sne.s32 s21, s11  }
.Ltmp2:
0x47: {  	[bflag:$0x0] =	sbarrier.arrive $0xFFFF;
	(pc) =	sbr.rel @p0 .LBB2_1-.Ltmp2, $4  }
0x48: {  	[hbm:s10@s19], [sflag:s17] =	dma.strided [spmem:s18@s20], $0x50, s16, $0x10   }
0x49: {  	_ =	swait.ge [sflag:s12], $0x50  }
0x4a: {  	[sflag:s12] =	ssyncset.done $0x0  }
0x4b: {  	[sflag:s12] =	ssyncadd.s32 $0xFFFFFFB0  }
0x4c: {  	_ =	sfence.sel $0x180000  }
0x4d: {  	[bflag:$0x0] =	sbarrier.arrive $0xFFFF  }
0x4e: {  	p0 =	sne.s32 s0, $0x0;
	_ =	strace $0x90000047  }
0x4f: {  	s0 =	sadd.s32 @!p0 $0x100000, s1;
	[bflag:$0x2] =	sbarrier.arrive $0xFFFF  }
0x50: {  	[sflag:s0] =	ssyncadd.tile.s32 @!p0 $0x1;
	_ =	shalt  }
.Lfunc_end2:
_tile_overlayer_lowered:
.L_overlay_start_2:
0x51: {  	(tag) =	ssettag $0x2  }
0x52: {  	s0 =	rddreg [dreg:$0x0];
	s2 =	stileid.u32  }
0x53: {  	s1 =	rddreg [dreg:$0x1];
	p0 =	sne.s32 s2, $0x0  }
0x54: {  	s3 =	rddreg [dreg:$0x2];
	[bflag:$0x3] =	sbarrier.arrive $0xFFFF;
	s2 =	simm.s32 @!p0 $0x1C02  }
0x55: {  	[timem:s3], [sflag:s2] =	dma.local @!p0 [hbm:s0], s1  }
0x56: {  	s0 =	simm.s32 @!p0 $0x2  }
0x57: {  	_ =	swait.ge @!p0 [sflag:s0], s1  }
0x58: {  	s1 =	ssub.s32 @!p0 $0x0, s1;
	[sflag:s0] =	ssyncset.done @!p0 $0x0  }
0x59: {  	[sflag:s0] =	ssyncadd.s32 @!p0 s1  }
0x5a: {  	[bflag:$0x3] =	sbarrier.arrive $0xFFFF  }
0x5b: {  	_ =	shalt  }

</sc_bundles>
